<compile_context>
chip_gen: v7x
topology: tpu7x:2x2x1
jax: 0.10.2.dev20260603
libtpu: 0.0.44.dev20260713+nightly
codegen_flags: <defaults>
</compile_context>

<pallas_src>
import functools

import jax
import jax.numpy as jnp
from jax import lax
from jax.experimental import pallas as pl
from jax.experimental.pallas import tpu as pltpu
from jax.experimental.pallas import tpu_sc as plsc

NC = 2
NS = 16
NW = NC * NS
CHUNK = 80
DEGW = 16


def _sc_mesh():
    return plsc.VectorSubcoreMesh(
        core_axis_name="c", subcore_axis_name="s", num_cores=NC, num_subcores=NS)


_NBUF = 6
_LEAD = _NBUF - 2


def _sc_degree(ei4, n_nodes):
    nch = ei4.shape[3]
    ones = jnp.ones((CHUNK, DEGW), jnp.float32)
    zeros = jnp.zeros((n_nodes, DEGW), jnp.float32)

    @functools.partial(
        pl.kernel,
        mesh=_sc_mesh(),
        out_type=jax.ShapeDtypeStruct((NC, n_nodes, DEGW), jnp.float32),
        scratch_types=[
            pltpu.VMEM((nch, CHUNK), jnp.int32),
            pltpu.VMEM((CHUNK, DEGW), jnp.float32),
            pltpu.VMEM_SHARED((n_nodes, DEGW), jnp.float32),
            pltpu.SemaphoreType.DMA,
        ],
        compiler_params=pltpu.CompilerParams(use_tc_tiling_on_sc=False),
    )
    def deg_kernel(ei_hbm, ones_hbm, zeros_hbm, out_hbm, idx_v, ones_v, acc_sh,
                   sem):
        c = lax.axis_index("c")
        s = lax.axis_index("s")

        @pl.when(s == 0)
        def _zero():
            pltpu.sync_copy(zeros_hbm, acc_sh)

        pltpu.sync_copy(ei_hbm.at[1, c, s], idx_v)
        pltpu.sync_copy(ones_hbm, ones_v)
        plsc.subcore_barrier()

        lag = 2 * _NBUF

        def wait_one():
            pltpu.make_async_copy(ones_v, acc_sh.at[idx_v.at[0]], sem).wait()

        def body(k, carry):
            pltpu.async_copy(ones_v, acc_sh.at[idx_v.at[k]], sem, add=True)

            @pl.when(k >= lag)
            def _():
                wait_one()

            return carry

        lax.fori_loop(0, nch, body, 0)
        for _ in range(lag):
            wait_one()
        plsc.subcore_barrier()

        @pl.when(s == 0)
        def _out():
            pltpu.sync_copy(acc_sh, out_hbm.at[c])

    return deg_kernel(ei4, ones, zeros)


def _sc_aggregate(table, ei4, srcp4, n_nodes, feat_mode):
    feat = table.shape[1]
    nh = ei4.shape[3]
    nch = 2 * nh if feat_mode else nh
    zeros = jnp.zeros((n_nodes, feat), jnp.float32)

    @functools.partial(
        pl.kernel,
        mesh=_sc_mesh(),
        out_type=jax.ShapeDtypeStruct((NC, n_nodes, feat), jnp.float32),
        scratch_types=[
            pltpu.VMEM((nch, CHUNK), jnp.int32),
            pltpu.VMEM((nch, CHUNK), jnp.int32),
            pltpu.VMEM((_NBUF, CHUNK, feat), jnp.float32),
            pltpu.VMEM_SHARED((n_nodes, feat), jnp.float32),
            [pltpu.SemaphoreType.DMA] * _NBUF,
            [pltpu.SemaphoreType.DMA] * _NBUF,
        ],
        compiler_params=pltpu.CompilerParams(use_tc_tiling_on_sc=False),
    )
    def agg_kernel(g_hbm, ei_hbm, srcp_hbm, zeros_hbm,
                   out_hbm, src_v, dst_v, rows_v, acc_sh, sem_g, sem_s):
        c = lax.axis_index("c")
        s = lax.axis_index("s")

        @pl.when(s == 0)
        def _zero():
            pltpu.sync_copy(zeros_hbm, acc_sh)

        if feat_mode:
            @pl.when(c == 0)
            def _load_src0():
                pltpu.sync_copy(ei_hbm.at[0, 0, s], src_v.at[pl.ds(0, nh)])
                pltpu.sync_copy(ei_hbm.at[0, 1, s], src_v.at[pl.ds(nh, nh)])

            @pl.when(c == 1)
            def _load_src1():
                pltpu.sync_copy(srcp_hbm.at[0, s], src_v.at[pl.ds(0, nh)])
                pltpu.sync_copy(srcp_hbm.at[1, s], src_v.at[pl.ds(nh, nh)])

            pltpu.sync_copy(ei_hbm.at[1, 0, s], dst_v.at[pl.ds(0, nh)])
            pltpu.sync_copy(ei_hbm.at[1, 1, s], dst_v.at[pl.ds(nh, nh)])
        else:
            pltpu.sync_copy(ei_hbm.at[0, c, s], src_v)
            pltpu.sync_copy(ei_hbm.at[1, c, s], dst_v)

        plsc.subcore_barrier()

        def start_gather(k, b):
            pltpu.async_copy(g_hbm.at[src_v.at[k]], rows_v.at[b], sem_g[b])

        def wait_gather(k, b):
            pltpu.make_async_copy(
                g_hbm.at[src_v.at[k]], rows_v.at[b], sem_g[b]).wait()

        def start_scatter(k, b):
            pltpu.async_copy(rows_v.at[b], acc_sh.at[dst_v.at[k]], sem_s[b],
                             add=True)

        def wait_scatter(k, b):
            pltpu.make_async_copy(
                rows_v.at[b], acc_sh.at[dst_v.at[k]], sem_s[b]).wait()

        for b in range(_LEAD):
            start_gather(b, b)

        def body(k, carry):
            for b in range(_NBUF):
                @pl.when(k % _NBUF == b)
                def _():
                    bp = (b + _LEAD) % _NBUF

                    @pl.when(k + _LEAD < nch)
                    def _():
                        @pl.when(k >= _NBUF - _LEAD)
                        def _():
                            wait_scatter(k - (_NBUF - _LEAD), bp)
                        start_gather(k + _LEAD, bp)

                    wait_gather(k, b)
                    start_scatter(k, b)
            return carry

        lax.fori_loop(0, nch, body, 0)
        for b in range(_NBUF):
            wait_scatter(0, b)
        plsc.subcore_barrier()

        @pl.when(s == 0)
        def _out():
            pltpu.sync_copy(acc_sh, out_hbm.at[c])

    return agg_kernel(table, ei4, srcp4, zeros)


_BN = 2000


def _dinv_from_partials(degp_block):
    deg = degp_block[0, :, 0] + degp_block[1, :, 0] + 1.0
    return lax.rsqrt(deg)


def _tc_matmul(x, w):
    n, din = x.shape
    dh = w.shape[1]

    def body(x_ref, w_ref, h_ref):
        h_ref[...] = jnp.dot(x_ref[...], w_ref[...],
                             preferred_element_type=jnp.float32)

    return pl.pallas_call(
        body,
        grid=(n // _BN,),
        in_specs=[
            pl.BlockSpec((_BN, din), lambda i: (i, 0)),
            pl.BlockSpec((din, dh), lambda i: (0, 0)),
        ],
        out_specs=pl.BlockSpec((_BN, dh), lambda i: (i, 0)),
        out_shape=jax.ShapeDtypeStruct((n, dh), jnp.float32),
    )(x, w)


def _tc_scale(h, degp):
    n, dh = h.shape
    f2 = dh // 2

    def body(h_ref, degp_ref, g_ref):
        dinv = _dinv_from_partials(degp_ref[...])
        g = h_ref[...] * dinv[:, None]
        g_ref[0] = g[:, :f2]
        g_ref[1] = g[:, f2:]

    return pl.pallas_call(
        body,
        grid=(n // _BN,),
        in_specs=[
            pl.BlockSpec((_BN, dh), lambda i: (i, 0)),
            pl.BlockSpec((NC, _BN, DEGW), lambda i: (0, i, 0)),
        ],
        out_specs=pl.BlockSpec((NC, _BN, f2), lambda i: (0, i, 0)),
        out_shape=jax.ShapeDtypeStruct((NC, n, f2), jnp.float32),
    )(h, degp)


def _tc_mid(acc1p, g1s, degp, b1, w2):
    _, n, f2 = g1s.shape
    dh = 2 * f2
    dout = w2.shape[1]

    def body(acc_ref, g1_ref, degp_ref, b1_ref, w2_ref, g2_ref):
        dinv = _dinv_from_partials(degp_ref[...])
        acc = acc_ref[...]
        g1 = g1_ref[...]
        s = jnp.concatenate([acc[0] + g1[0], acc[1] + g1[1]], axis=1)
        h = jnp.maximum(s * dinv[:, None] + b1_ref[...][None, :], 0.0)
        g2 = jnp.dot(h, w2_ref[...], preferred_element_type=jnp.float32)
        g2_ref[...] = g2 * dinv[:, None]

    return pl.pallas_call(
        body,
        grid=(n // _BN,),
        in_specs=[
            pl.BlockSpec((NC, _BN, f2), lambda i: (0, i, 0)),
            pl.BlockSpec((NC, _BN, f2), lambda i: (0, i, 0)),
            pl.BlockSpec((NC, _BN, DEGW), lambda i: (0, i, 0)),
            pl.BlockSpec((dh,), lambda i: (0,)),
            pl.BlockSpec((dh, dout), lambda i: (0, 0)),
        ],
        out_specs=pl.BlockSpec((_BN, dout), lambda i: (i, 0)),
        out_shape=jax.ShapeDtypeStruct((n, dout), jnp.float32),
    )(acc1p, g1s, degp, b1, w2)


def _tc_final(acc2p, g2, degp, b2):
    n, dout = g2.shape

    def body(acc_ref, g2_ref, degp_ref, b2_ref, logits_ref, preds_ref, z_ref):
        dinv = _dinv_from_partials(degp_ref[...])
        acc = acc_ref[...]
        z = (acc[0] + acc[1] + g2_ref[...]) * dinv[:, None] + b2_ref[...][None, :]
        m = jnp.max(z, axis=1, keepdims=True)
        ez = jnp.exp(z - m)
        logits = ez / jnp.sum(ez, axis=1, keepdims=True)
        ids = lax.broadcasted_iota(jnp.int32, z.shape, 1)
        cand = jnp.where(z == m, ids, dout)
        z_ref[...] = z
        logits_ref[...] = logits
        preds_ref[...] = jnp.min(cand, axis=1, keepdims=True)

    return pl.pallas_call(
        body,
        grid=(n // _BN,),
        in_specs=[
            pl.BlockSpec((NC, _BN, dout), lambda i: (0, i, 0)),
            pl.BlockSpec((_BN, dout), lambda i: (i, 0)),
            pl.BlockSpec((NC, _BN, DEGW), lambda i: (0, i, 0)),
            pl.BlockSpec((dout,), lambda i: (0,)),
        ],
        out_specs=[
            pl.BlockSpec((_BN, dout), lambda i: (i, 0)),
            pl.BlockSpec((_BN, 1), lambda i: (i, 0)),
            pl.BlockSpec((_BN, dout), lambda i: (i, 0)),
        ],
        out_shape=[
            jax.ShapeDtypeStruct((n, dout), jnp.float32),
            jax.ShapeDtypeStruct((n, 1), jnp.int32),
            jax.ShapeDtypeStruct((n, dout), jnp.float32),
        ],
    )(acc2p, g2, degp, b2)


def kernel(x, edge_index, W1, b1, W2, b2):
    n = x.shape[0]
    e = edge_index.shape[1]
    nh = e // NW // CHUNK
    ei = edge_index.astype(jnp.int32)
    ei4 = ei.reshape(2, NC, NS, nh, CHUNK)
    srcp4 = (ei[0] + n).reshape(NC, NS, nh, CHUNK)

    degp = _sc_degree(ei4, n)
    h1 = _tc_matmul(x, W1)
    g1s = _tc_scale(h1, degp)
    acc1 = _sc_aggregate(g1s.reshape(NC * n, -1), ei4, srcp4, n, True)
    g2 = _tc_mid(acc1, g1s, degp, b1, W2)
    acc2 = _sc_aggregate(g2, ei4, srcp4, n, False)
    logits, preds, z = _tc_final(acc2, g2, degp, b2)
    return (logits, preds.reshape(n), z)

# --- scband reference (transcript-rebuilt; emitter-appended) ---
"""Pipeline reference for scband-gcn2-57174604644562 (READ-ONLY COPY).

The authoritative reference and input builder live on the scoring server;
editing this copy changes nothing except your own understanding.
"""

import jax, jax.numpy as jnp
import numpy as np


def gcn_conv(x, edge_index, W, b):
    # Faithful PyG GCNConv: add self-loops, symmetric deg^{-1/2} A deg^{-1/2} normalization,
    # linear transform + scatter-add aggregation + bias.
    N = x.shape[0]
    loop = jnp.arange(N, dtype=edge_index.dtype)
    src = jnp.concatenate([edge_index[0], loop])
    dst = jnp.concatenate([edge_index[1], loop])
    deg = jnp.zeros((N,), x.dtype).at[dst].add(jnp.ones_like(dst, dtype=x.dtype))
    deg_inv_sqrt = jnp.where(deg > 0, 1.0 / jnp.sqrt(jnp.where(deg > 0, deg, 1.0)), 0.0)
    norm = deg_inv_sqrt[src] * deg_inv_sqrt[dst]
    h = x @ W
    msg = h[src] * norm[:, None]
    out = jnp.zeros((N, W.shape[1]), x.dtype).at[dst].add(msg)
    return out + b


def setup_inputs(seed: int = 0) -> dict:
    key = jax.random.key(seed)
    k1, k2, k3, k4, k5, k6 = jax.random.split(key, 6)
    N, E = 10000, 320000
    din, dh, dout = 128, 128, 64
    x = jax.random.normal(k1, (N, din), dtype=jnp.float32)
    edge_index = jax.random.randint(k2, (2, E), 0, N)
    W1 = jax.random.normal(k3, (din, dh), dtype=jnp.float32) * (1.0 / np.sqrt(din))
    b1 = jnp.zeros((dh,), dtype=jnp.float32)
    W2 = jax.random.normal(k4, (dh, dout), dtype=jnp.float32) * (1.0 / np.sqrt(dh))
    b2 = jnp.zeros((dout,), dtype=jnp.float32)
    return {"x": x, "edge_index": edge_index, "W1": W1, "b1": b1, "W2": W2, "b2": b2}


def reference(x, edge_index, W1, b1, W2, b2):
    h = gcn_conv(x, edge_index, W1, b1)
    h = jax.nn.relu(h)
    # dropout is identity in eval mode (F.dropout with training=False)
    z = gcn_conv(h, edge_index, W2, b2)
    logits = jax.nn.softmax(z, axis=1)
    preds = jnp.argmax(logits, axis=1)
    return (logits, preds, z)

if __name__ == "__main__":
    import jax
    _d = setup_inputs()
    print(jax.jit(kernel)(*tuple(_d.values())))

</pallas_src>

<mosaic_0001>
#map = affine_map<(d0, d1) -> (0, 0, 0, 0, 0)>
#map1 = affine_map<(d0, d1) -> (0, 0)>
#map2 = affine_map<(d0, d1) -> (0, 0, 0)>
module attributes {stable_mosaic.version = 14 : i64} {
  func.func @deg_kernel(%arg0: i32, %arg1: i32, %arg2: memref<2x2x16x125x80xi32, #tpu.memory_space<hbm>>, %arg3: memref<80x16xf32, #tpu.memory_space<hbm>>, %arg4: memref<10000x16xf32, #tpu.memory_space<hbm>>, %arg5: memref<2x10000x16xf32, #tpu.memory_space<hbm>>, %arg6: memref<125x80xi32, #tpu.memory_space<vmem>>, %arg7: memref<80x16xf32, #tpu.memory_space<vmem>>, %arg8: memref<10000x16xf32, #tpu.memory_space<vmem_shared>>, %arg9: memref<!tpu.dma_semaphore, #tpu.memory_space<semaphore_mem>>) attributes {dimension_semantics = [#tpu.dimension_semantics<core_parallel>, #tpu.dimension_semantics<subcore_parallel>], iteration_bounds = array<i64: 2, 16>, scalar_prefetch = 0 : i64, scratch_operands = 4 : i64, tpu.core_type = #tpu.core_type<sc_vector_subcore>, window_params = [{transform_indices = #map}, {transform_indices = #map1}, {transform_indices = #map1}, {transform_indices = #map2}]} {
    %eq3A = arith.constant 0 : i32
    %eq3A_0 = arith.cmpi eq, %arg1, %eq3A : i32
    %convert_element_type3A = arith.extui %eq3A_0 : i1 to i32
    %cond3A = arith.constant 0 : i32
    %cond3A_1 = arith.cmpi ne, %convert_element_type3A, %cond3A : i32
    scf.if %cond3A_1 {
      "tpu.region"() ({
        %run_scoped3A_96 = tpu.sem_alloc : memref<!tpu.dma_semaphore, #tpu.memory_space<semaphore_mem>>
        tpu.enqueue_dma source(%arg4 : memref<10000x16xf32, #tpu.memory_space<hbm>>) target(%arg8 : memref<10000x16xf32, #tpu.memory_space<vmem_shared>>) target_semaphore(%run_scoped3A_96 : memref<!tpu.dma_semaphore, #tpu.memory_space<semaphore_mem>>)
        tpu.wait_dma2 semaphore(%run_scoped3A_96 : memref<!tpu.dma_semaphore, #tpu.memory_space<semaphore_mem>>) src(%arg4 : memref<10000x16xf32, #tpu.memory_space<hbm>>) dst(%arg8 : memref<10000x16xf32, #tpu.memory_space<vmem_shared>>)
        tpu.yield
      }) : () -> ()
    } else {
    }
    %run_scoped3A = arith.constant 1 : i32
    "tpu.region"() ({
      %run_scoped3A_96 = tpu.sem_alloc : memref<!tpu.dma_semaphore, #tpu.memory_space<semaphore_mem>>
      %dma_start3A = arith.constant 0 : i32
      %dma_start3A_97 = arith.constant 0 : i32
      %dma_start3A_98 = tpu.memref_slice %arg2[%run_scoped3A, %arg0, %arg1, %dma_start3A, %dma_start3A_97] : memref<2x2x16x125x80xi32, #tpu.memory_space<hbm>> -> memref<1x1x1x125x80xi32, #tpu.memory_space<hbm>>
      %dma_start3A_99 = tpu.memref_squeeze %dma_start3A_98 : memref<1x1x1x125x80xi32, #tpu.memory_space<hbm>> -> memref<125x80xi32, #tpu.memory_space<hbm>>
      %dma_start3A_100 = arith.constant 0 : i32
      %dma_start3A_101 = arith.constant 0 : i32
      %dma_start3A_102 = tpu.memref_slice %arg2[%run_scoped3A, %arg0, %arg1, %dma_start3A_100, %dma_start3A_101] : memref<2x2x16x125x80xi32, #tpu.memory_space<hbm>> -> memref<1x1x1x125x80xi32, #tpu.memory_space<hbm>>
      %dma_start3A_103 = tpu.memref_squeeze %dma_start3A_102 : memref<1x1x1x125x80xi32, #tpu.memory_space<hbm>> -> memref<125x80xi32, #tpu.memory_space<hbm>>
      tpu.enqueue_dma source(%dma_start3A_103 : memref<125x80xi32, #tpu.memory_space<hbm>>) target(%arg6 : memref<125x80xi32, #tpu.memory_space<vmem>>) target_semaphore(%run_scoped3A_96 : memref<!tpu.dma_semaphore, #tpu.memory_space<semaphore_mem>>)
      %dma_wait3A_104 = arith.constant 0 : i32
      %dma_wait3A_105 = arith.constant 0 : i32
      %dma_wait3A_106 = tpu.memref_slice %arg2[%run_scoped3A, %arg0, %arg1, %dma_wait3A_104, %dma_wait3A_105] : memref<2x2x16x125x80xi32, #tpu.memory_space<hbm>> -> memref<1x1x1x125x80xi32, #tpu.memory_space<hbm>>
      %dma_wait3A_107 = tpu.memref_squeeze %dma_wait3A_106 : memref<1x1x1x125x80xi32, #tpu.memory_space<hbm>> -> memref<125x80xi32, #tpu.memory_space<hbm>>
      %dma_wait3A_108 = arith.constant 0 : i32
      %dma_wait3A_109 = arith.constant 0 : i32
      %dma_wait3A_110 = tpu.memref_slice %arg2[%run_scoped3A, %arg0, %arg1, %dma_wait3A_108, %dma_wait3A_109] : memref<2x2x16x125x80xi32, #tpu.memory_space<hbm>> -> memref<1x1x1x125x80xi32, #tpu.memory_space<hbm>>
      %dma_wait3A_111 = tpu.memref_squeeze %dma_wait3A_110 : memref<1x1x1x125x80xi32, #tpu.memory_space<hbm>> -> memref<125x80xi32, #tpu.memory_space<hbm>>
      tpu.wait_dma2 semaphore(%run_scoped3A_96 : memref<!tpu.dma_semaphore, #tpu.memory_space<semaphore_mem>>) src(%dma_wait3A_111 : memref<125x80xi32, #tpu.memory_space<hbm>>) dst(%arg6 : memref<125x80xi32, #tpu.memory_space<vmem>>)
      tpu.yield
    }) : () -> ()
    "tpu.region"() ({
      %run_scoped3A_96 = tpu.sem_alloc : memref<!tpu.dma_semaphore, #tpu.memory_space<semaphore_mem>>
      tpu.enqueue_dma source(%arg3 : memref<80x16xf32, #tpu.memory_space<hbm>>) target(%arg7 : memref<80x16xf32, #tpu.memory_space<vmem>>) target_semaphore(%run_scoped3A_96 : memref<!tpu.dma_semaphore, #tpu.memory_space<semaphore_mem>>)
      tpu.wait_dma2 semaphore(%run_scoped3A_96 : memref<!tpu.dma_semaphore, #tpu.memory_space<semaphore_mem>>) src(%arg3 : memref<80x16xf32, #tpu.memory_space<hbm>>) dst(%arg7 : memref<80x16xf32, #tpu.memory_space<vmem>>)
      tpu.yield
    }) : () -> ()
    %barrier3A = arith.constant 0 : index
    tpu.barrier barrier_id(%barrier3A)
    %scan3A = arith.constant 0 : i32
    %scan3A_2 = arith.constant 0 : i32
    %scan3A_3 = arith.constant 125 : i32
    %scan3A_4 = arith.addi %scan3A_2, %scan3A_3 : i32
    %scan3A_5 = arith.constant 1 : i32
    scf.for %scan3A_96 = %scan3A_2 to %scan3A_4 step %scan3A_5  : i32 {
      %dma_start3A = arith.constant 0 : i32
      %dma_start3A_97 = tpu.memref_slice %arg6[%scan3A_96, %dma_start3A] : memref<125x80xi32, #tpu.memory_space<vmem>> -> memref<1x80xi32, #tpu.memory_space<vmem>>
      %dma_start3A_98 = tpu.memref_squeeze %dma_start3A_97 : memref<1x80xi32, #tpu.memory_space<vmem>> -> memref<80xi32, #tpu.memory_space<vmem>>
      %dma_start3A_99 = arith.constant 0 : i32
      %dma_start3A_100 = arith.constant 0 : i32
      %dma_start3A_101 = tpu.memref_slice %arg8[%dma_start3A_99, %dma_start3A_100] : memref<10000x16xf32, #tpu.memory_space<vmem_shared>> -> memref<10000x16xf32, #tpu.memory_space<vmem_shared>>
      tpu.enqueue_indirect_dma source(%arg7 : memref<80x16xf32, #tpu.memory_space<vmem>>) target(%dma_start3A_101 : memref<10000x16xf32, #tpu.memory_space<vmem_shared>>) offsets(%dma_start3A_98 : memref<80xi32, #tpu.memory_space<vmem>>) semaphore(%arg9 : memref<!tpu.dma_semaphore, #tpu.memory_space<semaphore_mem>>) {add = true}
      %ge3A = arith.constant 12 : i32
      %ge3A_102 = arith.cmpi sge, %scan3A_96, %ge3A : i32
      %convert_element_type3A_103 = arith.extui %ge3A_102 : i1 to i32
      %cond3A_104 = arith.constant 0 : i32
      %cond3A_105 = arith.cmpi ne, %convert_element_type3A_103, %cond3A_104 : i32
      scf.if %cond3A_105 {
        %dma_wait3A_106 = arith.constant 0 : i32
        %dma_wait3A_107 = arith.constant 0 : i32
        %dma_wait3A_108 = tpu.memref_slice %arg6[%dma_wait3A_106, %dma_wait3A_107] : memref<125x80xi32, #tpu.memory_space<vmem>> -> memref<1x80xi32, #tpu.memory_space<vmem>>
        %dma_wait3A_109 = tpu.memref_squeeze %dma_wait3A_108 : memref<1x80xi32, #tpu.memory_space<vmem>> -> memref<80xi32, #tpu.memory_space<vmem>>
        %dma_wait3A_110 = arith.constant 0 : i32
        %dma_wait3A_111 = arith.constant 0 : i32
        %dma_wait3A_112 = tpu.memref_slice %arg8[%dma_wait3A_110, %dma_wait3A_111] : memref<10000x16xf32, #tpu.memory_space<vmem_shared>> -> memref<10000x16xf32, #tpu.memory_space<vmem_shared>>
        tpu.wait_indirect_dma semaphore(%arg9 : memref<!tpu.dma_semaphore, #tpu.memory_space<semaphore_mem>>) src(%arg7 : memref<80x16xf32, #tpu.memory_space<vmem>>) dst(%dma_wait3A_112 : memref<10000x16xf32, #tpu.memory_space<vmem_shared>>)
      } else {
      }
    }
    %scan3A_6 = arith.constant 125 : i32
    %dma_wait3A = arith.constant 0 : i32
    %dma_wait3A_7 = arith.constant 0 : i32
    %dma_wait3A_8 = tpu.memref_slice %arg6[%dma_wait3A, %dma_wait3A_7] : memref<125x80xi32, #tpu.memory_space<vmem>> -> memref<1x80xi32, #tpu.memory_space<vmem>>
    %dma_wait3A_9 = tpu.memref_squeeze %dma_wait3A_8 : memref<1x80xi32, #tpu.memory_space<vmem>> -> memref<80xi32, #tpu.memory_space<vmem>>
    %dma_wait3A_10 = arith.constant 0 : i32
    %dma_wait3A_11 = arith.constant 0 : i32
    %dma_wait3A_12 = tpu.memref_slice %arg8[%dma_wait3A_10, %dma_wait3A_11] : memref<10000x16xf32, #tpu.memory_space<vmem_shared>> -> memref<10000x16xf32, #tpu.memory_space<vmem_shared>>
    tpu.wait_indirect_dma semaphore(%arg9 : memref<!tpu.dma_semaphore, #tpu.memory_space<semaphore_mem>>) src(%arg7 : memref<80x16xf32, #tpu.memory_space<vmem>>) dst(%dma_wait3A_12 : memref<10000x16xf32, #tpu.memory_space<vmem_shared>>)
    %dma_wait3A_13 = arith.constant 0 : i32
    %dma_wait3A_14 = arith.constant 0 : i32
    %dma_wait3A_15 = tpu.memref_slice %arg6[%dma_wait3A_13, %dma_wait3A_14] : memref<125x80xi32, #tpu.memory_space<vmem>> -> memref<1x80xi32, #tpu.memory_space<vmem>>
    %dma_wait3A_16 = tpu.memref_squeeze %dma_wait3A_15 : memref<1x80xi32, #tpu.memory_space<vmem>> -> memref<80xi32, #tpu.memory_space<vmem>>
    %dma_wait3A_17 = arith.constant 0 : i32
    %dma_wait3A_18 = arith.constant 0 : i32
    %dma_wait3A_19 = tpu.memref_slice %arg8[%dma_wait3A_17, %dma_wait3A_18] : memref<10000x16xf32, #tpu.memory_space<vmem_shared>> -> memref<10000x16xf32, #tpu.memory_space<vmem_shared>>
    tpu.wait_indirect_dma semaphore(%arg9 : memref<!tpu.dma_semaphore, #tpu.memory_space<semaphore_mem>>) src(%arg7 : memref<80x16xf32, #tpu.memory_space<vmem>>) dst(%dma_wait3A_19 : memref<10000x16xf32, #tpu.memory_space<vmem_shared>>)
    %dma_wait3A_20 = arith.constant 0 : i32
    %dma_wait3A_21 = arith.constant 0 : i32
    %dma_wait3A_22 = tpu.memref_slice %arg6[%dma_wait3A_20, %dma_wait3A_21] : memref<125x80xi32, #tpu.memory_space<vmem>> -> memref<1x80xi32, #tpu.memory_space<vmem>>
    %dma_wait3A_23 = tpu.memref_squeeze %dma_wait3A_22 : memref<1x80xi32, #tpu.memory_space<vmem>> -> memref<80xi32, #tpu.memory_space<vmem>>
    %dma_wait3A_24 = arith.constant 0 : i32
    %dma_wait3A_25 = arith.constant 0 : i32
    %dma_wait3A_26 = tpu.memref_slice %arg8[%dma_wait3A_24, %dma_wait3A_25] : memref<10000x16xf32, #tpu.memory_space<vmem_shared>> -> memref<10000x16xf32, #tpu.memory_space<vmem_shared>>
    tpu.wait_indirect_dma semaphore(%arg9 : memref<!tpu.dma_semaphore, #tpu.memory_space<semaphore_mem>>) src(%arg7 : memref<80x16xf32, #tpu.memory_space<vmem>>) dst(%dma_wait3A_26 : memref<10000x16xf32, #tpu.memory_space<vmem_shared>>)
    %dma_wait3A_27 = arith.constant 0 : i32
    %dma_wait3A_28 = arith.constant 0 : i32
    %dma_wait3A_29 = tpu.memref_slice %arg6[%dma_wait3A_27, %dma_wait3A_28] : memref<125x80xi32, #tpu.memory_space<vmem>> -> memref<1x80xi32, #tpu.memory_space<vmem>>
    %dma_wait3A_30 = tpu.memref_squeeze %dma_wait3A_29 : memref<1x80xi32, #tpu.memory_space<vmem>> -> memref<80xi32, #tpu.memory_space<vmem>>
    %dma_wait3A_31 = arith.constant 0 : i32
    %dma_wait3A_32 = arith.constant 0 : i32
    %dma_wait3A_33 = tpu.memref_slice %arg8[%dma_wait3A_31, %dma_wait3A_32] : memref<10000x16xf32, #tpu.memory_space<vmem_shared>> -> memref<10000x16xf32, #tpu.memory_space<vmem_shared>>
    tpu.wait_indirect_dma semaphore(%arg9 : memref<!tpu.dma_semaphore, #tpu.memory_space<semaphore_mem>>) src(%arg7 : memref<80x16xf32, #tpu.memory_space<vmem>>) dst(%dma_wait3A_33 : memref<10000x16xf32, #tpu.memory_space<vmem_shared>>)
    %dma_wait3A_34 = arith.constant 0 : i32
    %dma_wait3A_35 = arith.constant 0 : i32
    %dma_wait3A_36 = tpu.memref_slice %arg6[%dma_wait3A_34, %dma_wait3A_35] : memref<125x80xi32, #tpu.memory_space<vmem>> -> memref<1x80xi32, #tpu.memory_space<vmem>>
    %dma_wait3A_37 = tpu.memref_squeeze %dma_wait3A_36 : memref<1x80xi32, #tpu.memory_space<vmem>> -> memref<80xi32, #tpu.memory_space<vmem>>
    %dma_wait3A_38 = arith.constant 0 : i32
    %dma_wait3A_39 = arith.constant 0 : i32
    %dma_wait3A_40 = tpu.memref_slice %arg8[%dma_wait3A_38, %dma_wait3A_39] : memref<10000x16xf32, #tpu.memory_space<vmem_shared>> -> memref<10000x16xf32, #tpu.memory_space<vmem_shared>>
    tpu.wait_indirect_dma semaphore(%arg9 : memref<!tpu.dma_semaphore, #tpu.memory_space<semaphore_mem>>) src(%arg7 : memref<80x16xf32, #tpu.memory_space<vmem>>) dst(%dma_wait3A_40 : memref<10000x16xf32, #tpu.memory_space<vmem_shared>>)
    %dma_wait3A_41 = arith.constant 0 : i32
    %dma_wait3A_42 = arith.constant 0 : i32
    %dma_wait3A_43 = tpu.memref_slice %arg6[%dma_wait3A_41, %dma_wait3A_42] : memref<125x80xi32, #tpu.memory_space<vmem>> -> memref<1x80xi32, #tpu.memory_space<vmem>>
    %dma_wait3A_44 = tpu.memref_squeeze %dma_wait3A_43 : memref<1x80xi32, #tpu.memory_space<vmem>> -> memref<80xi32, #tpu.memory_space<vmem>>
    %dma_wait3A_45 = arith.constant 0 : i32
    %dma_wait3A_46 = arith.constant 0 : i32
    %dma_wait3A_47 = tpu.memref_slice %arg8[%dma_wait3A_45, %dma_wait3A_46] : memref<10000x16xf32, #tpu.memory_space<vmem_shared>> -> memref<10000x16xf32, #tpu.memory_space<vmem_shared>>
    tpu.wait_indirect_dma semaphore(%arg9 : memref<!tpu.dma_semaphore, #tpu.memory_space<semaphore_mem>>) src(%arg7 : memref<80x16xf32, #tpu.memory_space<vmem>>) dst(%dma_wait3A_47 : memref<10000x16xf32, #tpu.memory_space<vmem_shared>>)
    %dma_wait3A_48 = arith.constant 0 : i32
    %dma_wait3A_49 = arith.constant 0 : i32
    %dma_wait3A_50 = tpu.memref_slice %arg6[%dma_wait3A_48, %dma_wait3A_49] : memref<125x80xi32, #tpu.memory_space<vmem>> -> memref<1x80xi32, #tpu.memory_space<vmem>>
    %dma_wait3A_51 = tpu.memref_squeeze %dma_wait3A_50 : memref<1x80xi32, #tpu.memory_space<vmem>> -> memref<80xi32, #tpu.memory_space<vmem>>
    %dma_wait3A_52 = arith.constant 0 : i32
    %dma_wait3A_53 = arith.constant 0 : i32
    %dma_wait3A_54 = tpu.memref_slice %arg8[%dma_wait3A_52, %dma_wait3A_53] : memref<10000x16xf32, #tpu.memory_space<vmem_shared>> -> memref<10000x16xf32, #tpu.memory_space<vmem_shared>>
    tpu.wait_indirect_dma semaphore(%arg9 : memref<!tpu.dma_semaphore, #tpu.memory_space<semaphore_mem>>) src(%arg7 : memref<80x16xf32, #tpu.memory_space<vmem>>) dst(%dma_wait3A_54 : memref<10000x16xf32, #tpu.memory_space<vmem_shared>>)
    %dma_wait3A_55 = arith.constant 0 : i32
    %dma_wait3A_56 = arith.constant 0 : i32
    %dma_wait3A_57 = tpu.memref_slice %arg6[%dma_wait3A_55, %dma_wait3A_56] : memref<125x80xi32, #tpu.memory_space<vmem>> -> memref<1x80xi32, #tpu.memory_space<vmem>>
    %dma_wait3A_58 = tpu.memref_squeeze %dma_wait3A_57 : memref<1x80xi32, #tpu.memory_space<vmem>> -> memref<80xi32, #tpu.memory_space<vmem>>
    %dma_wait3A_59 = arith.constant 0 : i32
    %dma_wait3A_60 = arith.constant 0 : i32
    %dma_wait3A_61 = tpu.memref_slice %arg8[%dma_wait3A_59, %dma_wait3A_60] : memref<10000x16xf32, #tpu.memory_space<vmem_shared>> -> memref<10000x16xf32, #tpu.memory_space<vmem_shared>>
    tpu.wait_indirect_dma semaphore(%arg9 : memref<!tpu.dma_semaphore, #tpu.memory_space<semaphore_mem>>) src(%arg7 : memref<80x16xf32, #tpu.memory_space<vmem>>) dst(%dma_wait3A_61 : memref<10000x16xf32, #tpu.memory_space<vmem_shared>>)
    %dma_wait3A_62 = arith.constant 0 : i32
    %dma_wait3A_63 = arith.constant 0 : i32
    %dma_wait3A_64 = tpu.memref_slice %arg6[%dma_wait3A_62, %dma_wait3A_63] : memref<125x80xi32, #tpu.memory_space<vmem>> -> memref<1x80xi32, #tpu.memory_space<vmem>>
    %dma_wait3A_65 = tpu.memref_squeeze %dma_wait3A_64 : memref<1x80xi32, #tpu.memory_space<vmem>> -> memref<80xi32, #tpu.memory_space<vmem>>
    %dma_wait3A_66 = arith.constant 0 : i32
    %dma_wait3A_67 = arith.constant 0 : i32
    %dma_wait3A_68 = tpu.memref_slice %arg8[%dma_wait3A_66, %dma_wait3A_67] : memref<10000x16xf32, #tpu.memory_space<vmem_shared>> -> memref<10000x16xf32, #tpu.memory_space<vmem_shared>>
    tpu.wait_indirect_dma semaphore(%arg9 : memref<!tpu.dma_semaphore, #tpu.memory_space<semaphore_mem>>) src(%arg7 : memref<80x16xf32, #tpu.memory_space<vmem>>) dst(%dma_wait3A_68 : memref<10000x16xf32, #tpu.memory_space<vmem_shared>>)
    %dma_wait3A_69 = arith.constant 0 : i32
    %dma_wait3A_70 = arith.constant 0 : i32
    %dma_wait3A_71 = tpu.memref_slice %arg6[%dma_wait3A_69, %dma_wait3A_70] : memref<125x80xi32, #tpu.memory_space<vmem>> -> memref<1x80xi32, #tpu.memory_space<vmem>>
    %dma_wait3A_72 = tpu.memref_squeeze %dma_wait3A_71 : memref<1x80xi32, #tpu.memory_space<vmem>> -> memref<80xi32, #tpu.memory_space<vmem>>
    %dma_wait3A_73 = arith.constant 0 : i32
    %dma_wait3A_74 = arith.constant 0 : i32
    %dma_wait3A_75 = tpu.memref_slice %arg8[%dma_wait3A_73, %dma_wait3A_74] : memref<10000x16xf32, #tpu.memory_space<vmem_shared>> -> memref<10000x16xf32, #tpu.memory_space<vmem_shared>>
    tpu.wait_indirect_dma semaphore(%arg9 : memref<!tpu.dma_semaphore, #tpu.memory_space<semaphore_mem>>) src(%arg7 : memref<80x16xf32, #tpu.memory_space<vmem>>) dst(%dma_wait3A_75 : memref<10000x16xf32, #tpu.memory_space<vmem_shared>>)
    %dma_wait3A_76 = arith.constant 0 : i32
    %dma_wait3A_77 = arith.constant 0 : i32
    %dma_wait3A_78 = tpu.memref_slice %arg6[%dma_wait3A_76, %dma_wait3A_77] : memref<125x80xi32, #tpu.memory_space<vmem>> -> memref<1x80xi32, #tpu.memory_space<vmem>>
    %dma_wait3A_79 = tpu.memref_squeeze %dma_wait3A_78 : memref<1x80xi32, #tpu.memory_space<vmem>> -> memref<80xi32, #tpu.memory_space<vmem>>
    %dma_wait3A_80 = arith.constant 0 : i32
    %dma_wait3A_81 = arith.constant 0 : i32
    %dma_wait3A_82 = tpu.memref_slice %arg8[%dma_wait3A_80, %dma_wait3A_81] : memref<10000x16xf32, #tpu.memory_space<vmem_shared>> -> memref<10000x16xf32, #tpu.memory_space<vmem_shared>>
    tpu.wait_indirect_dma semaphore(%arg9 : memref<!tpu.dma_semaphore, #tpu.memory_space<semaphore_mem>>) src(%arg7 : memref<80x16xf32, #tpu.memory_space<vmem>>) dst(%dma_wait3A_82 : memref<10000x16xf32, #tpu.memory_space<vmem_shared>>)
    %dma_wait3A_83 = arith.constant 0 : i32
    %dma_wait3A_84 = arith.constant 0 : i32
    %dma_wait3A_85 = tpu.memref_slice %arg6[%dma_wait3A_83, %dma_wait3A_84] : memref<125x80xi32, #tpu.memory_space<vmem>> -> memref<1x80xi32, #tpu.memory_space<vmem>>
    %dma_wait3A_86 = tpu.memref_squeeze %dma_wait3A_85 : memref<1x80xi32, #tpu.memory_space<vmem>> -> memref<80xi32, #tpu.memory_space<vmem>>
    %dma_wait3A_87 = arith.constant 0 : i32
    %dma_wait3A_88 = arith.constant 0 : i32
    %dma_wait3A_89 = tpu.memref_slice %arg8[%dma_wait3A_87, %dma_wait3A_88] : memref<10000x16xf32, #tpu.memory_space<vmem_shared>> -> memref<10000x16xf32, #tpu.memory_space<vmem_shared>>
    tpu.wait_indirect_dma semaphore(%arg9 : memref<!tpu.dma_semaphore, #tpu.memory_space<semaphore_mem>>) src(%arg7 : memref<80x16xf32, #tpu.memory_space<vmem>>) dst(%dma_wait3A_89 : memref<10000x16xf32, #tpu.memory_space<vmem_shared>>)
    %barrier3A_90 = arith.constant 0 : index
    tpu.barrier barrier_id(%barrier3A_90)
    %eq3A_91 = arith.constant 0 : i32
    %eq3A_92 = arith.cmpi eq, %arg1, %eq3A_91 : i32
    %convert_element_type3A_93 = arith.extui %eq3A_92 : i1 to i32
    %cond3A_94 = arith.constant 0 : i32
    %cond3A_95 = arith.cmpi ne, %convert_element_type3A_93, %cond3A_94 : i32
    scf.if %cond3A_95 {
      "tpu.region"() ({
        %run_scoped3A_96 = tpu.sem_alloc : memref<!tpu.dma_semaphore, #tpu.memory_space<semaphore_mem>>
        %dma_start3A = arith.constant 0 : i32
        %dma_start3A_97 = arith.constant 0 : i32
        %dma_start3A_98 = tpu.memref_slice %arg5[%arg0, %dma_start3A, %dma_start3A_97] : memref<2x10000x16xf32, #tpu.memory_space<hbm>> -> memref<1x10000x16xf32, #tpu.memory_space<hbm>>
        %dma_start3A_99 = tpu.memref_squeeze %dma_start3A_98 : memref<1x10000x16xf32, #tpu.memory_space<hbm>> -> memref<10000x16xf32, #tpu.memory_space<hbm>>
        tpu.enqueue_dma source(%arg8 : memref<10000x16xf32, #tpu.memory_space<vmem_shared>>) target(%dma_start3A_99 : memref<10000x16xf32, #tpu.memory_space<hbm>>) target_semaphore(%run_scoped3A_96 : memref<!tpu.dma_semaphore, #tpu.memory_space<semaphore_mem>>)
        %dma_wait3A_100 = arith.constant 0 : i32
        %dma_wait3A_101 = arith.constant 0 : i32
        %dma_wait3A_102 = tpu.memref_slice %arg5[%arg0, %dma_wait3A_100, %dma_wait3A_101] : memref<2x10000x16xf32, #tpu.memory_space<hbm>> -> memref<1x10000x16xf32, #tpu.memory_space<hbm>>
        %dma_wait3A_103 = tpu.memref_squeeze %dma_wait3A_102 : memref<1x10000x16xf32, #tpu.memory_space<hbm>> -> memref<10000x16xf32, #tpu.memory_space<hbm>>
        tpu.wait_dma2 semaphore(%run_scoped3A_96 : memref<!tpu.dma_semaphore, #tpu.memory_space<semaphore_mem>>) src(%arg8 : memref<10000x16xf32, #tpu.memory_space<vmem_shared>>) dst(%dma_wait3A_103 : memref<10000x16xf32, #tpu.memory_space<hbm>>)
        tpu.yield
      }) : () -> ()
    } else {
    }
    return
  }
}

#map = affine_map<(d0, d1) -> (0, 0)>
#map1 = affine_map<(d0, d1) -> (0, 0, 0, 0, 0)>
#map2 = affine_map<(d0, d1) -> (0, 0, 0, 0)>
#map3 = affine_map<(d0, d1) -> (0, 0, 0)>
module attributes {stable_mosaic.version = 14 : i64} {
  func.func @agg_kernel(%arg0: i32, %arg1: i32, %arg2: memref<10000x64xf32, #tpu.memory_space<hbm>>, %arg3: memref<2x2x16x125x80xi32, #tpu.memory_space<hbm>>, %arg4: memref<2x16x125x80xi32, #tpu.memory_space<hbm>>, %arg5: memref<10000x64xf32, #tpu.memory_space<hbm>>, %arg6: memref<2x10000x64xf32, #tpu.memory_space<hbm>>, %arg7: memref<125x80xi32, #tpu.memory_space<vmem>>, %arg8: memref<125x80xi32, #tpu.memory_space<vmem>>, %arg9: memref<6x80x64xf32, #tpu.memory_space<vmem>>, %arg10: memref<10000x64xf32, #tpu.memory_space<vmem_shared>>, %arg11: memref<!tpu.dma_semaphore, #tpu.memory_space<semaphore_mem>>, %arg12: memref<!tpu.dma_semaphore, #tpu.memory_space<semaphore_mem>>, %arg13: memref<!tpu.dma_semaphore, #tpu.memory_space<semaphore_mem>>, %arg14: memref<!tpu.dma_semaphore, #tpu.memory_space<semaphore_mem>>, %arg15: memref<!tpu.dma_semaphore, #tpu.memory_space<semaphore_mem>>, %arg16: memref<!tpu.dma_semaphore, #tpu.memory_space<semaphore_mem>>, %arg17: memref<!tpu.dma_semaphore, #tpu.memory_space<semaphore_mem>>, %arg18: memref<!tpu.dma_semaphore, #tpu.memory_space<semaphore_mem>>, %arg19: memref<!tpu.dma_semaphore, #tpu.memory_space<semaphore_mem>>, %arg20: memref<!tpu.dma_semaphore, #tpu.memory_space<semaphore_mem>>, %arg21: memref<!tpu.dma_semaphore, #tpu.memory_space<semaphore_mem>>, %arg22: memref<!tpu.dma_semaphore, #tpu.memory_space<semaphore_mem>>) attributes {dimension_semantics = [#tpu.dimension_semantics<core_parallel>, #tpu.dimension_semantics<subcore_parallel>], iteration_bounds = array<i64: 2, 16>, scalar_prefetch = 0 : i64, scratch_operands = 16 : i64, tpu.core_type = #tpu.core_type<sc_vector_subcore>, window_params = [{transform_indices = #map}, {transform_indices = #map1}, {transform_indices = #map2}, {transform_indices = #map}, {transform_indices = #map3}]} {
    %eq3A = arith.constant 0 : i32
    %eq3A_0 = arith.cmpi eq, %arg1, %eq3A : i32
    %convert_element_type3A = arith.extui %eq3A_0 : i1 to i32
    %cond3A = arith.constant 0 : i32
    %cond3A_1 = arith.cmpi ne, %convert_element_type3A, %cond3A : i32
    scf.if %cond3A_1 {
      "tpu.region"() ({
        %run_scoped3A_132 = tpu.sem_alloc : memref<!tpu.dma_semaphore, #tpu.memory_space<semaphore_mem>>
        tpu.enqueue_dma source(%arg5 : memref<10000x64xf32, #tpu.memory_space<hbm>>) target(%arg10 : memref<10000x64xf32, #tpu.memory_space<vmem_shared>>) target_semaphore(%run_scoped3A_132 : memref<!tpu.dma_semaphore, #tpu.memory_space<semaphore_mem>>)
        tpu.wait_dma2 semaphore(%run_scoped3A_132 : memref<!tpu.dma_semaphore, #tpu.memory_space<semaphore_mem>>) src(%arg5 : memref<10000x64xf32, #tpu.memory_space<hbm>>) dst(%arg10 : memref<10000x64xf32, #tpu.memory_space<vmem_shared>>)
        tpu.yield
      }) : () -> ()
    } else {
    }
    %run_scoped3A = arith.constant 0 : i32
    "tpu.region"() ({
      %run_scoped3A_132 = tpu.sem_alloc : memref<!tpu.dma_semaphore, #tpu.memory_space<semaphore_mem>>
      %dma_start3A_133 = arith.constant 0 : i32
      %dma_start3A_134 = arith.constant 0 : i32
      %dma_start3A_135 = tpu.memref_slice %arg3[%run_scoped3A, %arg0, %arg1, %dma_start3A_133, %dma_start3A_134] : memref<2x2x16x125x80xi32, #tpu.memory_space<hbm>> -> memref<1x1x1x125x80xi32, #tpu.memory_space<hbm>>
      %dma_start3A_136 = tpu.memref_squeeze %dma_start3A_135 : memref<1x1x1x125x80xi32, #tpu.memory_space<hbm>> -> memref<125x80xi32, #tpu.memory_space<hbm>>
      %dma_start3A_137 = arith.constant 0 : i32
      %dma_start3A_138 = arith.constant 0 : i32
      %dma_start3A_139 = tpu.memref_slice %arg3[%run_scoped3A, %arg0, %arg1, %dma_start3A_137, %dma_start3A_138] : memref<2x2x16x125x80xi32, #tpu.memory_space<hbm>> -> memref<1x1x1x125x80xi32, #tpu.memory_space<hbm>>
      %dma_start3A_140 = tpu.memref_squeeze %dma_start3A_139 : memref<1x1x1x125x80xi32, #tpu.memory_space<hbm>> -> memref<125x80xi32, #tpu.memory_space<hbm>>
      tpu.enqueue_dma source(%dma_start3A_140 : memref<125x80xi32, #tpu.memory_space<hbm>>) target(%arg7 : memref<125x80xi32, #tpu.memory_space<vmem>>) target_semaphore(%run_scoped3A_132 : memref<!tpu.dma_semaphore, #tpu.memory_space<semaphore_mem>>)
      %dma_wait3A_141 = arith.constant 0 : i32
      %dma_wait3A_142 = arith.constant 0 : i32
      %dma_wait3A_143 = tpu.memref_slice %arg3[%run_scoped3A, %arg0, %arg1, %dma_wait3A_141, %dma_wait3A_142] : memref<2x2x16x125x80xi32, #tpu.memory_space<hbm>> -> memref<1x1x1x125x80xi32, #tpu.memory_space<hbm>>
      %dma_wait3A_144 = tpu.memref_squeeze %dma_wait3A_143 : memref<1x1x1x125x80xi32, #tpu.memory_space<hbm>> -> memref<125x80xi32, #tpu.memory_space<hbm>>
      %dma_wait3A_145 = arith.constant 0 : i32
      %dma_wait3A_146 = arith.constant 0 : i32
      %dma_wait3A_147 = tpu.memref_slice %arg3[%run_scoped3A, %arg0, %arg1, %dma_wait3A_145, %dma_wait3A_146] : memref<2x2x16x125x80xi32, #tpu.memory_space<hbm>> -> memref<1x1x1x125x80xi32, #tpu.memory_space<hbm>>
      %dma_wait3A_148 = tpu.memref_squeeze %dma_wait3A_147 : memref<1x1x1x125x80xi32, #tpu.memory_space<hbm>> -> memref<125x80xi32, #tpu.memory_space<hbm>>
      tpu.wait_dma2 semaphore(%run_scoped3A_132 : memref<!tpu.dma_semaphore, #tpu.memory_space<semaphore_mem>>) src(%dma_wait3A_148 : memref<125x80xi32, #tpu.memory_space<hbm>>) dst(%arg7 : memref<125x80xi32, #tpu.memory_space<vmem>>)
      tpu.yield
    }) : () -> ()
    %run_scoped3A_2 = arith.constant 1 : i32
    "tpu.region"() ({
      %run_scoped3A_132 = tpu.sem_alloc : memref<!tpu.dma_semaphore, #tpu.memory_space<semaphore_mem>>
      %dma_start3A_133 = arith.constant 0 : i32
      %dma_start3A_134 = arith.constant 0 : i32
      %dma_start3A_135 = tpu.memref_slice %arg3[%run_scoped3A_2, %arg0, %arg1, %dma_start3A_133, %dma_start3A_134] : memref<2x2x16x125x80xi32, #tpu.memory_space<hbm>> -> memref<1x1x1x125x80xi32, #tpu.memory_space<hbm>>
      %dma_start3A_136 = tpu.memref_squeeze %dma_start3A_135 : memref<1x1x1x125x80xi32, #tpu.memory_space<hbm>> -> memref<125x80xi32, #tpu.memory_space<hbm>>
      %dma_start3A_137 = arith.constant 0 : i32
      %dma_start3A_138 = arith.constant 0 : i32
      %dma_start3A_139 = tpu.memref_slice %arg3[%run_scoped3A_2, %arg0, %arg1, %dma_start3A_137, %dma_start3A_138] : memref<2x2x16x125x80xi32, #tpu.memory_space<hbm>> -> memref<1x1x1x125x80xi32, #tpu.memory_space<hbm>>
      %dma_start3A_140 = tpu.memref_squeeze %dma_start3A_139 : memref<1x1x1x125x80xi32, #tpu.memory_space<hbm>> -> memref<125x80xi32, #tpu.memory_space<hbm>>
      tpu.enqueue_dma source(%dma_start3A_140 : memref<125x80xi32, #tpu.memory_space<hbm>>) target(%arg8 : memref<125x80xi32, #tpu.memory_space<vmem>>) target_semaphore(%run_scoped3A_132 : memref<!tpu.dma_semaphore, #tpu.memory_space<semaphore_mem>>)
      %dma_wait3A_141 = arith.constant 0 : i32
      %dma_wait3A_142 = arith.constant 0 : i32
      %dma_wait3A_143 = tpu.memref_slice %arg3[%run_scoped3A_2, %arg0, %arg1, %dma_wait3A_141, %dma_wait3A_142] : memref<2x2x16x125x80xi32, #tpu.memory_space<hbm>> -> memref<1x1x1x125x80xi32, #tpu.memory_space<hbm>>
      %dma_wait3A_144 = tpu.memref_squeeze %dma_wait3A_143 : memref<1x1x1x125x80xi32, #tpu.memory_space<hbm>> -> memref<125x80xi32, #tpu.memory_space<hbm>>
      %dma_wait3A_145 = arith.constant 0 : i32
      %dma_wait3A_146 = arith.constant 0 : i32
      %dma_wait3A_147 = tpu.memref_slice %arg3[%run_scoped3A_2, %arg0, %arg1, %dma_wait3A_145, %dma_wait3A_146] : memref<2x2x16x125x80xi32, #tpu.memory_space<hbm>> -> memref<1x1x1x125x80xi32, #tpu.memory_space<hbm>>
      %dma_wait3A_148 = tpu.memref_squeeze %dma_wait3A_147 : memref<1x1x1x125x80xi32, #tpu.memory_space<hbm>> -> memref<125x80xi32, #tpu.memory_space<hbm>>
      tpu.wait_dma2 semaphore(%run_scoped3A_132 : memref<!tpu.dma_semaphore, #tpu.memory_space<semaphore_mem>>) src(%dma_wait3A_148 : memref<125x80xi32, #tpu.memory_space<hbm>>) dst(%arg8 : memref<125x80xi32, #tpu.memory_space<vmem>>)
      tpu.yield
    }) : () -> ()
    %barrier3A = arith.constant 0 : index
    tpu.barrier barrier_id(%barrier3A)
    %dma_start3A = arith.constant 0 : i32
    %dma_start3A_3 = arith.constant 0 : i32
    %dma_start3A_4 = arith.constant 0 : i32
    %dma_start3A_5 = arith.constant 0 : i32
    %dma_start3A_6 = tpu.memref_slice %arg9[%dma_start3A_3, %dma_start3A_4, %dma_start3A_5] : memref<6x80x64xf32, #tpu.memory_space<vmem>> -> memref<1x80x64xf32, #tpu.memory_space<vmem>>
    %dma_start3A_7 = tpu.memref_squeeze %dma_start3A_6 : memref<1x80x64xf32, #tpu.memory_space<vmem>> -> memref<80x64xf32, #tpu.memory_space<vmem>>
    %dma_start3A_8 = arith.constant 0 : i32
    %dma_start3A_9 = tpu.memref_slice %arg7[%dma_start3A, %dma_start3A_8] : memref<125x80xi32, #tpu.memory_space<vmem>> -> memref<1x80xi32, #tpu.memory_space<vmem>>
    %dma_start3A_10 = tpu.memref_squeeze %dma_start3A_9 : memref<1x80xi32, #tpu.memory_space<vmem>> -> memref<80xi32, #tpu.memory_space<vmem>>
    %dma_start3A_11 = arith.constant 0 : i32
    %dma_start3A_12 = arith.constant 0 : i32
    %dma_start3A_13 = tpu.memref_slice %arg2[%dma_start3A_11, %dma_start3A_12] : memref<10000x64xf32, #tpu.memory_space<hbm>> -> memref<10000x64xf32, #tpu.memory_space<hbm>>
    tpu.enqueue_indirect_dma source(%dma_start3A_13 : memref<10000x64xf32, #tpu.memory_space<hbm>>) target(%dma_start3A_7 : memref<80x64xf32, #tpu.memory_space<vmem>>) offsets(%dma_start3A_10 : memref<80xi32, #tpu.memory_space<vmem>>) semaphore(%arg11 : memref<!tpu.dma_semaphore, #tpu.memory_space<semaphore_mem>>)
    %dma_start3A_14 = arith.constant 1 : i32
    %dma_start3A_15 = arith.constant 1 : i32
    %dma_start3A_16 = arith.constant 0 : i32
    %dma_start3A_17 = arith.constant 0 : i32
    %dma_start3A_18 = tpu.memref_slice %arg9[%dma_start3A_15, %dma_start3A_16, %dma_start3A_17] : memref<6x80x64xf32, #tpu.memory_space<vmem>> -> memref<1x80x64xf32, #tpu.memory_space<vmem>>
    %dma_start3A_19 = tpu.memref_squeeze %dma_start3A_18 : memref<1x80x64xf32, #tpu.memory_space<vmem>> -> memref<80x64xf32, #tpu.memory_space<vmem>>
    %dma_start3A_20 = arith.constant 0 : i32
    %dma_start3A_21 = tpu.memref_slice %arg7[%dma_start3A_14, %dma_start3A_20] : memref<125x80xi32, #tpu.memory_space<vmem>> -> memref<1x80xi32, #tpu.memory_space<vmem>>
    %dma_start3A_22 = tpu.memref_squeeze %dma_start3A_21 : memref<1x80xi32, #tpu.memory_space<vmem>> -> memref<80xi32, #tpu.memory_space<vmem>>
    %dma_start3A_23 = arith.constant 0 : i32
    %dma_start3A_24 = arith.constant 0 : i32
    %dma_start3A_25 = tpu.memref_slice %arg2[%dma_start3A_23, %dma_start3A_24] : memref<10000x64xf32, #tpu.memory_space<hbm>> -> memref<10000x64xf32, #tpu.memory_space<hbm>>
    tpu.enqueue_indirect_dma source(%dma_start3A_25 : memref<10000x64xf32, #tpu.memory_space<hbm>>) target(%dma_start3A_19 : memref<80x64xf32, #tpu.memory_space<vmem>>) offsets(%dma_start3A_22 : memref<80xi32, #tpu.memory_space<vmem>>) semaphore(%arg12 : memref<!tpu.dma_semaphore, #tpu.memory_space<semaphore_mem>>)
    %dma_start3A_26 = arith.constant 2 : i32
    %dma_start3A_27 = arith.constant 2 : i32
    %dma_start3A_28 = arith.constant 0 : i32
    %dma_start3A_29 = arith.constant 0 : i32
    %dma_start3A_30 = tpu.memref_slice %arg9[%dma_start3A_27, %dma_start3A_28, %dma_start3A_29] : memref<6x80x64xf32, #tpu.memory_space<vmem>> -> memref<1x80x64xf32, #tpu.memory_space<vmem>>
    %dma_start3A_31 = tpu.memref_squeeze %dma_start3A_30 : memref<1x80x64xf32, #tpu.memory_space<vmem>> -> memref<80x64xf32, #tpu.memory_space<vmem>>
    %dma_start3A_32 = arith.constant 0 : i32
    %dma_start3A_33 = tpu.memref_slice %arg7[%dma_start3A_26, %dma_start3A_32] : memref<125x80xi32, #tpu.memory_space<vmem>> -> memref<1x80xi32, #tpu.memory_space<vmem>>
    %dma_start3A_34 = tpu.memref_squeeze %dma_start3A_33 : memref<1x80xi32, #tpu.memory_space<vmem>> -> memref<80xi32, #tpu.memory_space<vmem>>
    %dma_start3A_35 = arith.constant 0 : i32
    %dma_start3A_36 = arith.constant 0 : i32
    %dma_start3A_37 = tpu.memref_slice %arg2[%dma_start3A_35, %dma_start3A_36] : memref<10000x64xf32, #tpu.memory_space<hbm>> -> memref<10000x64xf32, #tpu.memory_space<hbm>>
    tpu.enqueue_indirect_dma source(%dma_start3A_37 : memref<10000x64xf32, #tpu.memory_space<hbm>>) target(%dma_start3A_31 : memref<80x64xf32, #tpu.memory_space<vmem>>) offsets(%dma_start3A_34 : memref<80xi32, #tpu.memory_space<vmem>>) semaphore(%arg13 : memref<!tpu.dma_semaphore, #tpu.memory_space<semaphore_mem>>)
    %dma_start3A_38 = arith.constant 3 : i32
    %dma_start3A_39 = arith.constant 3 : i32
    %dma_start3A_40 = arith.constant 0 : i32
    %dma_start3A_41 = arith.constant 0 : i32
    %dma_start3A_42 = tpu.memref_slice %arg9[%dma_start3A_39, %dma_start3A_40, %dma_start3A_41] : memref<6x80x64xf32, #tpu.memory_space<vmem>> -> memref<1x80x64xf32, #tpu.memory_space<vmem>>
    %dma_start3A_43 = tpu.memref_squeeze %dma_start3A_42 : memref<1x80x64xf32, #tpu.memory_space<vmem>> -> memref<80x64xf32, #tpu.memory_space<vmem>>
    %dma_start3A_44 = arith.constant 0 : i32
    %dma_start3A_45 = tpu.memref_slice %arg7[%dma_start3A_38, %dma_start3A_44] : memref<125x80xi32, #tpu.memory_space<vmem>> -> memref<1x80xi32, #tpu.memory_space<vmem>>
    %dma_start3A_46 = tpu.memref_squeeze %dma_start3A_45 : memref<1x80xi32, #tpu.memory_space<vmem>> -> memref<80xi32, #tpu.memory_space<vmem>>
    %dma_start3A_47 = arith.constant 0 : i32
    %dma_start3A_48 = arith.constant 0 : i32
    %dma_start3A_49 = tpu.memref_slice %arg2[%dma_start3A_47, %dma_start3A_48] : memref<10000x64xf32, #tpu.memory_space<hbm>> -> memref<10000x64xf32, #tpu.memory_space<hbm>>
    tpu.enqueue_indirect_dma source(%dma_start3A_49 : memref<10000x64xf32, #tpu.memory_space<hbm>>) target(%dma_start3A_43 : memref<80x64xf32, #tpu.memory_space<vmem>>) offsets(%dma_start3A_46 : memref<80xi32, #tpu.memory_space<vmem>>) semaphore(%arg14 : memref<!tpu.dma_semaphore, #tpu.memory_space<semaphore_mem>>)
    %scan3A = arith.constant 0 : i32
    %scan3A_50 = arith.constant 0 : i32
    %scan3A_51 = arith.constant 125 : i32
    %scan3A_52 = arith.addi %scan3A_50, %scan3A_51 : i32
    %scan3A_53 = arith.constant 1 : i32
    scf.for %scan3A_132 = %scan3A_50 to %scan3A_52 step %scan3A_53  : i32 {
      %jit3A = arith.constant 6 : i32
      %eq3A_133 = arith.constant 0 : i32
      %eq3A_134 = arith.cmpi eq, %jit3A, %eq3A_133 : i32
      %jit3A_135 = arith.constant 1 : i32
      %select_n3A = arith.select %eq3A_134, %jit3A_135, %jit3A : i32
      %rem3A = arith.remsi %scan3A_132, %select_n3A : i32
      %ne3A = arith.constant 0 : i32
      %ne3A_136 = arith.cmpi ne, %rem3A, %ne3A : i32
      %lt3A = arith.constant 0 : i32
      %lt3A_137 = arith.cmpi slt, %rem3A, %lt3A : i32
      %lt3A_138 = arith.constant 0 : i32
      %lt3A_139 = arith.cmpi slt, %select_n3A, %lt3A_138 : i32
      %ne3A_140 = arith.xori %lt3A_137, %lt3A_139 : i1
      %and3A = arith.andi %ne3A_140, %ne3A_136 : i1
      %add3A = arith.addi %rem3A, %select_n3A : i32
      %select_n3A_141 = arith.select %and3A, %add3A, %rem3A : i32
      %eq3A_142 = arith.constant 0 : i32
      %eq3A_143 = arith.cmpi eq, %select_n3A_141, %eq3A_142 : i32
      %convert_element_type3A_144 = arith.extui %eq3A_143 : i1 to i32
      %cond3A_145 = arith.constant 0 : i32
      %cond3A_146 = arith.cmpi ne, %convert_element_type3A_144, %cond3A_145 : i32
      scf.if %cond3A_146 {
        %add3A_252 = arith.constant 4 : i32
        %add3A_253 = arith.addi %scan3A_132, %add3A_252 : i32
        %lt3A_254 = arith.constant 125 : i32
        %lt3A_255 = arith.cmpi slt, %add3A_253, %lt3A_254 : i32
        %convert_element_type3A_256 = arith.extui %lt3A_255 : i1 to i32
        %cond3A_257 = arith.constant 0 : i32
        %cond3A_258 = arith.cmpi ne, %convert_element_type3A_256, %cond3A_257 : i32
        scf.if %cond3A_258 {
          %ge3A = arith.constant 2 : i32
          %ge3A_281 = arith.cmpi sge, %scan3A_132, %ge3A : i32
          %convert_element_type3A_282 = arith.extui %ge3A_281 : i1 to i32
          %cond3A_283 = arith.constant 0 : i32
          %cond3A_284 = arith.cmpi ne, %convert_element_type3A_282, %cond3A_283 : i32
          scf.if %cond3A_284 {
            %sub3A = arith.constant 2 : i32
            %sub3A_298 = arith.subi %scan3A_132, %sub3A : i32
            %dma_wait3A_299 = arith.constant 4 : i32
            %dma_wait3A_300 = arith.constant 0 : i32
            %dma_wait3A_301 = arith.constant 0 : i32
            %dma_wait3A_302 = tpu.memref_slice %arg9[%dma_wait3A_299, %dma_wait3A_300, %dma_wait3A_301] : memref<6x80x64xf32, #tpu.memory_space<vmem>> -> memref<1x80x64xf32, #tpu.memory_space<vmem>>
            %dma_wait3A_303 = tpu.memref_squeeze %dma_wait3A_302 : memref<1x80x64xf32, #tpu.memory_space<vmem>> -> memref<80x64xf32, #tpu.memory_space<vmem>>
            %dma_wait3A_304 = arith.constant 0 : i32
            %dma_wait3A_305 = tpu.memref_slice %arg8[%sub3A_298, %dma_wait3A_304] : memref<125x80xi32, #tpu.memory_space<vmem>> -> memref<1x80xi32, #tpu.memory_space<vmem>>
            %dma_wait3A_306 = tpu.memref_squeeze %dma_wait3A_305 : memref<1x80xi32, #tpu.memory_space<vmem>> -> memref<80xi32, #tpu.memory_space<vmem>>
            %dma_wait3A_307 = arith.constant 0 : i32
            %dma_wait3A_308 = arith.constant 0 : i32
            %dma_wait3A_309 = tpu.memref_slice %arg10[%dma_wait3A_307, %dma_wait3A_308] : memref<10000x64xf32, #tpu.memory_space<vmem_shared>> -> memref<10000x64xf32, #tpu.memory_space<vmem_shared>>
            tpu.wait_indirect_dma semaphore(%arg21 : memref<!tpu.dma_semaphore, #tpu.memory_space<semaphore_mem>>) src(%dma_wait3A_303 : memref<80x64xf32, #tpu.memory_space<vmem>>) dst(%dma_wait3A_309 : memref<10000x64xf32, #tpu.memory_space<vmem_shared>>)
          } else {
          }
          %add3A_285 = arith.constant 4 : i32
          %add3A_286 = arith.addi %scan3A_132, %add3A_285 : i32
          %dma_start3A_287 = arith.constant 4 : i32
          %dma_start3A_288 = arith.constant 0 : i32
          %dma_start3A_289 = arith.constant 0 : i32
          %dma_start3A_290 = tpu.memref_slice %arg9[%dma_start3A_287, %dma_start3A_288, %dma_start3A_289] : memref<6x80x64xf32, #tpu.memory_space<vmem>> -> memref<1x80x64xf32, #tpu.memory_space<vmem>>
          %dma_start3A_291 = tpu.memref_squeeze %dma_start3A_290 : memref<1x80x64xf32, #tpu.memory_space<vmem>> -> memref<80x64xf32, #tpu.memory_space<vmem>>
          %dma_start3A_292 = arith.constant 0 : i32
          %dma_start3A_293 = tpu.memref_slice %arg7[%add3A_286, %dma_start3A_292] : memref<125x80xi32, #tpu.memory_space<vmem>> -> memref<1x80xi32, #tpu.memory_space<vmem>>
          %dma_start3A_294 = tpu.memref_squeeze %dma_start3A_293 : memref<1x80xi32, #tpu.memory_space<vmem>> -> memref<80xi32, #tpu.memory_space<vmem>>
          %dma_start3A_295 = arith.constant 0 : i32
          %dma_start3A_296 = arith.constant 0 : i32
          %dma_start3A_297 = tpu.memref_slice %arg2[%dma_start3A_295, %dma_start3A_296] : memref<10000x64xf32, #tpu.memory_space<hbm>> -> memref<10000x64xf32, #tpu.memory_space<hbm>>
          tpu.enqueue_indirect_dma source(%dma_start3A_297 : memref<10000x64xf32, #tpu.memory_space<hbm>>) target(%dma_start3A_291 : memref<80x64xf32, #tpu.memory_space<vmem>>) offsets(%dma_start3A_294 : memref<80xi32, #tpu.memory_space<vmem>>) semaphore(%arg15 : memref<!tpu.dma_semaphore, #tpu.memory_space<semaphore_mem>>)
        } else {
        }
        %dma_wait3A_259 = arith.constant 0 : i32
        %dma_wait3A_260 = arith.constant 0 : i32
        %dma_wait3A_261 = arith.constant 0 : i32
        %dma_wait3A_262 = tpu.memref_slice %arg9[%dma_wait3A_259, %dma_wait3A_260, %dma_wait3A_261] : memref<6x80x64xf32, #tpu.memory_space<vmem>> -> memref<1x80x64xf32, #tpu.memory_space<vmem>>
        %dma_wait3A_263 = tpu.memref_squeeze %dma_wait3A_262 : memref<1x80x64xf32, #tpu.memory_space<vmem>> -> memref<80x64xf32, #tpu.memory_space<vmem>>
        %dma_wait3A_264 = arith.constant 0 : i32
        %dma_wait3A_265 = tpu.memref_slice %arg7[%scan3A_132, %dma_wait3A_264] : memref<125x80xi32, #tpu.memory_space<vmem>> -> memref<1x80xi32, #tpu.memory_space<vmem>>
        %dma_wait3A_266 = tpu.memref_squeeze %dma_wait3A_265 : memref<1x80xi32, #tpu.memory_space<vmem>> -> memref<80xi32, #tpu.memory_space<vmem>>
        %dma_wait3A_267 = arith.constant 0 : i32
        %dma_wait3A_268 = arith.constant 0 : i32
        %dma_wait3A_269 = tpu.memref_slice %arg2[%dma_wait3A_267, %dma_wait3A_268] : memref<10000x64xf32, #tpu.memory_space<hbm>> -> memref<10000x64xf32, #tpu.memory_space<hbm>>
        tpu.wait_indirect_dma semaphore(%arg11 : memref<!tpu.dma_semaphore, #tpu.memory_space<semaphore_mem>>) src(%dma_wait3A_269 : memref<10000x64xf32, #tpu.memory_space<hbm>>) dst(%dma_wait3A_263 : memref<80x64xf32, #tpu.memory_space<vmem>>)
        %dma_start3A_270 = arith.constant 0 : i32
        %dma_start3A_271 = arith.constant 0 : i32
        %dma_start3A_272 = arith.constant 0 : i32
        %dma_start3A_273 = tpu.memref_slice %arg9[%dma_start3A_270, %dma_start3A_271, %dma_start3A_272] : memref<6x80x64xf32, #tpu.memory_space<vmem>> -> memref<1x80x64xf32, #tpu.memory_space<vmem>>
        %dma_start3A_274 = tpu.memref_squeeze %dma_start3A_273 : memref<1x80x64xf32, #tpu.memory_space<vmem>> -> memref<80x64xf32, #tpu.memory_space<vmem>>
        %dma_start3A_275 = arith.constant 0 : i32
        %dma_start3A_276 = tpu.memref_slice %arg8[%scan3A_132, %dma_start3A_275] : memref<125x80xi32, #tpu.memory_space<vmem>> -> memref<1x80xi32, #tpu.memory_space<vmem>>
        %dma_start3A_277 = tpu.memref_squeeze %dma_start3A_276 : memref<1x80xi32, #tpu.memory_space<vmem>> -> memref<80xi32, #tpu.memory_space<vmem>>
        %dma_start3A_278 = arith.constant 0 : i32
        %dma_start3A_279 = arith.constant 0 : i32
        %dma_start3A_280 = tpu.memref_slice %arg10[%dma_start3A_278, %dma_start3A_279] : memref<10000x64xf32, #tpu.memory_space<vmem_shared>> -> memref<10000x64xf32, #tpu.memory_space<vmem_shared>>
        tpu.enqueue_indirect_dma source(%dma_start3A_274 : memref<80x64xf32, #tpu.memory_space<vmem>>) target(%dma_start3A_280 : memref<10000x64xf32, #tpu.memory_space<vmem_shared>>) offsets(%dma_start3A_277 : memref<80xi32, #tpu.memory_space<vmem>>) semaphore(%arg17 : memref<!tpu.dma_semaphore, #tpu.memory_space<semaphore_mem>>) {add = true}
      } else {
      }
      %jit3A_147 = arith.constant 6 : i32
      %eq3A_148 = arith.constant 0 : i32
      %eq3A_149 = arith.cmpi eq, %jit3A_147, %eq3A_148 : i32
      %jit3A_150 = arith.constant 1 : i32
      %select_n3A_151 = arith.select %eq3A_149, %jit3A_150, %jit3A_147 : i32
      %rem3A_152 = arith.remsi %scan3A_132, %select_n3A_151 : i32
      %ne3A_153 = arith.constant 0 : i32
      %ne3A_154 = arith.cmpi ne, %rem3A_152, %ne3A_153 : i32
      %lt3A_155 = arith.constant 0 : i32
      %lt3A_156 = arith.cmpi slt, %rem3A_152, %lt3A_155 : i32
      %lt3A_157 = arith.constant 0 : i32
      %lt3A_158 = arith.cmpi slt, %select_n3A_151, %lt3A_157 : i32
      %ne3A_159 = arith.xori %lt3A_156, %lt3A_158 : i1
      %and3A_160 = arith.andi %ne3A_159, %ne3A_154 : i1
      %add3A_161 = arith.addi %rem3A_152, %select_n3A_151 : i32
      %select_n3A_162 = arith.select %and3A_160, %add3A_161, %rem3A_152 : i32
      %eq3A_163 = arith.constant 1 : i32
      %eq3A_164 = arith.cmpi eq, %select_n3A_162, %eq3A_163 : i32
      %convert_element_type3A_165 = arith.extui %eq3A_164 : i1 to i32
      %cond3A_166 = arith.constant 0 : i32
      %cond3A_167 = arith.cmpi ne, %convert_element_type3A_165, %cond3A_166 : i32
      scf.if %cond3A_167 {
        %add3A_252 = arith.constant 4 : i32
        %add3A_253 = arith.addi %scan3A_132, %add3A_252 : i32
        %lt3A_254 = arith.constant 125 : i32
        %lt3A_255 = arith.cmpi slt, %add3A_253, %lt3A_254 : i32
        %convert_element_type3A_256 = arith.extui %lt3A_255 : i1 to i32
        %cond3A_257 = arith.constant 0 : i32
        %cond3A_258 = arith.cmpi ne, %convert_element_type3A_256, %cond3A_257 : i32
        scf.if %cond3A_258 {
          %ge3A = arith.constant 2 : i32
          %ge3A_281 = arith.cmpi sge, %scan3A_132, %ge3A : i32
          %convert_element_type3A_282 = arith.extui %ge3A_281 : i1 to i32
          %cond3A_283 = arith.constant 0 : i32
          %cond3A_284 = arith.cmpi ne, %convert_element_type3A_282, %cond3A_283 : i32
          scf.if %cond3A_284 {
            %sub3A = arith.constant 2 : i32
            %sub3A_298 = arith.subi %scan3A_132, %sub3A : i32
            %dma_wait3A_299 = arith.constant 5 : i32
            %dma_wait3A_300 = arith.constant 0 : i32
            %dma_wait3A_301 = arith.constant 0 : i32
            %dma_wait3A_302 = tpu.memref_slice %arg9[%dma_wait3A_299, %dma_wait3A_300, %dma_wait3A_301] : memref<6x80x64xf32, #tpu.memory_space<vmem>> -> memref<1x80x64xf32, #tpu.memory_space<vmem>>
            %dma_wait3A_303 = tpu.memref_squeeze %dma_wait3A_302 : memref<1x80x64xf32, #tpu.memory_space<vmem>> -> memref<80x64xf32, #tpu.memory_space<vmem>>
            %dma_wait3A_304 = arith.constant 0 : i32
            %dma_wait3A_305 = tpu.memref_slice %arg8[%sub3A_298, %dma_wait3A_304] : memref<125x80xi32, #tpu.memory_space<vmem>> -> memref<1x80xi32, #tpu.memory_space<vmem>>
            %dma_wait3A_306 = tpu.memref_squeeze %dma_wait3A_305 : memref<1x80xi32, #tpu.memory_space<vmem>> -> memref<80xi32, #tpu.memory_space<vmem>>
            %dma_wait3A_307 = arith.constant 0 : i32
            %dma_wait3A_308 = arith.constant 0 : i32
            %dma_wait3A_309 = tpu.memref_slice %arg10[%dma_wait3A_307, %dma_wait3A_308] : memref<10000x64xf32, #tpu.memory_space<vmem_shared>> -> memref<10000x64xf32, #tpu.memory_space<vmem_shared>>
            tpu.wait_indirect_dma semaphore(%arg22 : memref<!tpu.dma_semaphore, #tpu.memory_space<semaphore_mem>>) src(%dma_wait3A_303 : memref<80x64xf32, #tpu.memory_space<vmem>>) dst(%dma_wait3A_309 : memref<10000x64xf32, #tpu.memory_space<vmem_shared>>)
          } else {
          }
          %add3A_285 = arith.constant 4 : i32
          %add3A_286 = arith.addi %scan3A_132, %add3A_285 : i32
          %dma_start3A_287 = arith.constant 5 : i32
          %dma_start3A_288 = arith.constant 0 : i32
          %dma_start3A_289 = arith.constant 0 : i32
          %dma_start3A_290 = tpu.memref_slice %arg9[%dma_start3A_287, %dma_start3A_288, %dma_start3A_289] : memref<6x80x64xf32, #tpu.memory_space<vmem>> -> memref<1x80x64xf32, #tpu.memory_space<vmem>>
          %dma_start3A_291 = tpu.memref_squeeze %dma_start3A_290 : memref<1x80x64xf32, #tpu.memory_space<vmem>> -> memref<80x64xf32, #tpu.memory_space<vmem>>
          %dma_start3A_292 = arith.constant 0 : i32
          %dma_start3A_293 = tpu.memref_slice %arg7[%add3A_286, %dma_start3A_292] : memref<125x80xi32, #tpu.memory_space<vmem>> -> memref<1x80xi32, #tpu.memory_space<vmem>>
          %dma_start3A_294 = tpu.memref_squeeze %dma_start3A_293 : memref<1x80xi32, #tpu.memory_space<vmem>> -> memref<80xi32, #tpu.memory_space<vmem>>
          %dma_start3A_295 = arith.constant 0 : i32
          %dma_start3A_296 = arith.constant 0 : i32
          %dma_start3A_297 = tpu.memref_slice %arg2[%dma_start3A_295, %dma_start3A_296] : memref<10000x64xf32, #tpu.memory_space<hbm>> -> memref<10000x64xf32, #tpu.memory_space<hbm>>
          tpu.enqueue_indirect_dma source(%dma_start3A_297 : memref<10000x64xf32, #tpu.memory_space<hbm>>) target(%dma_start3A_291 : memref<80x64xf32, #tpu.memory_space<vmem>>) offsets(%dma_start3A_294 : memref<80xi32, #tpu.memory_space<vmem>>) semaphore(%arg16 : memref<!tpu.dma_semaphore, #tpu.memory_space<semaphore_mem>>)
        } else {
        }
        %dma_wait3A_259 = arith.constant 1 : i32
        %dma_wait3A_260 = arith.constant 0 : i32
        %dma_wait3A_261 = arith.constant 0 : i32
        %dma_wait3A_262 = tpu.memref_slice %arg9[%dma_wait3A_259, %dma_wait3A_260, %dma_wait3A_261] : memref<6x80x64xf32, #tpu.memory_space<vmem>> -> memref<1x80x64xf32, #tpu.memory_space<vmem>>
        %dma_wait3A_263 = tpu.memref_squeeze %dma_wait3A_262 : memref<1x80x64xf32, #tpu.memory_space<vmem>> -> memref<80x64xf32, #tpu.memory_space<vmem>>
        %dma_wait3A_264 = arith.constant 0 : i32
        %dma_wait3A_265 = tpu.memref_slice %arg7[%scan3A_132, %dma_wait3A_264] : memref<125x80xi32, #tpu.memory_space<vmem>> -> memref<1x80xi32, #tpu.memory_space<vmem>>
        %dma_wait3A_266 = tpu.memref_squeeze %dma_wait3A_265 : memref<1x80xi32, #tpu.memory_space<vmem>> -> memref<80xi32, #tpu.memory_space<vmem>>
        %dma_wait3A_267 = arith.constant 0 : i32
        %dma_wait3A_268 = arith.constant 0 : i32
        %dma_wait3A_269 = tpu.memref_slice %arg2[%dma_wait3A_267, %dma_wait3A_268] : memref<10000x64xf32, #tpu.memory_space<hbm>> -> memref<10000x64xf32, #tpu.memory_space<hbm>>
        tpu.wait_indirect_dma semaphore(%arg12 : memref<!tpu.dma_semaphore, #tpu.memory_space<semaphore_mem>>) src(%dma_wait3A_269 : memref<10000x64xf32, #tpu.memory_space<hbm>>) dst(%dma_wait3A_263 : memref<80x64xf32, #tpu.memory_space<vmem>>)
        %dma_start3A_270 = arith.constant 1 : i32
        %dma_start3A_271 = arith.constant 0 : i32
        %dma_start3A_272 = arith.constant 0 : i32
        %dma_start3A_273 = tpu.memref_slice %arg9[%dma_start3A_270, %dma_start3A_271, %dma_start3A_272] : memref<6x80x64xf32, #tpu.memory_space<vmem>> -> memref<1x80x64xf32, #tpu.memory_space<vmem>>
        %dma_start3A_274 = tpu.memref_squeeze %dma_start3A_273 : memref<1x80x64xf32, #tpu.memory_space<vmem>> -> memref<80x64xf32, #tpu.memory_space<vmem>>
        %dma_start3A_275 = arith.constant 0 : i32
        %dma_start3A_276 = tpu.memref_slice %arg8[%scan3A_132, %dma_start3A_275] : memref<125x80xi32, #tpu.memory_space<vmem>> -> memref<1x80xi32, #tpu.memory_space<vmem>>
        %dma_start3A_277 = tpu.memref_squeeze %dma_start3A_276 : memref<1x80xi32, #tpu.memory_space<vmem>> -> memref<80xi32, #tpu.memory_space<vmem>>
        %dma_start3A_278 = arith.constant 0 : i32
        %dma_start3A_279 = arith.constant 0 : i32
        %dma_start3A_280 = tpu.memref_slice %arg10[%dma_start3A_278, %dma_start3A_279] : memref<10000x64xf32, #tpu.memory_space<vmem_shared>> -> memref<10000x64xf32, #tpu.memory_space<vmem_shared>>
        tpu.enqueue_indirect_dma source(%dma_start3A_274 : memref<80x64xf32, #tpu.memory_space<vmem>>) target(%dma_start3A_280 : memref<10000x64xf32, #tpu.memory_space<vmem_shared>>) offsets(%dma_start3A_277 : memref<80xi32, #tpu.memory_space<vmem>>) semaphore(%arg18 : memref<!tpu.dma_semaphore, #tpu.memory_space<semaphore_mem>>) {add = true}
      } else {
      }
      %jit3A_168 = arith.constant 6 : i32
      %eq3A_169 = arith.constant 0 : i32
      %eq3A_170 = arith.cmpi eq, %jit3A_168, %eq3A_169 : i32
      %jit3A_171 = arith.constant 1 : i32
      %select_n3A_172 = arith.select %eq3A_170, %jit3A_171, %jit3A_168 : i32
      %rem3A_173 = arith.remsi %scan3A_132, %select_n3A_172 : i32
      %ne3A_174 = arith.constant 0 : i32
      %ne3A_175 = arith.cmpi ne, %rem3A_173, %ne3A_174 : i32
      %lt3A_176 = arith.constant 0 : i32
      %lt3A_177 = arith.cmpi slt, %rem3A_173, %lt3A_176 : i32
      %lt3A_178 = arith.constant 0 : i32
      %lt3A_179 = arith.cmpi slt, %select_n3A_172, %lt3A_178 : i32
      %ne3A_180 = arith.xori %lt3A_177, %lt3A_179 : i1
      %and3A_181 = arith.andi %ne3A_180, %ne3A_175 : i1
      %add3A_182 = arith.addi %rem3A_173, %select_n3A_172 : i32
      %select_n3A_183 = arith.select %and3A_181, %add3A_182, %rem3A_173 : i32
      %eq3A_184 = arith.constant 2 : i32
      %eq3A_185 = arith.cmpi eq, %select_n3A_183, %eq3A_184 : i32
      %convert_element_type3A_186 = arith.extui %eq3A_185 : i1 to i32
      %cond3A_187 = arith.constant 0 : i32
      %cond3A_188 = arith.cmpi ne, %convert_element_type3A_186, %cond3A_187 : i32
      scf.if %cond3A_188 {
        %add3A_252 = arith.constant 4 : i32
        %add3A_253 = arith.addi %scan3A_132, %add3A_252 : i32
        %lt3A_254 = arith.constant 125 : i32
        %lt3A_255 = arith.cmpi slt, %add3A_253, %lt3A_254 : i32
        %convert_element_type3A_256 = arith.extui %lt3A_255 : i1 to i32
        %cond3A_257 = arith.constant 0 : i32
        %cond3A_258 = arith.cmpi ne, %convert_element_type3A_256, %cond3A_257 : i32
        scf.if %cond3A_258 {
          %ge3A = arith.constant 2 : i32
          %ge3A_281 = arith.cmpi sge, %scan3A_132, %ge3A : i32
          %convert_element_type3A_282 = arith.extui %ge3A_281 : i1 to i32
          %cond3A_283 = arith.constant 0 : i32
          %cond3A_284 = arith.cmpi ne, %convert_element_type3A_282, %cond3A_283 : i32
          scf.if %cond3A_284 {
            %sub3A = arith.constant 2 : i32
            %sub3A_298 = arith.subi %scan3A_132, %sub3A : i32
            %dma_wait3A_299 = arith.constant 0 : i32
            %dma_wait3A_300 = arith.constant 0 : i32
            %dma_wait3A_301 = arith.constant 0 : i32
            %dma_wait3A_302 = tpu.memref_slice %arg9[%dma_wait3A_299, %dma_wait3A_300, %dma_wait3A_301] : memref<6x80x64xf32, #tpu.memory_space<vmem>> -> memref<1x80x64xf32, #tpu.memory_space<vmem>>
            %dma_wait3A_303 = tpu.memref_squeeze %dma_wait3A_302 : memref<1x80x64xf32, #tpu.memory_space<vmem>> -> memref<80x64xf32, #tpu.memory_space<vmem>>
            %dma_wait3A_304 = arith.constant 0 : i32
            %dma_wait3A_305 = tpu.memref_slice %arg8[%sub3A_298, %dma_wait3A_304] : memref<125x80xi32, #tpu.memory_space<vmem>> -> memref<1x80xi32, #tpu.memory_space<vmem>>
            %dma_wait3A_306 = tpu.memref_squeeze %dma_wait3A_305 : memref<1x80xi32, #tpu.memory_space<vmem>> -> memref<80xi32, #tpu.memory_space<vmem>>
            %dma_wait3A_307 = arith.constant 0 : i32
            %dma_wait3A_308 = arith.constant 0 : i32
            %dma_wait3A_309 = tpu.memref_slice %arg10[%dma_wait3A_307, %dma_wait3A_308] : memref<10000x64xf32, #tpu.memory_space<vmem_shared>> -> memref<10000x64xf32, #tpu.memory_space<vmem_shared>>
            tpu.wait_indirect_dma semaphore(%arg17 : memref<!tpu.dma_semaphore, #tpu.memory_space<semaphore_mem>>) src(%dma_wait3A_303 : memref<80x64xf32, #tpu.memory_space<vmem>>) dst(%dma_wait3A_309 : memref<10000x64xf32, #tpu.memory_space<vmem_shared>>)
          } else {
          }
          %add3A_285 = arith.constant 4 : i32
          %add3A_286 = arith.addi %scan3A_132, %add3A_285 : i32
          %dma_start3A_287 = arith.constant 0 : i32
          %dma_start3A_288 = arith.constant 0 : i32
          %dma_start3A_289 = arith.constant 0 : i32
          %dma_start3A_290 = tpu.memref_slice %arg9[%dma_start3A_287, %dma_start3A_288, %dma_start3A_289] : memref<6x80x64xf32, #tpu.memory_space<vmem>> -> memref<1x80x64xf32, #tpu.memory_space<vmem>>
          %dma_start3A_291 = tpu.memref_squeeze %dma_start3A_290 : memref<1x80x64xf32, #tpu.memory_space<vmem>> -> memref<80x64xf32, #tpu.memory_space<vmem>>
          %dma_start3A_292 = arith.constant 0 : i32
          %dma_start3A_293 = tpu.memref_slice %arg7[%add3A_286, %dma_start3A_292] : memref<125x80xi32, #tpu.memory_space<vmem>> -> memref<1x80xi32, #tpu.memory_space<vmem>>
          %dma_start3A_294 = tpu.memref_squeeze %dma_start3A_293 : memref<1x80xi32, #tpu.memory_space<vmem>> -> memref<80xi32, #tpu.memory_space<vmem>>
          %dma_start3A_295 = arith.constant 0 : i32
          %dma_start3A_296 = arith.constant 0 : i32
          %dma_start3A_297 = tpu.memref_slice %arg2[%dma_start3A_295, %dma_start3A_296] : memref<10000x64xf32, #tpu.memory_space<hbm>> -> memref<10000x64xf32, #tpu.memory_space<hbm>>
          tpu.enqueue_indirect_dma source(%dma_start3A_297 : memref<10000x64xf32, #tpu.memory_space<hbm>>) target(%dma_start3A_291 : memref<80x64xf32, #tpu.memory_space<vmem>>) offsets(%dma_start3A_294 : memref<80xi32, #tpu.memory_space<vmem>>) semaphore(%arg11 : memref<!tpu.dma_semaphore, #tpu.memory_space<semaphore_mem>>)
        } else {
        }
        %dma_wait3A_259 = arith.constant 2 : i32
        %dma_wait3A_260 = arith.constant 0 : i32
        %dma_wait3A_261 = arith.constant 0 : i32
        %dma_wait3A_262 = tpu.memref_slice %arg9[%dma_wait3A_259, %dma_wait3A_260, %dma_wait3A_261] : memref<6x80x64xf32, #tpu.memory_space<vmem>> -> memref<1x80x64xf32, #tpu.memory_space<vmem>>
        %dma_wait3A_263 = tpu.memref_squeeze %dma_wait3A_262 : memref<1x80x64xf32, #tpu.memory_space<vmem>> -> memref<80x64xf32, #tpu.memory_space<vmem>>
        %dma_wait3A_264 = arith.constant 0 : i32
        %dma_wait3A_265 = tpu.memref_slice %arg7[%scan3A_132, %dma_wait3A_264] : memref<125x80xi32, #tpu.memory_space<vmem>> -> memref<1x80xi32, #tpu.memory_space<vmem>>
        %dma_wait3A_266 = tpu.memref_squeeze %dma_wait3A_265 : memref<1x80xi32, #tpu.memory_space<vmem>> -> memref<80xi32, #tpu.memory_space<vmem>>
        %dma_wait3A_267 = arith.constant 0 : i32
        %dma_wait3A_268 = arith.constant 0 : i32
        %dma_wait3A_269 = tpu.memref_slice %arg2[%dma_wait3A_267, %dma_wait3A_268] : memref<10000x64xf32, #tpu.memory_space<hbm>> -> memref<10000x64xf32, #tpu.memory_space<hbm>>
        tpu.wait_indirect_dma semaphore(%arg13 : memref<!tpu.dma_semaphore, #tpu.memory_space<semaphore_mem>>) src(%dma_wait3A_269 : memref<10000x64xf32, #tpu.memory_space<hbm>>) dst(%dma_wait3A_263 : memref<80x64xf32, #tpu.memory_space<vmem>>)
        %dma_start3A_270 = arith.constant 2 : i32
        %dma_start3A_271 = arith.constant 0 : i32
        %dma_start3A_272 = arith.constant 0 : i32
        %dma_start3A_273 = tpu.memref_slice %arg9[%dma_start3A_270, %dma_start3A_271, %dma_start3A_272] : memref<6x80x64xf32, #tpu.memory_space<vmem>> -> memref<1x80x64xf32, #tpu.memory_space<vmem>>
        %dma_start3A_274 = tpu.memref_squeeze %dma_start3A_273 : memref<1x80x64xf32, #tpu.memory_space<vmem>> -> memref<80x64xf32, #tpu.memory_space<vmem>>
        %dma_start3A_275 = arith.constant 0 : i32
        %dma_start3A_276 = tpu.memref_slice %arg8[%scan3A_132, %dma_start3A_275] : memref<125x80xi32, #tpu.memory_space<vmem>> -> memref<1x80xi32, #tpu.memory_space<vmem>>
        %dma_start3A_277 = tpu.memref_squeeze %dma_start3A_276 : memref<1x80xi32, #tpu.memory_space<vmem>> -> memref<80xi32, #tpu.memory_space<vmem>>
        %dma_start3A_278 = arith.constant 0 : i32
        %dma_start3A_279 = arith.constant 0 : i32
        %dma_start3A_280 = tpu.memref_slice %arg10[%dma_start3A_278, %dma_start3A_279] : memref<10000x64xf32, #tpu.memory_space<vmem_shared>> -> memref<10000x64xf32, #tpu.memory_space<vmem_shared>>
        tpu.enqueue_indirect_dma source(%dma_start3A_274 : memref<80x64xf32, #tpu.memory_space<vmem>>) target(%dma_start3A_280 : memref<10000x64xf32, #tpu.memory_space<vmem_shared>>) offsets(%dma_start3A_277 : memref<80xi32, #tpu.memory_space<vmem>>) semaphore(%arg19 : memref<!tpu.dma_semaphore, #tpu.memory_space<semaphore_mem>>) {add = true}
      } else {
      }
      %jit3A_189 = arith.constant 6 : i32
      %eq3A_190 = arith.constant 0 : i32
      %eq3A_191 = arith.cmpi eq, %jit3A_189, %eq3A_190 : i32
      %jit3A_192 = arith.constant 1 : i32
      %select_n3A_193 = arith.select %eq3A_191, %jit3A_192, %jit3A_189 : i32
      %rem3A_194 = arith.remsi %scan3A_132, %select_n3A_193 : i32
      %ne3A_195 = arith.constant 0 : i32
      %ne3A_196 = arith.cmpi ne, %rem3A_194, %ne3A_195 : i32
      %lt3A_197 = arith.constant 0 : i32
      %lt3A_198 = arith.cmpi slt, %rem3A_194, %lt3A_197 : i32
      %lt3A_199 = arith.constant 0 : i32
      %lt3A_200 = arith.cmpi slt, %select_n3A_193, %lt3A_199 : i32
      %ne3A_201 = arith.xori %lt3A_198, %lt3A_200 : i1
      %and3A_202 = arith.andi %ne3A_201, %ne3A_196 : i1
      %add3A_203 = arith.addi %rem3A_194, %select_n3A_193 : i32
      %select_n3A_204 = arith.select %and3A_202, %add3A_203, %rem3A_194 : i32
      %eq3A_205 = arith.constant 3 : i32
      %eq3A_206 = arith.cmpi eq, %select_n3A_204, %eq3A_205 : i32
      %convert_element_type3A_207 = arith.extui %eq3A_206 : i1 to i32
      %cond3A_208 = arith.constant 0 : i32
      %cond3A_209 = arith.cmpi ne, %convert_element_type3A_207, %cond3A_208 : i32
      scf.if %cond3A_209 {
        %add3A_252 = arith.constant 4 : i32
        %add3A_253 = arith.addi %scan3A_132, %add3A_252 : i32
        %lt3A_254 = arith.constant 125 : i32
        %lt3A_255 = arith.cmpi slt, %add3A_253, %lt3A_254 : i32
        %convert_element_type3A_256 = arith.extui %lt3A_255 : i1 to i32
        %cond3A_257 = arith.constant 0 : i32
        %cond3A_258 = arith.cmpi ne, %convert_element_type3A_256, %cond3A_257 : i32
        scf.if %cond3A_258 {
          %ge3A = arith.constant 2 : i32
          %ge3A_281 = arith.cmpi sge, %scan3A_132, %ge3A : i32
          %convert_element_type3A_282 = arith.extui %ge3A_281 : i1 to i32
          %cond3A_283 = arith.constant 0 : i32
          %cond3A_284 = arith.cmpi ne, %convert_element_type3A_282, %cond3A_283 : i32
          scf.if %cond3A_284 {
            %sub3A = arith.constant 2 : i32
            %sub3A_298 = arith.subi %scan3A_132, %sub3A : i32
            %dma_wait3A_299 = arith.constant 1 : i32
            %dma_wait3A_300 = arith.constant 0 : i32
            %dma_wait3A_301 = arith.constant 0 : i32
            %dma_wait3A_302 = tpu.memref_slice %arg9[%dma_wait3A_299, %dma_wait3A_300, %dma_wait3A_301] : memref<6x80x64xf32, #tpu.memory_space<vmem>> -> memref<1x80x64xf32, #tpu.memory_space<vmem>>
            %dma_wait3A_303 = tpu.memref_squeeze %dma_wait3A_302 : memref<1x80x64xf32, #tpu.memory_space<vmem>> -> memref<80x64xf32, #tpu.memory_space<vmem>>
            %dma_wait3A_304 = arith.constant 0 : i32
            %dma_wait3A_305 = tpu.memref_slice %arg8[%sub3A_298, %dma_wait3A_304] : memref<125x80xi32, #tpu.memory_space<vmem>> -> memref<1x80xi32, #tpu.memory_space<vmem>>
            %dma_wait3A_306 = tpu.memref_squeeze %dma_wait3A_305 : memref<1x80xi32, #tpu.memory_space<vmem>> -> memref<80xi32, #tpu.memory_space<vmem>>
            %dma_wait3A_307 = arith.constant 0 : i32
            %dma_wait3A_308 = arith.constant 0 : i32
            %dma_wait3A_309 = tpu.memref_slice %arg10[%dma_wait3A_307, %dma_wait3A_308] : memref<10000x64xf32, #tpu.memory_space<vmem_shared>> -> memref<10000x64xf32, #tpu.memory_space<vmem_shared>>
            tpu.wait_indirect_dma semaphore(%arg18 : memref<!tpu.dma_semaphore, #tpu.memory_space<semaphore_mem>>) src(%dma_wait3A_303 : memref<80x64xf32, #tpu.memory_space<vmem>>) dst(%dma_wait3A_309 : memref<10000x64xf32, #tpu.memory_space<vmem_shared>>)
          } else {
          }
          %add3A_285 = arith.constant 4 : i32
          %add3A_286 = arith.addi %scan3A_132, %add3A_285 : i32
          %dma_start3A_287 = arith.constant 1 : i32
          %dma_start3A_288 = arith.constant 0 : i32
          %dma_start3A_289 = arith.constant 0 : i32
          %dma_start3A_290 = tpu.memref_slice %arg9[%dma_start3A_287, %dma_start3A_288, %dma_start3A_289] : memref<6x80x64xf32, #tpu.memory_space<vmem>> -> memref<1x80x64xf32, #tpu.memory_space<vmem>>
          %dma_start3A_291 = tpu.memref_squeeze %dma_start3A_290 : memref<1x80x64xf32, #tpu.memory_space<vmem>> -> memref<80x64xf32, #tpu.memory_space<vmem>>
          %dma_start3A_292 = arith.constant 0 : i32
          %dma_start3A_293 = tpu.memref_slice %arg7[%add3A_286, %dma_start3A_292] : memref<125x80xi32, #tpu.memory_space<vmem>> -> memref<1x80xi32, #tpu.memory_space<vmem>>
          %dma_start3A_294 = tpu.memref_squeeze %dma_start3A_293 : memref<1x80xi32, #tpu.memory_space<vmem>> -> memref<80xi32, #tpu.memory_space<vmem>>
          %dma_start3A_295 = arith.constant 0 : i32
          %dma_start3A_296 = arith.constant 0 : i32
          %dma_start3A_297 = tpu.memref_slice %arg2[%dma_start3A_295, %dma_start3A_296] : memref<10000x64xf32, #tpu.memory_space<hbm>> -> memref<10000x64xf32, #tpu.memory_space<hbm>>
          tpu.enqueue_indirect_dma source(%dma_start3A_297 : memref<10000x64xf32, #tpu.memory_space<hbm>>) target(%dma_start3A_291 : memref<80x64xf32, #tpu.memory_space<vmem>>) offsets(%dma_start3A_294 : memref<80xi32, #tpu.memory_space<vmem>>) semaphore(%arg12 : memref<!tpu.dma_semaphore, #tpu.memory_space<semaphore_mem>>)
        } else {
        }
        %dma_wait3A_259 = arith.constant 3 : i32
        %dma_wait3A_260 = arith.constant 0 : i32
        %dma_wait3A_261 = arith.constant 0 : i32
        %dma_wait3A_262 = tpu.memref_slice %arg9[%dma_wait3A_259, %dma_wait3A_260, %dma_wait3A_261] : memref<6x80x64xf32, #tpu.memory_space<vmem>> -> memref<1x80x64xf32, #tpu.memory_space<vmem>>
        %dma_wait3A_263 = tpu.memref_squeeze %dma_wait3A_262 : memref<1x80x64xf32, #tpu.memory_space<vmem>> -> memref<80x64xf32, #tpu.memory_space<vmem>>
        %dma_wait3A_264 = arith.constant 0 : i32
        %dma_wait3A_265 = tpu.memref_slice %arg7[%scan3A_132, %dma_wait3A_264] : memref<125x80xi32, #tpu.memory_space<vmem>> -> memref<1x80xi32, #tpu.memory_space<vmem>>
        %dma_wait3A_266 = tpu.memref_squeeze %dma_wait3A_265 : memref<1x80xi32, #tpu.memory_space<vmem>> -> memref<80xi32, #tpu.memory_space<vmem>>
        %dma_wait3A_267 = arith.constant 0 : i32
        %dma_wait3A_268 = arith.constant 0 : i32
        %dma_wait3A_269 = tpu.memref_slice %arg2[%dma_wait3A_267, %dma_wait3A_268] : memref<10000x64xf32, #tpu.memory_space<hbm>> -> memref<10000x64xf32, #tpu.memory_space<hbm>>
        tpu.wait_indirect_dma semaphore(%arg14 : memref<!tpu.dma_semaphore, #tpu.memory_space<semaphore_mem>>) src(%dma_wait3A_269 : memref<10000x64xf32, #tpu.memory_space<hbm>>) dst(%dma_wait3A_263 : memref<80x64xf32, #tpu.memory_space<vmem>>)
        %dma_start3A_270 = arith.constant 3 : i32
        %dma_start3A_271 = arith.constant 0 : i32
        %dma_start3A_272 = arith.constant 0 : i32
        %dma_start3A_273 = tpu.memref_slice %arg9[%dma_start3A_270, %dma_start3A_271, %dma_start3A_272] : memref<6x80x64xf32, #tpu.memory_space<vmem>> -> memref<1x80x64xf32, #tpu.memory_space<vmem>>
        %dma_start3A_274 = tpu.memref_squeeze %dma_start3A_273 : memref<1x80x64xf32, #tpu.memory_space<vmem>> -> memref<80x64xf32, #tpu.memory_space<vmem>>
        %dma_start3A_275 = arith.constant 0 : i32
        %dma_start3A_276 = tpu.memref_slice %arg8[%scan3A_132, %dma_start3A_275] : memref<125x80xi32, #tpu.memory_space<vmem>> -> memref<1x80xi32, #tpu.memory_space<vmem>>
        %dma_start3A_277 = tpu.memref_squeeze %dma_start3A_276 : memref<1x80xi32, #tpu.memory_space<vmem>> -> memref<80xi32, #tpu.memory_space<vmem>>
        %dma_start3A_278 = arith.constant 0 : i32
        %dma_start3A_279 = arith.constant 0 : i32
        %dma_start3A_280 = tpu.memref_slice %arg10[%dma_start3A_278, %dma_start3A_279] : memref<10000x64xf32, #tpu.memory_space<vmem_shared>> -> memref<10000x64xf32, #tpu.memory_space<vmem_shared>>
        tpu.enqueue_indirect_dma source(%dma_start3A_274 : memref<80x64xf32, #tpu.memory_space<vmem>>) target(%dma_start3A_280 : memref<10000x64xf32, #tpu.memory_space<vmem_shared>>) offsets(%dma_start3A_277 : memref<80xi32, #tpu.memory_space<vmem>>) semaphore(%arg20 : memref<!tpu.dma_semaphore, #tpu.memory_space<semaphore_mem>>) {add = true}
      } else {
      }
      %jit3A_210 = arith.constant 6 : i32
      %eq3A_211 = arith.constant 0 : i32
      %eq3A_212 = arith.cmpi eq, %jit3A_210, %eq3A_211 : i32
      %jit3A_213 = arith.constant 1 : i32
      %select_n3A_214 = arith.select %eq3A_212, %jit3A_213, %jit3A_210 : i32
      %rem3A_215 = arith.remsi %scan3A_132, %select_n3A_214 : i32
      %ne3A_216 = arith.constant 0 : i32
      %ne3A_217 = arith.cmpi ne, %rem3A_215, %ne3A_216 : i32
      %lt3A_218 = arith.constant 0 : i32
      %lt3A_219 = arith.cmpi slt, %rem3A_215, %lt3A_218 : i32
      %lt3A_220 = arith.constant 0 : i32
      %lt3A_221 = arith.cmpi slt, %select_n3A_214, %lt3A_220 : i32
      %ne3A_222 = arith.xori %lt3A_219, %lt3A_221 : i1
      %and3A_223 = arith.andi %ne3A_222, %ne3A_217 : i1
      %add3A_224 = arith.addi %rem3A_215, %select_n3A_214 : i32
      %select_n3A_225 = arith.select %and3A_223, %add3A_224, %rem3A_215 : i32
      %eq3A_226 = arith.constant 4 : i32
      %eq3A_227 = arith.cmpi eq, %select_n3A_225, %eq3A_226 : i32
      %convert_element_type3A_228 = arith.extui %eq3A_227 : i1 to i32
      %cond3A_229 = arith.constant 0 : i32
      %cond3A_230 = arith.cmpi ne, %convert_element_type3A_228, %cond3A_229 : i32
      scf.if %cond3A_230 {
        %add3A_252 = arith.constant 4 : i32
        %add3A_253 = arith.addi %scan3A_132, %add3A_252 : i32
        %lt3A_254 = arith.constant 125 : i32
        %lt3A_255 = arith.cmpi slt, %add3A_253, %lt3A_254 : i32
        %convert_element_type3A_256 = arith.extui %lt3A_255 : i1 to i32
        %cond3A_257 = arith.constant 0 : i32
        %cond3A_258 = arith.cmpi ne, %convert_element_type3A_256, %cond3A_257 : i32
        scf.if %cond3A_258 {
          %ge3A = arith.constant 2 : i32
          %ge3A_281 = arith.cmpi sge, %scan3A_132, %ge3A : i32
          %convert_element_type3A_282 = arith.extui %ge3A_281 : i1 to i32
          %cond3A_283 = arith.constant 0 : i32
          %cond3A_284 = arith.cmpi ne, %convert_element_type3A_282, %cond3A_283 : i32
          scf.if %cond3A_284 {
            %sub3A = arith.constant 2 : i32
            %sub3A_298 = arith.subi %scan3A_132, %sub3A : i32
            %dma_wait3A_299 = arith.constant 2 : i32
            %dma_wait3A_300 = arith.constant 0 : i32
            %dma_wait3A_301 = arith.constant 0 : i32
            %dma_wait3A_302 = tpu.memref_slice %arg9[%dma_wait3A_299, %dma_wait3A_300, %dma_wait3A_301] : memref<6x80x64xf32, #tpu.memory_space<vmem>> -> memref<1x80x64xf32, #tpu.memory_space<vmem>>
            %dma_wait3A_303 = tpu.memref_squeeze %dma_wait3A_302 : memref<1x80x64xf32, #tpu.memory_space<vmem>> -> memref<80x64xf32, #tpu.memory_space<vmem>>
            %dma_wait3A_304 = arith.constant 0 : i32
            %dma_wait3A_305 = tpu.memref_slice %arg8[%sub3A_298, %dma_wait3A_304] : memref<125x80xi32, #tpu.memory_space<vmem>> -> memref<1x80xi32, #tpu.memory_space<vmem>>
            %dma_wait3A_306 = tpu.memref_squeeze %dma_wait3A_305 : memref<1x80xi32, #tpu.memory_space<vmem>> -> memref<80xi32, #tpu.memory_space<vmem>>
            %dma_wait3A_307 = arith.constant 0 : i32
            %dma_wait3A_308 = arith.constant 0 : i32
            %dma_wait3A_309 = tpu.memref_slice %arg10[%dma_wait3A_307, %dma_wait3A_308] : memref<10000x64xf32, #tpu.memory_space<vmem_shared>> -> memref<10000x64xf32, #tpu.memory_space<vmem_shared>>
            tpu.wait_indirect_dma semaphore(%arg19 : memref<!tpu.dma_semaphore, #tpu.memory_space<semaphore_mem>>) src(%dma_wait3A_303 : memref<80x64xf32, #tpu.memory_space<vmem>>) dst(%dma_wait3A_309 : memref<10000x64xf32, #tpu.memory_space<vmem_shared>>)
          } else {
          }
          %add3A_285 = arith.constant 4 : i32
          %add3A_286 = arith.addi %scan3A_132, %add3A_285 : i32
          %dma_start3A_287 = arith.constant 2 : i32
          %dma_start3A_288 = arith.constant 0 : i32
          %dma_start3A_289 = arith.constant 0 : i32
          %dma_start3A_290 = tpu.memref_slice %arg9[%dma_start3A_287, %dma_start3A_288, %dma_start3A_289] : memref<6x80x64xf32, #tpu.memory_space<vmem>> -> memref<1x80x64xf32, #tpu.memory_space<vmem>>
          %dma_start3A_291 = tpu.memref_squeeze %dma_start3A_290 : memref<1x80x64xf32, #tpu.memory_space<vmem>> -> memref<80x64xf32, #tpu.memory_space<vmem>>
          %dma_start3A_292 = arith.constant 0 : i32
          %dma_start3A_293 = tpu.memref_slice %arg7[%add3A_286, %dma_start3A_292] : memref<125x80xi32, #tpu.memory_space<vmem>> -> memref<1x80xi32, #tpu.memory_space<vmem>>
          %dma_start3A_294 = tpu.memref_squeeze %dma_start3A_293 : memref<1x80xi32, #tpu.memory_space<vmem>> -> memref<80xi32, #tpu.memory_space<vmem>>
          %dma_start3A_295 = arith.constant 0 : i32
          %dma_start3A_296 = arith.constant 0 : i32
          %dma_start3A_297 = tpu.memref_slice %arg2[%dma_start3A_295, %dma_start3A_296] : memref<10000x64xf32, #tpu.memory_space<hbm>> -> memref<10000x64xf32, #tpu.memory_space<hbm>>
          tpu.enqueue_indirect_dma source(%dma_start3A_297 : memref<10000x64xf32, #tpu.memory_space<hbm>>) target(%dma_start3A_291 : memref<80x64xf32, #tpu.memory_space<vmem>>) offsets(%dma_start3A_294 : memref<80xi32, #tpu.memory_space<vmem>>) semaphore(%arg13 : memref<!tpu.dma_semaphore, #tpu.memory_space<semaphore_mem>>)
        } else {
        }
        %dma_wait3A_259 = arith.constant 4 : i32
        %dma_wait3A_260 = arith.constant 0 : i32
        %dma_wait3A_261 = arith.constant 0 : i32
        %dma_wait3A_262 = tpu.memref_slice %arg9[%dma_wait3A_259, %dma_wait3A_260, %dma_wait3A_261] : memref<6x80x64xf32, #tpu.memory_space<vmem>> -> memref<1x80x64xf32, #tpu.memory_space<vmem>>
        %dma_wait3A_263 = tpu.memref_squeeze %dma_wait3A_262 : memref<1x80x64xf32, #tpu.memory_space<vmem>> -> memref<80x64xf32, #tpu.memory_space<vmem>>
        %dma_wait3A_264 = arith.constant 0 : i32
        %dma_wait3A_265 = tpu.memref_slice %arg7[%scan3A_132, %dma_wait3A_264] : memref<125x80xi32, #tpu.memory_space<vmem>> -> memref<1x80xi32, #tpu.memory_space<vmem>>
        %dma_wait3A_266 = tpu.memref_squeeze %dma_wait3A_265 : memref<1x80xi32, #tpu.memory_space<vmem>> -> memref<80xi32, #tpu.memory_space<vmem>>
        %dma_wait3A_267 = arith.constant 0 : i32
        %dma_wait3A_268 = arith.constant 0 : i32
        %dma_wait3A_269 = tpu.memref_slice %arg2[%dma_wait3A_267, %dma_wait3A_268] : memref<10000x64xf32, #tpu.memory_space<hbm>> -> memref<10000x64xf32, #tpu.memory_space<hbm>>
        tpu.wait_indirect_dma semaphore(%arg15 : memref<!tpu.dma_semaphore, #tpu.memory_space<semaphore_mem>>) src(%dma_wait3A_269 : memref<10000x64xf32, #tpu.memory_space<hbm>>) dst(%dma_wait3A_263 : memref<80x64xf32, #tpu.memory_space<vmem>>)
        %dma_start3A_270 = arith.constant 4 : i32
        %dma_start3A_271 = arith.constant 0 : i32
        %dma_start3A_272 = arith.constant 0 : i32
        %dma_start3A_273 = tpu.memref_slice %arg9[%dma_start3A_270, %dma_start3A_271, %dma_start3A_272] : memref<6x80x64xf32, #tpu.memory_space<vmem>> -> memref<1x80x64xf32, #tpu.memory_space<vmem>>
        %dma_start3A_274 = tpu.memref_squeeze %dma_start3A_273 : memref<1x80x64xf32, #tpu.memory_space<vmem>> -> memref<80x64xf32, #tpu.memory_space<vmem>>
        %dma_start3A_275 = arith.constant 0 : i32
        %dma_start3A_276 = tpu.memref_slice %arg8[%scan3A_132, %dma_start3A_275] : memref<125x80xi32, #tpu.memory_space<vmem>> -> memref<1x80xi32, #tpu.memory_space<vmem>>
        %dma_start3A_277 = tpu.memref_squeeze %dma_start3A_276 : memref<1x80xi32, #tpu.memory_space<vmem>> -> memref<80xi32, #tpu.memory_space<vmem>>
        %dma_start3A_278 = arith.constant 0 : i32
        %dma_start3A_279 = arith.constant 0 : i32
        %dma_start3A_280 = tpu.memref_slice %arg10[%dma_start3A_278, %dma_start3A_279] : memref<10000x64xf32, #tpu.memory_space<vmem_shared>> -> memref<10000x64xf32, #tpu.memory_space<vmem_shared>>
        tpu.enqueue_indirect_dma source(%dma_start3A_274 : memref<80x64xf32, #tpu.memory_space<vmem>>) target(%dma_start3A_280 : memref<10000x64xf32, #tpu.memory_space<vmem_shared>>) offsets(%dma_start3A_277 : memref<80xi32, #tpu.memory_space<vmem>>) semaphore(%arg21 : memref<!tpu.dma_semaphore, #tpu.memory_space<semaphore_mem>>) {add = true}
      } else {
      }
      %jit3A_231 = arith.constant 6 : i32
      %eq3A_232 = arith.constant 0 : i32
      %eq3A_233 = arith.cmpi eq, %jit3A_231, %eq3A_232 : i32
      %jit3A_234 = arith.constant 1 : i32
      %select_n3A_235 = arith.select %eq3A_233, %jit3A_234, %jit3A_231 : i32
      %rem3A_236 = arith.remsi %scan3A_132, %select_n3A_235 : i32
      %ne3A_237 = arith.constant 0 : i32
      %ne3A_238 = arith.cmpi ne, %rem3A_236, %ne3A_237 : i32
      %lt3A_239 = arith.constant 0 : i32
      %lt3A_240 = arith.cmpi slt, %rem3A_236, %lt3A_239 : i32
      %lt3A_241 = arith.constant 0 : i32
      %lt3A_242 = arith.cmpi slt, %select_n3A_235, %lt3A_241 : i32
      %ne3A_243 = arith.xori %lt3A_240, %lt3A_242 : i1
      %and3A_244 = arith.andi %ne3A_243, %ne3A_238 : i1
      %add3A_245 = arith.addi %rem3A_236, %select_n3A_235 : i32
      %select_n3A_246 = arith.select %and3A_244, %add3A_245, %rem3A_236 : i32
      %eq3A_247 = arith.constant 5 : i32
      %eq3A_248 = arith.cmpi eq, %select_n3A_246, %eq3A_247 : i32
      %convert_element_type3A_249 = arith.extui %eq3A_248 : i1 to i32
      %cond3A_250 = arith.constant 0 : i32
      %cond3A_251 = arith.cmpi ne, %convert_element_type3A_249, %cond3A_250 : i32
      scf.if %cond3A_251 {
        %add3A_252 = arith.constant 4 : i32
        %add3A_253 = arith.addi %scan3A_132, %add3A_252 : i32
        %lt3A_254 = arith.constant 125 : i32
        %lt3A_255 = arith.cmpi slt, %add3A_253, %lt3A_254 : i32
        %convert_element_type3A_256 = arith.extui %lt3A_255 : i1 to i32
        %cond3A_257 = arith.constant 0 : i32
        %cond3A_258 = arith.cmpi ne, %convert_element_type3A_256, %cond3A_257 : i32
        scf.if %cond3A_258 {
          %ge3A = arith.constant 2 : i32
          %ge3A_281 = arith.cmpi sge, %scan3A_132, %ge3A : i32
          %convert_element_type3A_282 = arith.extui %ge3A_281 : i1 to i32
          %cond3A_283 = arith.constant 0 : i32
          %cond3A_284 = arith.cmpi ne, %convert_element_type3A_282, %cond3A_283 : i32
          scf.if %cond3A_284 {
            %sub3A = arith.constant 2 : i32
            %sub3A_298 = arith.subi %scan3A_132, %sub3A : i32
            %dma_wait3A_299 = arith.constant 3 : i32
            %dma_wait3A_300 = arith.constant 0 : i32
            %dma_wait3A_301 = arith.constant 0 : i32
            %dma_wait3A_302 = tpu.memref_slice %arg9[%dma_wait3A_299, %dma_wait3A_300, %dma_wait3A_301] : memref<6x80x64xf32, #tpu.memory_space<vmem>> -> memref<1x80x64xf32, #tpu.memory_space<vmem>>
            %dma_wait3A_303 = tpu.memref_squeeze %dma_wait3A_302 : memref<1x80x64xf32, #tpu.memory_space<vmem>> -> memref<80x64xf32, #tpu.memory_space<vmem>>
            %dma_wait3A_304 = arith.constant 0 : i32
            %dma_wait3A_305 = tpu.memref_slice %arg8[%sub3A_298, %dma_wait3A_304] : memref<125x80xi32, #tpu.memory_space<vmem>> -> memref<1x80xi32, #tpu.memory_space<vmem>>
            %dma_wait3A_306 = tpu.memref_squeeze %dma_wait3A_305 : memref<1x80xi32, #tpu.memory_space<vmem>> -> memref<80xi32, #tpu.memory_space<vmem>>
            %dma_wait3A_307 = arith.constant 0 : i32
            %dma_wait3A_308 = arith.constant 0 : i32
            %dma_wait3A_309 = tpu.memref_slice %arg10[%dma_wait3A_307, %dma_wait3A_308] : memref<10000x64xf32, #tpu.memory_space<vmem_shared>> -> memref<10000x64xf32, #tpu.memory_space<vmem_shared>>
            tpu.wait_indirect_dma semaphore(%arg20 : memref<!tpu.dma_semaphore, #tpu.memory_space<semaphore_mem>>) src(%dma_wait3A_303 : memref<80x64xf32, #tpu.memory_space<vmem>>) dst(%dma_wait3A_309 : memref<10000x64xf32, #tpu.memory_space<vmem_shared>>)
          } else {
          }
          %add3A_285 = arith.constant 4 : i32
          %add3A_286 = arith.addi %scan3A_132, %add3A_285 : i32
          %dma_start3A_287 = arith.constant 3 : i32
          %dma_start3A_288 = arith.constant 0 : i32
          %dma_start3A_289 = arith.constant 0 : i32
          %dma_start3A_290 = tpu.memref_slice %arg9[%dma_start3A_287, %dma_start3A_288, %dma_start3A_289] : memref<6x80x64xf32, #tpu.memory_space<vmem>> -> memref<1x80x64xf32, #tpu.memory_space<vmem>>
          %dma_start3A_291 = tpu.memref_squeeze %dma_start3A_290 : memref<1x80x64xf32, #tpu.memory_space<vmem>> -> memref<80x64xf32, #tpu.memory_space<vmem>>
          %dma_start3A_292 = arith.constant 0 : i32
          %dma_start3A_293 = tpu.memref_slice %arg7[%add3A_286, %dma_start3A_292] : memref<125x80xi32, #tpu.memory_space<vmem>> -> memref<1x80xi32, #tpu.memory_space<vmem>>
          %dma_start3A_294 = tpu.memref_squeeze %dma_start3A_293 : memref<1x80xi32, #tpu.memory_space<vmem>> -> memref<80xi32, #tpu.memory_space<vmem>>
          %dma_start3A_295 = arith.constant 0 : i32
          %dma_start3A_296 = arith.constant 0 : i32
          %dma_start3A_297 = tpu.memref_slice %arg2[%dma_start3A_295, %dma_start3A_296] : memref<10000x64xf32, #tpu.memory_space<hbm>> -> memref<10000x64xf32, #tpu.memory_space<hbm>>
          tpu.enqueue_indirect_dma source(%dma_start3A_297 : memref<10000x64xf32, #tpu.memory_space<hbm>>) target(%dma_start3A_291 : memref<80x64xf32, #tpu.memory_space<vmem>>) offsets(%dma_start3A_294 : memref<80xi32, #tpu.memory_space<vmem>>) semaphore(%arg14 : memref<!tpu.dma_semaphore, #tpu.memory_space<semaphore_mem>>)
        } else {
        }
        %dma_wait3A_259 = arith.constant 5 : i32
        %dma_wait3A_260 = arith.constant 0 : i32
        %dma_wait3A_261 = arith.constant 0 : i32
        %dma_wait3A_262 = tpu.memref_slice %arg9[%dma_wait3A_259, %dma_wait3A_260, %dma_wait3A_261] : memref<6x80x64xf32, #tpu.memory_space<vmem>> -> memref<1x80x64xf32, #tpu.memory_space<vmem>>
        %dma_wait3A_263 = tpu.memref_squeeze %dma_wait3A_262 : memref<1x80x64xf32, #tpu.memory_space<vmem>> -> memref<80x64xf32, #tpu.memory_space<vmem>>
        %dma_wait3A_264 = arith.constant 0 : i32
        %dma_wait3A_265 = tpu.memref_slice %arg7[%scan3A_132, %dma_wait3A_264] : memref<125x80xi32, #tpu.memory_space<vmem>> -> memref<1x80xi32, #tpu.memory_space<vmem>>
        %dma_wait3A_266 = tpu.memref_squeeze %dma_wait3A_265 : memref<1x80xi32, #tpu.memory_space<vmem>> -> memref<80xi32, #tpu.memory_space<vmem>>
        %dma_wait3A_267 = arith.constant 0 : i32
        %dma_wait3A_268 = arith.constant 0 : i32
        %dma_wait3A_269 = tpu.memref_slice %arg2[%dma_wait3A_267, %dma_wait3A_268] : memref<10000x64xf32, #tpu.memory_space<hbm>> -> memref<10000x64xf32, #tpu.memory_space<hbm>>
        tpu.wait_indirect_dma semaphore(%arg16 : memref<!tpu.dma_semaphore, #tpu.memory_space<semaphore_mem>>) src(%dma_wait3A_269 : memref<10000x64xf32, #tpu.memory_space<hbm>>) dst(%dma_wait3A_263 : memref<80x64xf32, #tpu.memory_space<vmem>>)
        %dma_start3A_270 = arith.constant 5 : i32
        %dma_start3A_271 = arith.constant 0 : i32
        %dma_start3A_272 = arith.constant 0 : i32
        %dma_start3A_273 = tpu.memref_slice %arg9[%dma_start3A_270, %dma_start3A_271, %dma_start3A_272] : memref<6x80x64xf32, #tpu.memory_space<vmem>> -> memref<1x80x64xf32, #tpu.memory_space<vmem>>
        %dma_start3A_274 = tpu.memref_squeeze %dma_start3A_273 : memref<1x80x64xf32, #tpu.memory_space<vmem>> -> memref<80x64xf32, #tpu.memory_space<vmem>>
        %dma_start3A_275 = arith.constant 0 : i32
        %dma_start3A_276 = tpu.memref_slice %arg8[%scan3A_132, %dma_start3A_275] : memref<125x80xi32, #tpu.memory_space<vmem>> -> memref<1x80xi32, #tpu.memory_space<vmem>>
        %dma_start3A_277 = tpu.memref_squeeze %dma_start3A_276 : memref<1x80xi32, #tpu.memory_space<vmem>> -> memref<80xi32, #tpu.memory_space<vmem>>
        %dma_start3A_278 = arith.constant 0 : i32
        %dma_start3A_279 = arith.constant 0 : i32
        %dma_start3A_280 = tpu.memref_slice %arg10[%dma_start3A_278, %dma_start3A_279] : memref<10000x64xf32, #tpu.memory_space<vmem_shared>> -> memref<10000x64xf32, #tpu.memory_space<vmem_shared>>
        tpu.enqueue_indirect_dma source(%dma_start3A_274 : memref<80x64xf32, #tpu.memory_space<vmem>>) target(%dma_start3A_280 : memref<10000x64xf32, #tpu.memory_space<vmem_shared>>) offsets(%dma_start3A_277 : memref<80xi32, #tpu.memory_space<vmem>>) semaphore(%arg22 : memref<!tpu.dma_semaphore, #tpu.memory_space<semaphore_mem>>) {add = true}
      } else {
      }
    }
    %scan3A_54 = arith.constant 125 : i32
    %dma_wait3A = arith.constant 0 : i32
    %dma_wait3A_55 = arith.constant 0 : i32
    %dma_wait3A_56 = arith.constant 0 : i32
    %dma_wait3A_57 = arith.constant 0 : i32
    %dma_wait3A_58 = tpu.memref_slice %arg9[%dma_wait3A, %dma_wait3A_56, %dma_wait3A_57] : memref<6x80x64xf32, #tpu.memory_space<vmem>> -> memref<1x80x64xf32, #tpu.memory_space<vmem>>
    %dma_wait3A_59 = tpu.memref_squeeze %dma_wait3A_58 : memref<1x80x64xf32, #tpu.memory_space<vmem>> -> memref<80x64xf32, #tpu.memory_space<vmem>>
    %dma_wait3A_60 = arith.constant 0 : i32
    %dma_wait3A_61 = tpu.memref_slice %arg8[%dma_wait3A_55, %dma_wait3A_60] : memref<125x80xi32, #tpu.memory_space<vmem>> -> memref<1x80xi32, #tpu.memory_space<vmem>>
    %dma_wait3A_62 = tpu.memref_squeeze %dma_wait3A_61 : memref<1x80xi32, #tpu.memory_space<vmem>> -> memref<80xi32, #tpu.memory_space<vmem>>
    %dma_wait3A_63 = arith.constant 0 : i32
    %dma_wait3A_64 = arith.constant 0 : i32
    %dma_wait3A_65 = tpu.memref_slice %arg10[%dma_wait3A_63, %dma_wait3A_64] : memref<10000x64xf32, #tpu.memory_space<vmem_shared>> -> memref<10000x64xf32, #tpu.memory_space<vmem_shared>>
    tpu.wait_indirect_dma semaphore(%arg17 : memref<!tpu.dma_semaphore, #tpu.memory_space<semaphore_mem>>) src(%dma_wait3A_59 : memref<80x64xf32, #tpu.memory_space<vmem>>) dst(%dma_wait3A_65 : memref<10000x64xf32, #tpu.memory_space<vmem_shared>>)
    %dma_wait3A_66 = arith.constant 1 : i32
    %dma_wait3A_67 = arith.constant 0 : i32
    %dma_wait3A_68 = arith.constant 0 : i32
    %dma_wait3A_69 = arith.constant 0 : i32
    %dma_wait3A_70 = tpu.memref_slice %arg9[%dma_wait3A_66, %dma_wait3A_68, %dma_wait3A_69] : memref<6x80x64xf32, #tpu.memory_space<vmem>> -> memref<1x80x64xf32, #tpu.memory_space<vmem>>
    %dma_wait3A_71 = tpu.memref_squeeze %dma_wait3A_70 : memref<1x80x64xf32, #tpu.memory_space<vmem>> -> memref<80x64xf32, #tpu.memory_space<vmem>>
    %dma_wait3A_72 = arith.constant 0 : i32
    %dma_wait3A_73 = tpu.memref_slice %arg8[%dma_wait3A_67, %dma_wait3A_72] : memref<125x80xi32, #tpu.memory_space<vmem>> -> memref<1x80xi32, #tpu.memory_space<vmem>>
    %dma_wait3A_74 = tpu.memref_squeeze %dma_wait3A_73 : memref<1x80xi32, #tpu.memory_space<vmem>> -> memref<80xi32, #tpu.memory_space<vmem>>
    %dma_wait3A_75 = arith.constant 0 : i32
    %dma_wait3A_76 = arith.constant 0 : i32
    %dma_wait3A_77 = tpu.memref_slice %arg10[%dma_wait3A_75, %dma_wait3A_76] : memref<10000x64xf32, #tpu.memory_space<vmem_shared>> -> memref<10000x64xf32, #tpu.memory_space<vmem_shared>>
    tpu.wait_indirect_dma semaphore(%arg18 : memref<!tpu.dma_semaphore, #tpu.memory_space<semaphore_mem>>) src(%dma_wait3A_71 : memref<80x64xf32, #tpu.memory_space<vmem>>) dst(%dma_wait3A_77 : memref<10000x64xf32, #tpu.memory_space<vmem_shared>>)
    %dma_wait3A_78 = arith.constant 2 : i32
    %dma_wait3A_79 = arith.constant 0 : i32
    %dma_wait3A_80 = arith.constant 0 : i32
    %dma_wait3A_81 = arith.constant 0 : i32
    %dma_wait3A_82 = tpu.memref_slice %arg9[%dma_wait3A_78, %dma_wait3A_80, %dma_wait3A_81] : memref<6x80x64xf32, #tpu.memory_space<vmem>> -> memref<1x80x64xf32, #tpu.memory_space<vmem>>
    %dma_wait3A_83 = tpu.memref_squeeze %dma_wait3A_82 : memref<1x80x64xf32, #tpu.memory_space<vmem>> -> memref<80x64xf32, #tpu.memory_space<vmem>>
    %dma_wait3A_84 = arith.constant 0 : i32
    %dma_wait3A_85 = tpu.memref_slice %arg8[%dma_wait3A_79, %dma_wait3A_84] : memref<125x80xi32, #tpu.memory_space<vmem>> -> memref<1x80xi32, #tpu.memory_space<vmem>>
    %dma_wait3A_86 = tpu.memref_squeeze %dma_wait3A_85 : memref<1x80xi32, #tpu.memory_space<vmem>> -> memref<80xi32, #tpu.memory_space<vmem>>
    %dma_wait3A_87 = arith.constant 0 : i32
    %dma_wait3A_88 = arith.constant 0 : i32
    %dma_wait3A_89 = tpu.memref_slice %arg10[%dma_wait3A_87, %dma_wait3A_88] : memref<10000x64xf32, #tpu.memory_space<vmem_shared>> -> memref<10000x64xf32, #tpu.memory_space<vmem_shared>>
    tpu.wait_indirect_dma semaphore(%arg19 : memref<!tpu.dma_semaphore, #tpu.memory_space<semaphore_mem>>) src(%dma_wait3A_83 : memref<80x64xf32, #tpu.memory_space<vmem>>) dst(%dma_wait3A_89 : memref<10000x64xf32, #tpu.memory_space<vmem_shared>>)
    %dma_wait3A_90 = arith.constant 3 : i32
    %dma_wait3A_91 = arith.constant 0 : i32
    %dma_wait3A_92 = arith.constant 0 : i32
    %dma_wait3A_93 = arith.constant 0 : i32
    %dma_wait3A_94 = tpu.memref_slice %arg9[%dma_wait3A_90, %dma_wait3A_92, %dma_wait3A_93] : memref<6x80x64xf32, #tpu.memory_space<vmem>> -> memref<1x80x64xf32, #tpu.memory_space<vmem>>
    %dma_wait3A_95 = tpu.memref_squeeze %dma_wait3A_94 : memref<1x80x64xf32, #tpu.memory_space<vmem>> -> memref<80x64xf32, #tpu.memory_space<vmem>>
    %dma_wait3A_96 = arith.constant 0 : i32
    %dma_wait3A_97 = tpu.memref_slice %arg8[%dma_wait3A_91, %dma_wait3A_96] : memref<125x80xi32, #tpu.memory_space<vmem>> -> memref<1x80xi32, #tpu.memory_space<vmem>>
    %dma_wait3A_98 = tpu.memref_squeeze %dma_wait3A_97 : memref<1x80xi32, #tpu.memory_space<vmem>> -> memref<80xi32, #tpu.memory_space<vmem>>
    %dma_wait3A_99 = arith.constant 0 : i32
    %dma_wait3A_100 = arith.constant 0 : i32
    %dma_wait3A_101 = tpu.memref_slice %arg10[%dma_wait3A_99, %dma_wait3A_100] : memref<10000x64xf32, #tpu.memory_space<vmem_shared>> -> memref<10000x64xf32, #tpu.memory_space<vmem_shared>>
    tpu.wait_indirect_dma semaphore(%arg20 : memref<!tpu.dma_semaphore, #tpu.memory_space<semaphore_mem>>) src(%dma_wait3A_95 : memref<80x64xf32, #tpu.memory_space<vmem>>) dst(%dma_wait3A_101 : memref<10000x64xf32, #tpu.memory_space<vmem_shared>>)
    %dma_wait3A_102 = arith.constant 4 : i32
    %dma_wait3A_103 = arith.constant 0 : i32
    %dma_wait3A_104 = arith.constant 0 : i32
    %dma_wait3A_105 = arith.constant 0 : i32
    %dma_wait3A_106 = tpu.memref_slice %arg9[%dma_wait3A_102, %dma_wait3A_104, %dma_wait3A_105] : memref<6x80x64xf32, #tpu.memory_space<vmem>> -> memref<1x80x64xf32, #tpu.memory_space<vmem>>
    %dma_wait3A_107 = tpu.memref_squeeze %dma_wait3A_106 : memref<1x80x64xf32, #tpu.memory_space<vmem>> -> memref<80x64xf32, #tpu.memory_space<vmem>>
    %dma_wait3A_108 = arith.constant 0 : i32
    %dma_wait3A_109 = tpu.memref_slice %arg8[%dma_wait3A_103, %dma_wait3A_108] : memref<125x80xi32, #tpu.memory_space<vmem>> -> memref<1x80xi32, #tpu.memory_space<vmem>>
    %dma_wait3A_110 = tpu.memref_squeeze %dma_wait3A_109 : memref<1x80xi32, #tpu.memory_space<vmem>> -> memref<80xi32, #tpu.memory_space<vmem>>
    %dma_wait3A_111 = arith.constant 0 : i32
    %dma_wait3A_112 = arith.constant 0 : i32
    %dma_wait3A_113 = tpu.memref_slice %arg10[%dma_wait3A_111, %dma_wait3A_112] : memref<10000x64xf32, #tpu.memory_space<vmem_shared>> -> memref<10000x64xf32, #tpu.memory_space<vmem_shared>>
    tpu.wait_indirect_dma semaphore(%arg21 : memref<!tpu.dma_semaphore, #tpu.memory_space<semaphore_mem>>) src(%dma_wait3A_107 : memref<80x64xf32, #tpu.memory_space<vmem>>) dst(%dma_wait3A_113 : memref<10000x64xf32, #tpu.memory_space<vmem_shared>>)
    %dma_wait3A_114 = arith.constant 5 : i32
    %dma_wait3A_115 = arith.constant 0 : i32
    %dma_wait3A_116 = arith.constant 0 : i32
    %dma_wait3A_117 = arith.constant 0 : i32
    %dma_wait3A_118 = tpu.memref_slice %arg9[%dma_wait3A_114, %dma_wait3A_116, %dma_wait3A_117] : memref<6x80x64xf32, #tpu.memory_space<vmem>> -> memref<1x80x64xf32, #tpu.memory_space<vmem>>
    %dma_wait3A_119 = tpu.memref_squeeze %dma_wait3A_118 : memref<1x80x64xf32, #tpu.memory_space<vmem>> -> memref<80x64xf32, #tpu.memory_space<vmem>>
    %dma_wait3A_120 = arith.constant 0 : i32
    %dma_wait3A_121 = tpu.memref_slice %arg8[%dma_wait3A_115, %dma_wait3A_120] : memref<125x80xi32, #tpu.memory_space<vmem>> -> memref<1x80xi32, #tpu.memory_space<vmem>>
    %dma_wait3A_122 = tpu.memref_squeeze %dma_wait3A_121 : memref<1x80xi32, #tpu.memory_space<vmem>> -> memref<80xi32, #tpu.memory_space<vmem>>
    %dma_wait3A_123 = arith.constant 0 : i32
    %dma_wait3A_124 = arith.constant 0 : i32
    %dma_wait3A_125 = tpu.memref_slice %arg10[%dma_wait3A_123, %dma_wait3A_124] : memref<10000x64xf32, #tpu.memory_space<vmem_shared>> -> memref<10000x64xf32, #tpu.memory_space<vmem_shared>>
    tpu.wait_indirect_dma semaphore(%arg22 : memref<!tpu.dma_semaphore, #tpu.memory_space<semaphore_mem>>) src(%dma_wait3A_119 : memref<80x64xf32, #tpu.memory_space<vmem>>) dst(%dma_wait3A_125 : memref<10000x64xf32, #tpu.memory_space<vmem_shared>>)
    %barrier3A_126 = arith.constant 0 : index
    tpu.barrier barrier_id(%barrier3A_126)
    %eq3A_127 = arith.constant 0 : i32
    %eq3A_128 = arith.cmpi eq, %arg1, %eq3A_127 : i32
    %convert_element_type3A_129 = arith.extui %eq3A_128 : i1 to i32
    %cond3A_130 = arith.constant 0 : i32
    %cond3A_131 = arith.cmpi ne, %convert_element_type3A_129, %cond3A_130 : i32
    scf.if %cond3A_131 {
      "tpu.region"() ({
        %run_scoped3A_132 = tpu.sem_alloc : memref<!tpu.dma_semaphore, #tpu.memory_space<semaphore_mem>>
        %dma_start3A_133 = arith.constant 0 : i32
        %dma_start3A_134 = arith.constant 0 : i32
        %dma_start3A_135 = tpu.memref_slice %arg6[%arg0, %dma_start3A_133, %dma_start3A_134] : memref<2x10000x64xf32, #tpu.memory_space<hbm>> -> memref<1x10000x64xf32, #tpu.memory_space<hbm>>
        %dma_start3A_136 = tpu.memref_squeeze %dma_start3A_135 : memref<1x10000x64xf32, #tpu.memory_space<hbm>> -> memref<10000x64xf32, #tpu.memory_space<hbm>>
        tpu.enqueue_dma source(%arg10 : memref<10000x64xf32, #tpu.memory_space<vmem_shared>>) target(%dma_start3A_136 : memref<10000x64xf32, #tpu.memory_space<hbm>>) target_semaphore(%run_scoped3A_132 : memref<!tpu.dma_semaphore, #tpu.memory_space<semaphore_mem>>)
        %dma_wait3A_137 = arith.constant 0 : i32
        %dma_wait3A_138 = arith.constant 0 : i32
        %dma_wait3A_139 = tpu.memref_slice %arg6[%arg0, %dma_wait3A_137, %dma_wait3A_138] : memref<2x10000x64xf32, #tpu.memory_space<hbm>> -> memref<1x10000x64xf32, #tpu.memory_space<hbm>>
        %dma_wait3A_140 = tpu.memref_squeeze %dma_wait3A_139 : memref<1x10000x64xf32, #tpu.memory_space<hbm>> -> memref<10000x64xf32, #tpu.memory_space<hbm>>
        tpu.wait_dma2 semaphore(%run_scoped3A_132 : memref<!tpu.dma_semaphore, #tpu.memory_space<semaphore_mem>>) src(%arg10 : memref<10000x64xf32, #tpu.memory_space<vmem_shared>>) dst(%dma_wait3A_140 : memref<10000x64xf32, #tpu.memory_space<hbm>>)
        tpu.yield
      }) : () -> ()
    } else {
    }
    return
  }
}

#map = affine_map<(d0, d1) -> (0, 0)>
#map1 = affine_map<(d0, d1) -> (0, 0, 0, 0, 0)>
#map2 = affine_map<(d0, d1) -> (0, 0, 0, 0)>
#map3 = affine_map<(d0, d1) -> (0, 0, 0)>
module attributes {stable_mosaic.version = 14 : i64} {
  func.func @agg_kernel(%arg0: i32, %arg1: i32, %arg2: memref<20000x64xf32, #tpu.memory_space<hbm>>, %arg3: memref<2x2x16x125x80xi32, #tpu.memory_space<hbm>>, %arg4: memref<2x16x125x80xi32, #tpu.memory_space<hbm>>, %arg5: memref<10000x64xf32, #tpu.memory_space<hbm>>, %arg6: memref<2x10000x64xf32, #tpu.memory_space<hbm>>, %arg7: memref<250x80xi32, #tpu.memory_space<vmem>>, %arg8: memref<250x80xi32, #tpu.memory_space<vmem>>, %arg9: memref<6x80x64xf32, #tpu.memory_space<vmem>>, %arg10: memref<10000x64xf32, #tpu.memory_space<vmem_shared>>, %arg11: memref<!tpu.dma_semaphore, #tpu.memory_space<semaphore_mem>>, %arg12: memref<!tpu.dma_semaphore, #tpu.memory_space<semaphore_mem>>, %arg13: memref<!tpu.dma_semaphore, #tpu.memory_space<semaphore_mem>>, %arg14: memref<!tpu.dma_semaphore, #tpu.memory_space<semaphore_mem>>, %arg15: memref<!tpu.dma_semaphore, #tpu.memory_space<semaphore_mem>>, %arg16: memref<!tpu.dma_semaphore, #tpu.memory_space<semaphore_mem>>, %arg17: memref<!tpu.dma_semaphore, #tpu.memory_space<semaphore_mem>>, %arg18: memref<!tpu.dma_semaphore, #tpu.memory_space<semaphore_mem>>, %arg19: memref<!tpu.dma_semaphore, #tpu.memory_space<semaphore_mem>>, %arg20: memref<!tpu.dma_semaphore, #tpu.memory_space<semaphore_mem>>, %arg21: memref<!tpu.dma_semaphore, #tpu.memory_space<semaphore_mem>>, %arg22: memref<!tpu.dma_semaphore, #tpu.memory_space<semaphore_mem>>) attributes {dimension_semantics = [#tpu.dimension_semantics<core_parallel>, #tpu.dimension_semantics<subcore_parallel>], iteration_bounds = array<i64: 2, 16>, scalar_prefetch = 0 : i64, scratch_operands = 16 : i64, tpu.core_type = #tpu.core_type<sc_vector_subcore>, window_params = [{transform_indices = #map}, {transform_indices = #map1}, {transform_indices = #map2}, {transform_indices = #map}, {transform_indices = #map3}]} {
    %eq3A = arith.constant 0 : i32
    %eq3A_0 = arith.cmpi eq, %arg1, %eq3A : i32
    %convert_element_type3A = arith.extui %eq3A_0 : i1 to i32
    %cond3A = arith.constant 0 : i32
    %cond3A_1 = arith.cmpi ne, %convert_element_type3A, %cond3A : i32
    scf.if %cond3A_1 {
      "tpu.region"() ({
        %run_scoped3A_144 = tpu.sem_alloc : memref<!tpu.dma_semaphore, #tpu.memory_space<semaphore_mem>>
        tpu.enqueue_dma source(%arg5 : memref<10000x64xf32, #tpu.memory_space<hbm>>) target(%arg10 : memref<10000x64xf32, #tpu.memory_space<vmem_shared>>) target_semaphore(%run_scoped3A_144 : memref<!tpu.dma_semaphore, #tpu.memory_space<semaphore_mem>>)
        tpu.wait_dma2 semaphore(%run_scoped3A_144 : memref<!tpu.dma_semaphore, #tpu.memory_space<semaphore_mem>>) src(%arg5 : memref<10000x64xf32, #tpu.memory_space<hbm>>) dst(%arg10 : memref<10000x64xf32, #tpu.memory_space<vmem_shared>>)
        tpu.yield
      }) : () -> ()
    } else {
    }
    %eq3A_2 = arith.constant 0 : i32
    %eq3A_3 = arith.cmpi eq, %arg0, %eq3A_2 : i32
    %convert_element_type3A_4 = arith.extui %eq3A_3 : i1 to i32
    %cond3A_5 = arith.constant 0 : i32
    %cond3A_6 = arith.cmpi ne, %convert_element_type3A_4, %cond3A_5 : i32
    scf.if %cond3A_6 {
      %run_scoped3A_144 = arith.constant 0 : i32
      %run_scoped3A_145 = arith.constant 0 : i32
      "tpu.region"() ({
        %run_scoped3A_148 = tpu.sem_alloc : memref<!tpu.dma_semaphore, #tpu.memory_space<semaphore_mem>>
        %dma_start3A_149 = arith.constant 0 : i32
        %dma_start3A_150 = arith.constant 0 : i32
        %dma_start3A_151 = tpu.memref_slice %arg7[%dma_start3A_149, %dma_start3A_150] : memref<250x80xi32, #tpu.memory_space<vmem>> -> memref<125x80xi32, #tpu.memory_space<vmem>>
        %dma_start3A_152 = arith.constant 0 : i32
        %dma_start3A_153 = arith.constant 0 : i32
        %dma_start3A_154 = tpu.memref_slice %arg3[%run_scoped3A_144, %run_scoped3A_145, %arg1, %dma_start3A_152, %dma_start3A_153] : memref<2x2x16x125x80xi32, #tpu.memory_space<hbm>> -> memref<1x1x1x125x80xi32, #tpu.memory_space<hbm>>
        %dma_start3A_155 = tpu.memref_squeeze %dma_start3A_154 : memref<1x1x1x125x80xi32, #tpu.memory_space<hbm>> -> memref<125x80xi32, #tpu.memory_space<hbm>>
        %dma_start3A_156 = arith.constant 0 : i32
        %dma_start3A_157 = arith.constant 0 : i32
        %dma_start3A_158 = tpu.memref_slice %arg7[%dma_start3A_156, %dma_start3A_157] : memref<250x80xi32, #tpu.memory_space<vmem>> -> memref<125x80xi32, #tpu.memory_space<vmem>>
        %dma_start3A_159 = arith.constant 0 : i32
        %dma_start3A_160 = arith.constant 0 : i32
        %dma_start3A_161 = tpu.memref_slice %arg3[%run_scoped3A_144, %run_scoped3A_145, %arg1, %dma_start3A_159, %dma_start3A_160] : memref<2x2x16x125x80xi32, #tpu.memory_space<hbm>> -> memref<1x1x1x125x80xi32, #tpu.memory_space<hbm>>
        %dma_start3A_162 = tpu.memref_squeeze %dma_start3A_161 : memref<1x1x1x125x80xi32, #tpu.memory_space<hbm>> -> memref<125x80xi32, #tpu.memory_space<hbm>>
        tpu.enqueue_dma source(%dma_start3A_162 : memref<125x80xi32, #tpu.memory_space<hbm>>) target(%dma_start3A_158 : memref<125x80xi32, #tpu.memory_space<vmem>>) target_semaphore(%run_scoped3A_148 : memref<!tpu.dma_semaphore, #tpu.memory_space<semaphore_mem>>)
        %dma_wait3A_163 = arith.constant 0 : i32
        %dma_wait3A_164 = arith.constant 0 : i32
        %dma_wait3A_165 = tpu.memref_slice %arg7[%dma_wait3A_163, %dma_wait3A_164] : memref<250x80xi32, #tpu.memory_space<vmem>> -> memref<125x80xi32, #tpu.memory_space<vmem>>
        %dma_wait3A_166 = arith.constant 0 : i32
        %dma_wait3A_167 = arith.constant 0 : i32
        %dma_wait3A_168 = tpu.memref_slice %arg3[%run_scoped3A_144, %run_scoped3A_145, %arg1, %dma_wait3A_166, %dma_wait3A_167] : memref<2x2x16x125x80xi32, #tpu.memory_space<hbm>> -> memref<1x1x1x125x80xi32, #tpu.memory_space<hbm>>
        %dma_wait3A_169 = tpu.memref_squeeze %dma_wait3A_168 : memref<1x1x1x125x80xi32, #tpu.memory_space<hbm>> -> memref<125x80xi32, #tpu.memory_space<hbm>>
        %dma_wait3A_170 = arith.constant 0 : i32
        %dma_wait3A_171 = arith.constant 0 : i32
        %dma_wait3A_172 = tpu.memref_slice %arg7[%dma_wait3A_170, %dma_wait3A_171] : memref<250x80xi32, #tpu.memory_space<vmem>> -> memref<125x80xi32, #tpu.memory_space<vmem>>
        %dma_wait3A_173 = arith.constant 0 : i32
        %dma_wait3A_174 = arith.constant 0 : i32
        %dma_wait3A_175 = tpu.memref_slice %arg3[%run_scoped3A_144, %run_scoped3A_145, %arg1, %dma_wait3A_173, %dma_wait3A_174] : memref<2x2x16x125x80xi32, #tpu.memory_space<hbm>> -> memref<1x1x1x125x80xi32, #tpu.memory_space<hbm>>
        %dma_wait3A_176 = tpu.memref_squeeze %dma_wait3A_175 : memref<1x1x1x125x80xi32, #tpu.memory_space<hbm>> -> memref<125x80xi32, #tpu.memory_space<hbm>>
        tpu.wait_dma2 semaphore(%run_scoped3A_148 : memref<!tpu.dma_semaphore, #tpu.memory_space<semaphore_mem>>) src(%dma_wait3A_176 : memref<125x80xi32, #tpu.memory_space<hbm>>) dst(%dma_wait3A_172 : memref<125x80xi32, #tpu.memory_space<vmem>>)
        tpu.yield
      }) : () -> ()
      %run_scoped3A_146 = arith.constant 0 : i32
      %run_scoped3A_147 = arith.constant 1 : i32
      "tpu.region"() ({
        %run_scoped3A_148 = tpu.sem_alloc : memref<!tpu.dma_semaphore, #tpu.memory_space<semaphore_mem>>
        %dma_start3A_149 = arith.constant 125 : i32
        %dma_start3A_150 = arith.constant 0 : i32
        %dma_start3A_151 = tpu.memref_slice %arg7[%dma_start3A_149, %dma_start3A_150] : memref<250x80xi32, #tpu.memory_space<vmem>> -> memref<125x80xi32, #tpu.memory_space<vmem>>
        %dma_start3A_152 = arith.constant 0 : i32
        %dma_start3A_153 = arith.constant 0 : i32
        %dma_start3A_154 = tpu.memref_slice %arg3[%run_scoped3A_146, %run_scoped3A_147, %arg1, %dma_start3A_152, %dma_start3A_153] : memref<2x2x16x125x80xi32, #tpu.memory_space<hbm>> -> memref<1x1x1x125x80xi32, #tpu.memory_space<hbm>>
        %dma_start3A_155 = tpu.memref_squeeze %dma_start3A_154 : memref<1x1x1x125x80xi32, #tpu.memory_space<hbm>> -> memref<125x80xi32, #tpu.memory_space<hbm>>
        %dma_start3A_156 = arith.constant 125 : i32
        %dma_start3A_157 = arith.constant 0 : i32
        %dma_start3A_158 = tpu.memref_slice %arg7[%dma_start3A_156, %dma_start3A_157] : memref<250x80xi32, #tpu.memory_space<vmem>> -> memref<125x80xi32, #tpu.memory_space<vmem>>
        %dma_start3A_159 = arith.constant 0 : i32
        %dma_start3A_160 = arith.constant 0 : i32
        %dma_start3A_161 = tpu.memref_slice %arg3[%run_scoped3A_146, %run_scoped3A_147, %arg1, %dma_start3A_159, %dma_start3A_160] : memref<2x2x16x125x80xi32, #tpu.memory_space<hbm>> -> memref<1x1x1x125x80xi32, #tpu.memory_space<hbm>>
        %dma_start3A_162 = tpu.memref_squeeze %dma_start3A_161 : memref<1x1x1x125x80xi32, #tpu.memory_space<hbm>> -> memref<125x80xi32, #tpu.memory_space<hbm>>
        tpu.enqueue_dma source(%dma_start3A_162 : memref<125x80xi32, #tpu.memory_space<hbm>>) target(%dma_start3A_158 : memref<125x80xi32, #tpu.memory_space<vmem>>) target_semaphore(%run_scoped3A_148 : memref<!tpu.dma_semaphore, #tpu.memory_space<semaphore_mem>>)
        %dma_wait3A_163 = arith.constant 125 : i32
        %dma_wait3A_164 = arith.constant 0 : i32
        %dma_wait3A_165 = tpu.memref_slice %arg7[%dma_wait3A_163, %dma_wait3A_164] : memref<250x80xi32, #tpu.memory_space<vmem>> -> memref<125x80xi32, #tpu.memory_space<vmem>>
        %dma_wait3A_166 = arith.constant 0 : i32
        %dma_wait3A_167 = arith.constant 0 : i32
        %dma_wait3A_168 = tpu.memref_slice %arg3[%run_scoped3A_146, %run_scoped3A_147, %arg1, %dma_wait3A_166, %dma_wait3A_167] : memref<2x2x16x125x80xi32, #tpu.memory_space<hbm>> -> memref<1x1x1x125x80xi32, #tpu.memory_space<hbm>>
        %dma_wait3A_169 = tpu.memref_squeeze %dma_wait3A_168 : memref<1x1x1x125x80xi32, #tpu.memory_space<hbm>> -> memref<125x80xi32, #tpu.memory_space<hbm>>
        %dma_wait3A_170 = arith.constant 125 : i32
        %dma_wait3A_171 = arith.constant 0 : i32
        %dma_wait3A_172 = tpu.memref_slice %arg7[%dma_wait3A_170, %dma_wait3A_171] : memref<250x80xi32, #tpu.memory_space<vmem>> -> memref<125x80xi32, #tpu.memory_space<vmem>>
        %dma_wait3A_173 = arith.constant 0 : i32
        %dma_wait3A_174 = arith.constant 0 : i32
        %dma_wait3A_175 = tpu.memref_slice %arg3[%run_scoped3A_146, %run_scoped3A_147, %arg1, %dma_wait3A_173, %dma_wait3A_174] : memref<2x2x16x125x80xi32, #tpu.memory_space<hbm>> -> memref<1x1x1x125x80xi32, #tpu.memory_space<hbm>>
        %dma_wait3A_176 = tpu.memref_squeeze %dma_wait3A_175 : memref<1x1x1x125x80xi32, #tpu.memory_space<hbm>> -> memref<125x80xi32, #tpu.memory_space<hbm>>
        tpu.wait_dma2 semaphore(%run_scoped3A_148 : memref<!tpu.dma_semaphore, #tpu.memory_space<semaphore_mem>>) src(%dma_wait3A_176 : memref<125x80xi32, #tpu.memory_space<hbm>>) dst(%dma_wait3A_172 : memref<125x80xi32, #tpu.memory_space<vmem>>)
        tpu.yield
      }) : () -> ()
    } else {
    }
    %eq3A_7 = arith.constant 1 : i32
    %eq3A_8 = arith.cmpi eq, %arg0, %eq3A_7 : i32
    %convert_element_type3A_9 = arith.extui %eq3A_8 : i1 to i32
    %cond3A_10 = arith.constant 0 : i32
    %cond3A_11 = arith.cmpi ne, %convert_element_type3A_9, %cond3A_10 : i32
    scf.if %cond3A_11 {
      %run_scoped3A_144 = arith.constant 0 : i32
      "tpu.region"() ({
        %run_scoped3A_146 = tpu.sem_alloc : memref<!tpu.dma_semaphore, #tpu.memory_space<semaphore_mem>>
        %dma_start3A_147 = arith.constant 0 : i32
        %dma_start3A_148 = arith.constant 0 : i32
        %dma_start3A_149 = tpu.memref_slice %arg7[%dma_start3A_147, %dma_start3A_148] : memref<250x80xi32, #tpu.memory_space<vmem>> -> memref<125x80xi32, #tpu.memory_space<vmem>>
        %dma_start3A_150 = arith.constant 0 : i32
        %dma_start3A_151 = arith.constant 0 : i32
        %dma_start3A_152 = tpu.memref_slice %arg4[%run_scoped3A_144, %arg1, %dma_start3A_150, %dma_start3A_151] : memref<2x16x125x80xi32, #tpu.memory_space<hbm>> -> memref<1x1x125x80xi32, #tpu.memory_space<hbm>>
        %dma_start3A_153 = tpu.memref_squeeze %dma_start3A_152 : memref<1x1x125x80xi32, #tpu.memory_space<hbm>> -> memref<125x80xi32, #tpu.memory_space<hbm>>
        %dma_start3A_154 = arith.constant 0 : i32
        %dma_start3A_155 = arith.constant 0 : i32
        %dma_start3A_156 = tpu.memref_slice %arg7[%dma_start3A_154, %dma_start3A_155] : memref<250x80xi32, #tpu.memory_space<vmem>> -> memref<125x80xi32, #tpu.memory_space<vmem>>
        %dma_start3A_157 = arith.constant 0 : i32
        %dma_start3A_158 = arith.constant 0 : i32
        %dma_start3A_159 = tpu.memref_slice %arg4[%run_scoped3A_144, %arg1, %dma_start3A_157, %dma_start3A_158] : memref<2x16x125x80xi32, #tpu.memory_space<hbm>> -> memref<1x1x125x80xi32, #tpu.memory_space<hbm>>
        %dma_start3A_160 = tpu.memref_squeeze %dma_start3A_159 : memref<1x1x125x80xi32, #tpu.memory_space<hbm>> -> memref<125x80xi32, #tpu.memory_space<hbm>>
        tpu.enqueue_dma source(%dma_start3A_160 : memref<125x80xi32, #tpu.memory_space<hbm>>) target(%dma_start3A_156 : memref<125x80xi32, #tpu.memory_space<vmem>>) target_semaphore(%run_scoped3A_146 : memref<!tpu.dma_semaphore, #tpu.memory_space<semaphore_mem>>)
        %dma_wait3A_161 = arith.constant 0 : i32
        %dma_wait3A_162 = arith.constant 0 : i32
        %dma_wait3A_163 = tpu.memref_slice %arg7[%dma_wait3A_161, %dma_wait3A_162] : memref<250x80xi32, #tpu.memory_space<vmem>> -> memref<125x80xi32, #tpu.memory_space<vmem>>
        %dma_wait3A_164 = arith.constant 0 : i32
        %dma_wait3A_165 = arith.constant 0 : i32
        %dma_wait3A_166 = tpu.memref_slice %arg4[%run_scoped3A_144, %arg1, %dma_wait3A_164, %dma_wait3A_165] : memref<2x16x125x80xi32, #tpu.memory_space<hbm>> -> memref<1x1x125x80xi32, #tpu.memory_space<hbm>>
        %dma_wait3A_167 = tpu.memref_squeeze %dma_wait3A_166 : memref<1x1x125x80xi32, #tpu.memory_space<hbm>> -> memref<125x80xi32, #tpu.memory_space<hbm>>
        %dma_wait3A_168 = arith.constant 0 : i32
        %dma_wait3A_169 = arith.constant 0 : i32
        %dma_wait3A_170 = tpu.memref_slice %arg7[%dma_wait3A_168, %dma_wait3A_169] : memref<250x80xi32, #tpu.memory_space<vmem>> -> memref<125x80xi32, #tpu.memory_space<vmem>>
        %dma_wait3A_171 = arith.constant 0 : i32
        %dma_wait3A_172 = arith.constant 0 : i32
        %dma_wait3A_173 = tpu.memref_slice %arg4[%run_scoped3A_144, %arg1, %dma_wait3A_171, %dma_wait3A_172] : memref<2x16x125x80xi32, #tpu.memory_space<hbm>> -> memref<1x1x125x80xi32, #tpu.memory_space<hbm>>
        %dma_wait3A_174 = tpu.memref_squeeze %dma_wait3A_173 : memref<1x1x125x80xi32, #tpu.memory_space<hbm>> -> memref<125x80xi32, #tpu.memory_space<hbm>>
        tpu.wait_dma2 semaphore(%run_scoped3A_146 : memref<!tpu.dma_semaphore, #tpu.memory_space<semaphore_mem>>) src(%dma_wait3A_174 : memref<125x80xi32, #tpu.memory_space<hbm>>) dst(%dma_wait3A_170 : memref<125x80xi32, #tpu.memory_space<vmem>>)
        tpu.yield
      }) : () -> ()
      %run_scoped3A_145 = arith.constant 1 : i32
      "tpu.region"() ({
        %run_scoped3A_146 = tpu.sem_alloc : memref<!tpu.dma_semaphore, #tpu.memory_space<semaphore_mem>>
        %dma_start3A_147 = arith.constant 125 : i32
        %dma_start3A_148 = arith.constant 0 : i32
        %dma_start3A_149 = tpu.memref_slice %arg7[%dma_start3A_147, %dma_start3A_148] : memref<250x80xi32, #tpu.memory_space<vmem>> -> memref<125x80xi32, #tpu.memory_space<vmem>>
        %dma_start3A_150 = arith.constant 0 : i32
        %dma_start3A_151 = arith.constant 0 : i32
        %dma_start3A_152 = tpu.memref_slice %arg4[%run_scoped3A_145, %arg1, %dma_start3A_150, %dma_start3A_151] : memref<2x16x125x80xi32, #tpu.memory_space<hbm>> -> memref<1x1x125x80xi32, #tpu.memory_space<hbm>>
        %dma_start3A_153 = tpu.memref_squeeze %dma_start3A_152 : memref<1x1x125x80xi32, #tpu.memory_space<hbm>> -> memref<125x80xi32, #tpu.memory_space<hbm>>
        %dma_start3A_154 = arith.constant 125 : i32
        %dma_start3A_155 = arith.constant 0 : i32
        %dma_start3A_156 = tpu.memref_slice %arg7[%dma_start3A_154, %dma_start3A_155] : memref<250x80xi32, #tpu.memory_space<vmem>> -> memref<125x80xi32, #tpu.memory_space<vmem>>
        %dma_start3A_157 = arith.constant 0 : i32
        %dma_start3A_158 = arith.constant 0 : i32
        %dma_start3A_159 = tpu.memref_slice %arg4[%run_scoped3A_145, %arg1, %dma_start3A_157, %dma_start3A_158] : memref<2x16x125x80xi32, #tpu.memory_space<hbm>> -> memref<1x1x125x80xi32, #tpu.memory_space<hbm>>
        %dma_start3A_160 = tpu.memref_squeeze %dma_start3A_159 : memref<1x1x125x80xi32, #tpu.memory_space<hbm>> -> memref<125x80xi32, #tpu.memory_space<hbm>>
        tpu.enqueue_dma source(%dma_start3A_160 : memref<125x80xi32, #tpu.memory_space<hbm>>) target(%dma_start3A_156 : memref<125x80xi32, #tpu.memory_space<vmem>>) target_semaphore(%run_scoped3A_146 : memref<!tpu.dma_semaphore, #tpu.memory_space<semaphore_mem>>)
        %dma_wait3A_161 = arith.constant 125 : i32
        %dma_wait3A_162 = arith.constant 0 : i32
        %dma_wait3A_163 = tpu.memref_slice %arg7[%dma_wait3A_161, %dma_wait3A_162] : memref<250x80xi32, #tpu.memory_space<vmem>> -> memref<125x80xi32, #tpu.memory_space<vmem>>
        %dma_wait3A_164 = arith.constant 0 : i32
        %dma_wait3A_165 = arith.constant 0 : i32
        %dma_wait3A_166 = tpu.memref_slice %arg4[%run_scoped3A_145, %arg1, %dma_wait3A_164, %dma_wait3A_165] : memref<2x16x125x80xi32, #tpu.memory_space<hbm>> -> memref<1x1x125x80xi32, #tpu.memory_space<hbm>>
        %dma_wait3A_167 = tpu.memref_squeeze %dma_wait3A_166 : memref<1x1x125x80xi32, #tpu.memory_space<hbm>> -> memref<125x80xi32, #tpu.memory_space<hbm>>
        %dma_wait3A_168 = arith.constant 125 : i32
        %dma_wait3A_169 = arith.constant 0 : i32
        %dma_wait3A_170 = tpu.memref_slice %arg7[%dma_wait3A_168, %dma_wait3A_169] : memref<250x80xi32, #tpu.memory_space<vmem>> -> memref<125x80xi32, #tpu.memory_space<vmem>>
        %dma_wait3A_171 = arith.constant 0 : i32
        %dma_wait3A_172 = arith.constant 0 : i32
        %dma_wait3A_173 = tpu.memref_slice %arg4[%run_scoped3A_145, %arg1, %dma_wait3A_171, %dma_wait3A_172] : memref<2x16x125x80xi32, #tpu.memory_space<hbm>> -> memref<1x1x125x80xi32, #tpu.memory_space<hbm>>
        %dma_wait3A_174 = tpu.memref_squeeze %dma_wait3A_173 : memref<1x1x125x80xi32, #tpu.memory_space<hbm>> -> memref<125x80xi32, #tpu.memory_space<hbm>>
        tpu.wait_dma2 semaphore(%run_scoped3A_146 : memref<!tpu.dma_semaphore, #tpu.memory_space<semaphore_mem>>) src(%dma_wait3A_174 : memref<125x80xi32, #tpu.memory_space<hbm>>) dst(%dma_wait3A_170 : memref<125x80xi32, #tpu.memory_space<vmem>>)
        tpu.yield
      }) : () -> ()
    } else {
    }
    %run_scoped3A = arith.constant 1 : i32
    %run_scoped3A_12 = arith.constant 0 : i32
    "tpu.region"() ({
      %run_scoped3A_144 = tpu.sem_alloc : memref<!tpu.dma_semaphore, #tpu.memory_space<semaphore_mem>>
      %dma_start3A_145 = arith.constant 0 : i32
      %dma_start3A_146 = arith.constant 0 : i32
      %dma_start3A_147 = tpu.memref_slice %arg8[%dma_start3A_145, %dma_start3A_146] : memref<250x80xi32, #tpu.memory_space<vmem>> -> memref<125x80xi32, #tpu.memory_space<vmem>>
      %dma_start3A_148 = arith.constant 0 : i32
      %dma_start3A_149 = arith.constant 0 : i32
      %dma_start3A_150 = tpu.memref_slice %arg3[%run_scoped3A, %run_scoped3A_12, %arg1, %dma_start3A_148, %dma_start3A_149] : memref<2x2x16x125x80xi32, #tpu.memory_space<hbm>> -> memref<1x1x1x125x80xi32, #tpu.memory_space<hbm>>
      %dma_start3A_151 = tpu.memref_squeeze %dma_start3A_150 : memref<1x1x1x125x80xi32, #tpu.memory_space<hbm>> -> memref<125x80xi32, #tpu.memory_space<hbm>>
      %dma_start3A_152 = arith.constant 0 : i32
      %dma_start3A_153 = arith.constant 0 : i32
      %dma_start3A_154 = tpu.memref_slice %arg8[%dma_start3A_152, %dma_start3A_153] : memref<250x80xi32, #tpu.memory_space<vmem>> -> memref<125x80xi32, #tpu.memory_space<vmem>>
      %dma_start3A_155 = arith.constant 0 : i32
      %dma_start3A_156 = arith.constant 0 : i32
      %dma_start3A_157 = tpu.memref_slice %arg3[%run_scoped3A, %run_scoped3A_12, %arg1, %dma_start3A_155, %dma_start3A_156] : memref<2x2x16x125x80xi32, #tpu.memory_space<hbm>> -> memref<1x1x1x125x80xi32, #tpu.memory_space<hbm>>
      %dma_start3A_158 = tpu.memref_squeeze %dma_start3A_157 : memref<1x1x1x125x80xi32, #tpu.memory_space<hbm>> -> memref<125x80xi32, #tpu.memory_space<hbm>>
      tpu.enqueue_dma source(%dma_start3A_158 : memref<125x80xi32, #tpu.memory_space<hbm>>) target(%dma_start3A_154 : memref<125x80xi32, #tpu.memory_space<vmem>>) target_semaphore(%run_scoped3A_144 : memref<!tpu.dma_semaphore, #tpu.memory_space<semaphore_mem>>)
      %dma_wait3A_159 = arith.constant 0 : i32
      %dma_wait3A_160 = arith.constant 0 : i32
      %dma_wait3A_161 = tpu.memref_slice %arg8[%dma_wait3A_159, %dma_wait3A_160] : memref<250x80xi32, #tpu.memory_space<vmem>> -> memref<125x80xi32, #tpu.memory_space<vmem>>
      %dma_wait3A_162 = arith.constant 0 : i32
      %dma_wait3A_163 = arith.constant 0 : i32
      %dma_wait3A_164 = tpu.memref_slice %arg3[%run_scoped3A, %run_scoped3A_12, %arg1, %dma_wait3A_162, %dma_wait3A_163] : memref<2x2x16x125x80xi32, #tpu.memory_space<hbm>> -> memref<1x1x1x125x80xi32, #tpu.memory_space<hbm>>
      %dma_wait3A_165 = tpu.memref_squeeze %dma_wait3A_164 : memref<1x1x1x125x80xi32, #tpu.memory_space<hbm>> -> memref<125x80xi32, #tpu.memory_space<hbm>>
      %dma_wait3A_166 = arith.constant 0 : i32
      %dma_wait3A_167 = arith.constant 0 : i32
      %dma_wait3A_168 = tpu.memref_slice %arg8[%dma_wait3A_166, %dma_wait3A_167] : memref<250x80xi32, #tpu.memory_space<vmem>> -> memref<125x80xi32, #tpu.memory_space<vmem>>
      %dma_wait3A_169 = arith.constant 0 : i32
      %dma_wait3A_170 = arith.constant 0 : i32
      %dma_wait3A_171 = tpu.memref_slice %arg3[%run_scoped3A, %run_scoped3A_12, %arg1, %dma_wait3A_169, %dma_wait3A_170] : memref<2x2x16x125x80xi32, #tpu.memory_space<hbm>> -> memref<1x1x1x125x80xi32, #tpu.memory_space<hbm>>
      %dma_wait3A_172 = tpu.memref_squeeze %dma_wait3A_171 : memref<1x1x1x125x80xi32, #tpu.memory_space<hbm>> -> memref<125x80xi32, #tpu.memory_space<hbm>>
      tpu.wait_dma2 semaphore(%run_scoped3A_144 : memref<!tpu.dma_semaphore, #tpu.memory_space<semaphore_mem>>) src(%dma_wait3A_172 : memref<125x80xi32, #tpu.memory_space<hbm>>) dst(%dma_wait3A_168 : memref<125x80xi32, #tpu.memory_space<vmem>>)
      tpu.yield
    }) : () -> ()
    %run_scoped3A_13 = arith.constant 1 : i32
    %run_scoped3A_14 = arith.constant 1 : i32
    "tpu.region"() ({
      %run_scoped3A_144 = tpu.sem_alloc : memref<!tpu.dma_semaphore, #tpu.memory_space<semaphore_mem>>
      %dma_start3A_145 = arith.constant 125 : i32
      %dma_start3A_146 = arith.constant 0 : i32
      %dma_start3A_147 = tpu.memref_slice %arg8[%dma_start3A_145, %dma_start3A_146] : memref<250x80xi32, #tpu.memory_space<vmem>> -> memref<125x80xi32, #tpu.memory_space<vmem>>
      %dma_start3A_148 = arith.constant 0 : i32
      %dma_start3A_149 = arith.constant 0 : i32
      %dma_start3A_150 = tpu.memref_slice %arg3[%run_scoped3A_13, %run_scoped3A_14, %arg1, %dma_start3A_148, %dma_start3A_149] : memref<2x2x16x125x80xi32, #tpu.memory_space<hbm>> -> memref<1x1x1x125x80xi32, #tpu.memory_space<hbm>>
      %dma_start3A_151 = tpu.memref_squeeze %dma_start3A_150 : memref<1x1x1x125x80xi32, #tpu.memory_space<hbm>> -> memref<125x80xi32, #tpu.memory_space<hbm>>
      %dma_start3A_152 = arith.constant 125 : i32
      %dma_start3A_153 = arith.constant 0 : i32
      %dma_start3A_154 = tpu.memref_slice %arg8[%dma_start3A_152, %dma_start3A_153] : memref<250x80xi32, #tpu.memory_space<vmem>> -> memref<125x80xi32, #tpu.memory_space<vmem>>
      %dma_start3A_155 = arith.constant 0 : i32
      %dma_start3A_156 = arith.constant 0 : i32
      %dma_start3A_157 = tpu.memref_slice %arg3[%run_scoped3A_13, %run_scoped3A_14, %arg1, %dma_start3A_155, %dma_start3A_156] : memref<2x2x16x125x80xi32, #tpu.memory_space<hbm>> -> memref<1x1x1x125x80xi32, #tpu.memory_space<hbm>>
      %dma_start3A_158 = tpu.memref_squeeze %dma_start3A_157 : memref<1x1x1x125x80xi32, #tpu.memory_space<hbm>> -> memref<125x80xi32, #tpu.memory_space<hbm>>
      tpu.enqueue_dma source(%dma_start3A_158 : memref<125x80xi32, #tpu.memory_space<hbm>>) target(%dma_start3A_154 : memref<125x80xi32, #tpu.memory_space<vmem>>) target_semaphore(%run_scoped3A_144 : memref<!tpu.dma_semaphore, #tpu.memory_space<semaphore_mem>>)
      %dma_wait3A_159 = arith.constant 125 : i32
      %dma_wait3A_160 = arith.constant 0 : i32
      %dma_wait3A_161 = tpu.memref_slice %arg8[%dma_wait3A_159, %dma_wait3A_160] : memref<250x80xi32, #tpu.memory_space<vmem>> -> memref<125x80xi32, #tpu.memory_space<vmem>>
      %dma_wait3A_162 = arith.constant 0 : i32
      %dma_wait3A_163 = arith.constant 0 : i32
      %dma_wait3A_164 = tpu.memref_slice %arg3[%run_scoped3A_13, %run_scoped3A_14, %arg1, %dma_wait3A_162, %dma_wait3A_163] : memref<2x2x16x125x80xi32, #tpu.memory_space<hbm>> -> memref<1x1x1x125x80xi32, #tpu.memory_space<hbm>>
      %dma_wait3A_165 = tpu.memref_squeeze %dma_wait3A_164 : memref<1x1x1x125x80xi32, #tpu.memory_space<hbm>> -> memref<125x80xi32, #tpu.memory_space<hbm>>
      %dma_wait3A_166 = arith.constant 125 : i32
      %dma_wait3A_167 = arith.constant 0 : i32
      %dma_wait3A_168 = tpu.memref_slice %arg8[%dma_wait3A_166, %dma_wait3A_167] : memref<250x80xi32, #tpu.memory_space<vmem>> -> memref<125x80xi32, #tpu.memory_space<vmem>>
      %dma_wait3A_169 = arith.constant 0 : i32
      %dma_wait3A_170 = arith.constant 0 : i32
      %dma_wait3A_171 = tpu.memref_slice %arg3[%run_scoped3A_13, %run_scoped3A_14, %arg1, %dma_wait3A_169, %dma_wait3A_170] : memref<2x2x16x125x80xi32, #tpu.memory_space<hbm>> -> memref<1x1x1x125x80xi32, #tpu.memory_space<hbm>>
      %dma_wait3A_172 = tpu.memref_squeeze %dma_wait3A_171 : memref<1x1x1x125x80xi32, #tpu.memory_space<hbm>> -> memref<125x80xi32, #tpu.memory_space<hbm>>
      tpu.wait_dma2 semaphore(%run_scoped3A_144 : memref<!tpu.dma_semaphore, #tpu.memory_space<semaphore_mem>>) src(%dma_wait3A_172 : memref<125x80xi32, #tpu.memory_space<hbm>>) dst(%dma_wait3A_168 : memref<125x80xi32, #tpu.memory_space<vmem>>)
      tpu.yield
    }) : () -> ()
    %barrier3A = arith.constant 0 : index
    tpu.barrier barrier_id(%barrier3A)
    %dma_start3A = arith.constant 0 : i32
    %dma_start3A_15 = arith.constant 0 : i32
    %dma_start3A_16 = arith.constant 0 : i32
    %dma_start3A_17 = arith.constant 0 : i32
    %dma_start3A_18 = tpu.memref_slice %arg9[%dma_start3A_15, %dma_start3A_16, %dma_start3A_17] : memref<6x80x64xf32, #tpu.memory_space<vmem>> -> memref<1x80x64xf32, #tpu.memory_space<vmem>>
    %dma_start3A_19 = tpu.memref_squeeze %dma_start3A_18 : memref<1x80x64xf32, #tpu.memory_space<vmem>> -> memref<80x64xf32, #tpu.memory_space<vmem>>
    %dma_start3A_20 = arith.constant 0 : i32
    %dma_start3A_21 = tpu.memref_slice %arg7[%dma_start3A, %dma_start3A_20] : memref<250x80xi32, #tpu.memory_space<vmem>> -> memref<1x80xi32, #tpu.memory_space<vmem>>
    %dma_start3A_22 = tpu.memref_squeeze %dma_start3A_21 : memref<1x80xi32, #tpu.memory_space<vmem>> -> memref<80xi32, #tpu.memory_space<vmem>>
    %dma_start3A_23 = arith.constant 0 : i32
    %dma_start3A_24 = arith.constant 0 : i32
    %dma_start3A_25 = tpu.memref_slice %arg2[%dma_start3A_23, %dma_start3A_24] : memref<20000x64xf32, #tpu.memory_space<hbm>> -> memref<20000x64xf32, #tpu.memory_space<hbm>>
    tpu.enqueue_indirect_dma source(%dma_start3A_25 : memref<20000x64xf32, #tpu.memory_space<hbm>>) target(%dma_start3A_19 : memref<80x64xf32, #tpu.memory_space<vmem>>) offsets(%dma_start3A_22 : memref<80xi32, #tpu.memory_space<vmem>>) semaphore(%arg11 : memref<!tpu.dma_semaphore, #tpu.memory_space<semaphore_mem>>)
    %dma_start3A_26 = arith.constant 1 : i32
    %dma_start3A_27 = arith.constant 1 : i32
    %dma_start3A_28 = arith.constant 0 : i32
    %dma_start3A_29 = arith.constant 0 : i32
    %dma_start3A_30 = tpu.memref_slice %arg9[%dma_start3A_27, %dma_start3A_28, %dma_start3A_29] : memref<6x80x64xf32, #tpu.memory_space<vmem>> -> memref<1x80x64xf32, #tpu.memory_space<vmem>>
    %dma_start3A_31 = tpu.memref_squeeze %dma_start3A_30 : memref<1x80x64xf32, #tpu.memory_space<vmem>> -> memref<80x64xf32, #tpu.memory_space<vmem>>
    %dma_start3A_32 = arith.constant 0 : i32
    %dma_start3A_33 = tpu.memref_slice %arg7[%dma_start3A_26, %dma_start3A_32] : memref<250x80xi32, #tpu.memory_space<vmem>> -> memref<1x80xi32, #tpu.memory_space<vmem>>
    %dma_start3A_34 = tpu.memref_squeeze %dma_start3A_33 : memref<1x80xi32, #tpu.memory_space<vmem>> -> memref<80xi32, #tpu.memory_space<vmem>>
    %dma_start3A_35 = arith.constant 0 : i32
    %dma_start3A_36 = arith.constant 0 : i32
    %dma_start3A_37 = tpu.memref_slice %arg2[%dma_start3A_35, %dma_start3A_36] : memref<20000x64xf32, #tpu.memory_space<hbm>> -> memref<20000x64xf32, #tpu.memory_space<hbm>>
    tpu.enqueue_indirect_dma source(%dma_start3A_37 : memref<20000x64xf32, #tpu.memory_space<hbm>>) target(%dma_start3A_31 : memref<80x64xf32, #tpu.memory_space<vmem>>) offsets(%dma_start3A_34 : memref<80xi32, #tpu.memory_space<vmem>>) semaphore(%arg12 : memref<!tpu.dma_semaphore, #tpu.memory_space<semaphore_mem>>)
    %dma_start3A_38 = arith.constant 2 : i32
    %dma_start3A_39 = arith.constant 2 : i32
    %dma_start3A_40 = arith.constant 0 : i32
    %dma_start3A_41 = arith.constant 0 : i32
    %dma_start3A_42 = tpu.memref_slice %arg9[%dma_start3A_39, %dma_start3A_40, %dma_start3A_41] : memref<6x80x64xf32, #tpu.memory_space<vmem>> -> memref<1x80x64xf32, #tpu.memory_space<vmem>>
    %dma_start3A_43 = tpu.memref_squeeze %dma_start3A_42 : memref<1x80x64xf32, #tpu.memory_space<vmem>> -> memref<80x64xf32, #tpu.memory_space<vmem>>
    %dma_start3A_44 = arith.constant 0 : i32
    %dma_start3A_45 = tpu.memref_slice %arg7[%dma_start3A_38, %dma_start3A_44] : memref<250x80xi32, #tpu.memory_space<vmem>> -> memref<1x80xi32, #tpu.memory_space<vmem>>
    %dma_start3A_46 = tpu.memref_squeeze %dma_start3A_45 : memref<1x80xi32, #tpu.memory_space<vmem>> -> memref<80xi32, #tpu.memory_space<vmem>>
    %dma_start3A_47 = arith.constant 0 : i32
    %dma_start3A_48 = arith.constant 0 : i32
    %dma_start3A_49 = tpu.memref_slice %arg2[%dma_start3A_47, %dma_start3A_48] : memref<20000x64xf32, #tpu.memory_space<hbm>> -> memref<20000x64xf32, #tpu.memory_space<hbm>>
    tpu.enqueue_indirect_dma source(%dma_start3A_49 : memref<20000x64xf32, #tpu.memory_space<hbm>>) target(%dma_start3A_43 : memref<80x64xf32, #tpu.memory_space<vmem>>) offsets(%dma_start3A_46 : memref<80xi32, #tpu.memory_space<vmem>>) semaphore(%arg13 : memref<!tpu.dma_semaphore, #tpu.memory_space<semaphore_mem>>)
    %dma_start3A_50 = arith.constant 3 : i32
    %dma_start3A_51 = arith.constant 3 : i32
    %dma_start3A_52 = arith.constant 0 : i32
    %dma_start3A_53 = arith.constant 0 : i32
    %dma_start3A_54 = tpu.memref_slice %arg9[%dma_start3A_51, %dma_start3A_52, %dma_start3A_53] : memref<6x80x64xf32, #tpu.memory_space<vmem>> -> memref<1x80x64xf32, #tpu.memory_space<vmem>>
    %dma_start3A_55 = tpu.memref_squeeze %dma_start3A_54 : memref<1x80x64xf32, #tpu.memory_space<vmem>> -> memref<80x64xf32, #tpu.memory_space<vmem>>
    %dma_start3A_56 = arith.constant 0 : i32
    %dma_start3A_57 = tpu.memref_slice %arg7[%dma_start3A_50, %dma_start3A_56] : memref<250x80xi32, #tpu.memory_space<vmem>> -> memref<1x80xi32, #tpu.memory_space<vmem>>
    %dma_start3A_58 = tpu.memref_squeeze %dma_start3A_57 : memref<1x80xi32, #tpu.memory_space<vmem>> -> memref<80xi32, #tpu.memory_space<vmem>>
    %dma_start3A_59 = arith.constant 0 : i32
    %dma_start3A_60 = arith.constant 0 : i32
    %dma_start3A_61 = tpu.memref_slice %arg2[%dma_start3A_59, %dma_start3A_60] : memref<20000x64xf32, #tpu.memory_space<hbm>> -> memref<20000x64xf32, #tpu.memory_space<hbm>>
    tpu.enqueue_indirect_dma source(%dma_start3A_61 : memref<20000x64xf32, #tpu.memory_space<hbm>>) target(%dma_start3A_55 : memref<80x64xf32, #tpu.memory_space<vmem>>) offsets(%dma_start3A_58 : memref<80xi32, #tpu.memory_space<vmem>>) semaphore(%arg14 : memref<!tpu.dma_semaphore, #tpu.memory_space<semaphore_mem>>)
    %scan3A = arith.constant 0 : i32
    %scan3A_62 = arith.constant 0 : i32
    %scan3A_63 = arith.constant 250 : i32
    %scan3A_64 = arith.addi %scan3A_62, %scan3A_63 : i32
    %scan3A_65 = arith.constant 1 : i32
    scf.for %scan3A_144 = %scan3A_62 to %scan3A_64 step %scan3A_65  : i32 {
      %jit3A = arith.constant 6 : i32
      %eq3A_145 = arith.constant 0 : i32
      %eq3A_146 = arith.cmpi eq, %jit3A, %eq3A_145 : i32
      %jit3A_147 = arith.constant 1 : i32
      %select_n3A = arith.select %eq3A_146, %jit3A_147, %jit3A : i32
      %rem3A = arith.remsi %scan3A_144, %select_n3A : i32
      %ne3A = arith.constant 0 : i32
      %ne3A_148 = arith.cmpi ne, %rem3A, %ne3A : i32
      %lt3A = arith.constant 0 : i32
      %lt3A_149 = arith.cmpi slt, %rem3A, %lt3A : i32
      %lt3A_150 = arith.constant 0 : i32
      %lt3A_151 = arith.cmpi slt, %select_n3A, %lt3A_150 : i32
      %ne3A_152 = arith.xori %lt3A_149, %lt3A_151 : i1
      %and3A = arith.andi %ne3A_152, %ne3A_148 : i1
      %add3A = arith.addi %rem3A, %select_n3A : i32
      %select_n3A_153 = arith.select %and3A, %add3A, %rem3A : i32
      %eq3A_154 = arith.constant 0 : i32
      %eq3A_155 = arith.cmpi eq, %select_n3A_153, %eq3A_154 : i32
      %convert_element_type3A_156 = arith.extui %eq3A_155 : i1 to i32
      %cond3A_157 = arith.constant 0 : i32
      %cond3A_158 = arith.cmpi ne, %convert_element_type3A_156, %cond3A_157 : i32
      scf.if %cond3A_158 {
        %add3A_264 = arith.constant 4 : i32
        %add3A_265 = arith.addi %scan3A_144, %add3A_264 : i32
        %lt3A_266 = arith.constant 250 : i32
        %lt3A_267 = arith.cmpi slt, %add3A_265, %lt3A_266 : i32
        %convert_element_type3A_268 = arith.extui %lt3A_267 : i1 to i32
        %cond3A_269 = arith.constant 0 : i32
        %cond3A_270 = arith.cmpi ne, %convert_element_type3A_268, %cond3A_269 : i32
        scf.if %cond3A_270 {
          %ge3A = arith.constant 2 : i32
          %ge3A_293 = arith.cmpi sge, %scan3A_144, %ge3A : i32
          %convert_element_type3A_294 = arith.extui %ge3A_293 : i1 to i32
          %cond3A_295 = arith.constant 0 : i32
          %cond3A_296 = arith.cmpi ne, %convert_element_type3A_294, %cond3A_295 : i32
          scf.if %cond3A_296 {
            %sub3A = arith.constant 2 : i32
            %sub3A_310 = arith.subi %scan3A_144, %sub3A : i32
            %dma_wait3A_311 = arith.constant 4 : i32
            %dma_wait3A_312 = arith.constant 0 : i32
            %dma_wait3A_313 = arith.constant 0 : i32
            %dma_wait3A_314 = tpu.memref_slice %arg9[%dma_wait3A_311, %dma_wait3A_312, %dma_wait3A_313] : memref<6x80x64xf32, #tpu.memory_space<vmem>> -> memref<1x80x64xf32, #tpu.memory_space<vmem>>
            %dma_wait3A_315 = tpu.memref_squeeze %dma_wait3A_314 : memref<1x80x64xf32, #tpu.memory_space<vmem>> -> memref<80x64xf32, #tpu.memory_space<vmem>>
            %dma_wait3A_316 = arith.constant 0 : i32
            %dma_wait3A_317 = tpu.memref_slice %arg8[%sub3A_310, %dma_wait3A_316] : memref<250x80xi32, #tpu.memory_space<vmem>> -> memref<1x80xi32, #tpu.memory_space<vmem>>
            %dma_wait3A_318 = tpu.memref_squeeze %dma_wait3A_317 : memref<1x80xi32, #tpu.memory_space<vmem>> -> memref<80xi32, #tpu.memory_space<vmem>>
            %dma_wait3A_319 = arith.constant 0 : i32
            %dma_wait3A_320 = arith.constant 0 : i32
            %dma_wait3A_321 = tpu.memref_slice %arg10[%dma_wait3A_319, %dma_wait3A_320] : memref<10000x64xf32, #tpu.memory_space<vmem_shared>> -> memref<10000x64xf32, #tpu.memory_space<vmem_shared>>
            tpu.wait_indirect_dma semaphore(%arg21 : memref<!tpu.dma_semaphore, #tpu.memory_space<semaphore_mem>>) src(%dma_wait3A_315 : memref<80x64xf32, #tpu.memory_space<vmem>>) dst(%dma_wait3A_321 : memref<10000x64xf32, #tpu.memory_space<vmem_shared>>)
          } else {
          }
          %add3A_297 = arith.constant 4 : i32
          %add3A_298 = arith.addi %scan3A_144, %add3A_297 : i32
          %dma_start3A_299 = arith.constant 4 : i32
          %dma_start3A_300 = arith.constant 0 : i32
          %dma_start3A_301 = arith.constant 0 : i32
          %dma_start3A_302 = tpu.memref_slice %arg9[%dma_start3A_299, %dma_start3A_300, %dma_start3A_301] : memref<6x80x64xf32, #tpu.memory_space<vmem>> -> memref<1x80x64xf32, #tpu.memory_space<vmem>>
          %dma_start3A_303 = tpu.memref_squeeze %dma_start3A_302 : memref<1x80x64xf32, #tpu.memory_space<vmem>> -> memref<80x64xf32, #tpu.memory_space<vmem>>
          %dma_start3A_304 = arith.constant 0 : i32
          %dma_start3A_305 = tpu.memref_slice %arg7[%add3A_298, %dma_start3A_304] : memref<250x80xi32, #tpu.memory_space<vmem>> -> memref<1x80xi32, #tpu.memory_space<vmem>>
          %dma_start3A_306 = tpu.memref_squeeze %dma_start3A_305 : memref<1x80xi32, #tpu.memory_space<vmem>> -> memref<80xi32, #tpu.memory_space<vmem>>
          %dma_start3A_307 = arith.constant 0 : i32
          %dma_start3A_308 = arith.constant 0 : i32
          %dma_start3A_309 = tpu.memref_slice %arg2[%dma_start3A_307, %dma_start3A_308] : memref<20000x64xf32, #tpu.memory_space<hbm>> -> memref<20000x64xf32, #tpu.memory_space<hbm>>
          tpu.enqueue_indirect_dma source(%dma_start3A_309 : memref<20000x64xf32, #tpu.memory_space<hbm>>) target(%dma_start3A_303 : memref<80x64xf32, #tpu.memory_space<vmem>>) offsets(%dma_start3A_306 : memref<80xi32, #tpu.memory_space<vmem>>) semaphore(%arg15 : memref<!tpu.dma_semaphore, #tpu.memory_space<semaphore_mem>>)
        } else {
        }
        %dma_wait3A_271 = arith.constant 0 : i32
        %dma_wait3A_272 = arith.constant 0 : i32
        %dma_wait3A_273 = arith.constant 0 : i32
        %dma_wait3A_274 = tpu.memref_slice %arg9[%dma_wait3A_271, %dma_wait3A_272, %dma_wait3A_273] : memref<6x80x64xf32, #tpu.memory_space<vmem>> -> memref<1x80x64xf32, #tpu.memory_space<vmem>>
        %dma_wait3A_275 = tpu.memref_squeeze %dma_wait3A_274 : memref<1x80x64xf32, #tpu.memory_space<vmem>> -> memref<80x64xf32, #tpu.memory_space<vmem>>
        %dma_wait3A_276 = arith.constant 0 : i32
        %dma_wait3A_277 = tpu.memref_slice %arg7[%scan3A_144, %dma_wait3A_276] : memref<250x80xi32, #tpu.memory_space<vmem>> -> memref<1x80xi32, #tpu.memory_space<vmem>>
        %dma_wait3A_278 = tpu.memref_squeeze %dma_wait3A_277 : memref<1x80xi32, #tpu.memory_space<vmem>> -> memref<80xi32, #tpu.memory_space<vmem>>
        %dma_wait3A_279 = arith.constant 0 : i32
        %dma_wait3A_280 = arith.constant 0 : i32
        %dma_wait3A_281 = tpu.memref_slice %arg2[%dma_wait3A_279, %dma_wait3A_280] : memref<20000x64xf32, #tpu.memory_space<hbm>> -> memref<20000x64xf32, #tpu.memory_space<hbm>>
        tpu.wait_indirect_dma semaphore(%arg11 : memref<!tpu.dma_semaphore, #tpu.memory_space<semaphore_mem>>) src(%dma_wait3A_281 : memref<20000x64xf32, #tpu.memory_space<hbm>>) dst(%dma_wait3A_275 : memref<80x64xf32, #tpu.memory_space<vmem>>)
        %dma_start3A_282 = arith.constant 0 : i32
        %dma_start3A_283 = arith.constant 0 : i32
        %dma_start3A_284 = arith.constant 0 : i32
        %dma_start3A_285 = tpu.memref_slice %arg9[%dma_start3A_282, %dma_start3A_283, %dma_start3A_284] : memref<6x80x64xf32, #tpu.memory_space<vmem>> -> memref<1x80x64xf32, #tpu.memory_space<vmem>>
        %dma_start3A_286 = tpu.memref_squeeze %dma_start3A_285 : memref<1x80x64xf32, #tpu.memory_space<vmem>> -> memref<80x64xf32, #tpu.memory_space<vmem>>
        %dma_start3A_287 = arith.constant 0 : i32
        %dma_start3A_288 = tpu.memref_slice %arg8[%scan3A_144, %dma_start3A_287] : memref<250x80xi32, #tpu.memory_space<vmem>> -> memref<1x80xi32, #tpu.memory_space<vmem>>
        %dma_start3A_289 = tpu.memref_squeeze %dma_start3A_288 : memref<1x80xi32, #tpu.memory_space<vmem>> -> memref<80xi32, #tpu.memory_space<vmem>>
        %dma_start3A_290 = arith.constant 0 : i32
        %dma_start3A_291 = arith.constant 0 : i32
        %dma_start3A_292 = tpu.memref_slice %arg10[%dma_start3A_290, %dma_start3A_291] : memref<10000x64xf32, #tpu.memory_space<vmem_shared>> -> memref<10000x64xf32, #tpu.memory_space<vmem_shared>>
        tpu.enqueue_indirect_dma source(%dma_start3A_286 : memref<80x64xf32, #tpu.memory_space<vmem>>) target(%dma_start3A_292 : memref<10000x64xf32, #tpu.memory_space<vmem_shared>>) offsets(%dma_start3A_289 : memref<80xi32, #tpu.memory_space<vmem>>) semaphore(%arg17 : memref<!tpu.dma_semaphore, #tpu.memory_space<semaphore_mem>>) {add = true}
      } else {
      }
      %jit3A_159 = arith.constant 6 : i32
      %eq3A_160 = arith.constant 0 : i32
      %eq3A_161 = arith.cmpi eq, %jit3A_159, %eq3A_160 : i32
      %jit3A_162 = arith.constant 1 : i32
      %select_n3A_163 = arith.select %eq3A_161, %jit3A_162, %jit3A_159 : i32
      %rem3A_164 = arith.remsi %scan3A_144, %select_n3A_163 : i32
      %ne3A_165 = arith.constant 0 : i32
      %ne3A_166 = arith.cmpi ne, %rem3A_164, %ne3A_165 : i32
      %lt3A_167 = arith.constant 0 : i32
      %lt3A_168 = arith.cmpi slt, %rem3A_164, %lt3A_167 : i32
      %lt3A_169 = arith.constant 0 : i32
      %lt3A_170 = arith.cmpi slt, %select_n3A_163, %lt3A_169 : i32
      %ne3A_171 = arith.xori %lt3A_168, %lt3A_170 : i1
      %and3A_172 = arith.andi %ne3A_171, %ne3A_166 : i1
      %add3A_173 = arith.addi %rem3A_164, %select_n3A_163 : i32
      %select_n3A_174 = arith.select %and3A_172, %add3A_173, %rem3A_164 : i32
      %eq3A_175 = arith.constant 1 : i32
      %eq3A_176 = arith.cmpi eq, %select_n3A_174, %eq3A_175 : i32
      %convert_element_type3A_177 = arith.extui %eq3A_176 : i1 to i32
      %cond3A_178 = arith.constant 0 : i32
      %cond3A_179 = arith.cmpi ne, %convert_element_type3A_177, %cond3A_178 : i32
      scf.if %cond3A_179 {
        %add3A_264 = arith.constant 4 : i32
        %add3A_265 = arith.addi %scan3A_144, %add3A_264 : i32
        %lt3A_266 = arith.constant 250 : i32
        %lt3A_267 = arith.cmpi slt, %add3A_265, %lt3A_266 : i32
        %convert_element_type3A_268 = arith.extui %lt3A_267 : i1 to i32
        %cond3A_269 = arith.constant 0 : i32
        %cond3A_270 = arith.cmpi ne, %convert_element_type3A_268, %cond3A_269 : i32
        scf.if %cond3A_270 {
          %ge3A = arith.constant 2 : i32
          %ge3A_293 = arith.cmpi sge, %scan3A_144, %ge3A : i32
          %convert_element_type3A_294 = arith.extui %ge3A_293 : i1 to i32
          %cond3A_295 = arith.constant 0 : i32
          %cond3A_296 = arith.cmpi ne, %convert_element_type3A_294, %cond3A_295 : i32
          scf.if %cond3A_296 {
            %sub3A = arith.constant 2 : i32
            %sub3A_310 = arith.subi %scan3A_144, %sub3A : i32
            %dma_wait3A_311 = arith.constant 5 : i32
            %dma_wait3A_312 = arith.constant 0 : i32
            %dma_wait3A_313 = arith.constant 0 : i32
            %dma_wait3A_314 = tpu.memref_slice %arg9[%dma_wait3A_311, %dma_wait3A_312, %dma_wait3A_313] : memref<6x80x64xf32, #tpu.memory_space<vmem>> -> memref<1x80x64xf32, #tpu.memory_space<vmem>>
            %dma_wait3A_315 = tpu.memref_squeeze %dma_wait3A_314 : memref<1x80x64xf32, #tpu.memory_space<vmem>> -> memref<80x64xf32, #tpu.memory_space<vmem>>
            %dma_wait3A_316 = arith.constant 0 : i32
            %dma_wait3A_317 = tpu.memref_slice %arg8[%sub3A_310, %dma_wait3A_316] : memref<250x80xi32, #tpu.memory_space<vmem>> -> memref<1x80xi32, #tpu.memory_space<vmem>>
            %dma_wait3A_318 = tpu.memref_squeeze %dma_wait3A_317 : memref<1x80xi32, #tpu.memory_space<vmem>> -> memref<80xi32, #tpu.memory_space<vmem>>
            %dma_wait3A_319 = arith.constant 0 : i32
            %dma_wait3A_320 = arith.constant 0 : i32
            %dma_wait3A_321 = tpu.memref_slice %arg10[%dma_wait3A_319, %dma_wait3A_320] : memref<10000x64xf32, #tpu.memory_space<vmem_shared>> -> memref<10000x64xf32, #tpu.memory_space<vmem_shared>>
            tpu.wait_indirect_dma semaphore(%arg22 : memref<!tpu.dma_semaphore, #tpu.memory_space<semaphore_mem>>) src(%dma_wait3A_315 : memref<80x64xf32, #tpu.memory_space<vmem>>) dst(%dma_wait3A_321 : memref<10000x64xf32, #tpu.memory_space<vmem_shared>>)
          } else {
          }
          %add3A_297 = arith.constant 4 : i32
          %add3A_298 = arith.addi %scan3A_144, %add3A_297 : i32
          %dma_start3A_299 = arith.constant 5 : i32
          %dma_start3A_300 = arith.constant 0 : i32
          %dma_start3A_301 = arith.constant 0 : i32
          %dma_start3A_302 = tpu.memref_slice %arg9[%dma_start3A_299, %dma_start3A_300, %dma_start3A_301] : memref<6x80x64xf32, #tpu.memory_space<vmem>> -> memref<1x80x64xf32, #tpu.memory_space<vmem>>
          %dma_start3A_303 = tpu.memref_squeeze %dma_start3A_302 : memref<1x80x64xf32, #tpu.memory_space<vmem>> -> memref<80x64xf32, #tpu.memory_space<vmem>>
          %dma_start3A_304 = arith.constant 0 : i32
          %dma_start3A_305 = tpu.memref_slice %arg7[%add3A_298, %dma_start3A_304] : memref<250x80xi32, #tpu.memory_space<vmem>> -> memref<1x80xi32, #tpu.memory_space<vmem>>
          %dma_start3A_306 = tpu.memref_squeeze %dma_start3A_305 : memref<1x80xi32, #tpu.memory_space<vmem>> -> memref<80xi32, #tpu.memory_space<vmem>>
          %dma_start3A_307 = arith.constant 0 : i32
          %dma_start3A_308 = arith.constant 0 : i32
          %dma_start3A_309 = tpu.memref_slice %arg2[%dma_start3A_307, %dma_start3A_308] : memref<20000x64xf32, #tpu.memory_space<hbm>> -> memref<20000x64xf32, #tpu.memory_space<hbm>>
          tpu.enqueue_indirect_dma source(%dma_start3A_309 : memref<20000x64xf32, #tpu.memory_space<hbm>>) target(%dma_start3A_303 : memref<80x64xf32, #tpu.memory_space<vmem>>) offsets(%dma_start3A_306 : memref<80xi32, #tpu.memory_space<vmem>>) semaphore(%arg16 : memref<!tpu.dma_semaphore, #tpu.memory_space<semaphore_mem>>)
        } else {
        }
        %dma_wait3A_271 = arith.constant 1 : i32
        %dma_wait3A_272 = arith.constant 0 : i32
        %dma_wait3A_273 = arith.constant 0 : i32
        %dma_wait3A_274 = tpu.memref_slice %arg9[%dma_wait3A_271, %dma_wait3A_272, %dma_wait3A_273] : memref<6x80x64xf32, #tpu.memory_space<vmem>> -> memref<1x80x64xf32, #tpu.memory_space<vmem>>
        %dma_wait3A_275 = tpu.memref_squeeze %dma_wait3A_274 : memref<1x80x64xf32, #tpu.memory_space<vmem>> -> memref<80x64xf32, #tpu.memory_space<vmem>>
        %dma_wait3A_276 = arith.constant 0 : i32
        %dma_wait3A_277 = tpu.memref_slice %arg7[%scan3A_144, %dma_wait3A_276] : memref<250x80xi32, #tpu.memory_space<vmem>> -> memref<1x80xi32, #tpu.memory_space<vmem>>
        %dma_wait3A_278 = tpu.memref_squeeze %dma_wait3A_277 : memref<1x80xi32, #tpu.memory_space<vmem>> -> memref<80xi32, #tpu.memory_space<vmem>>
        %dma_wait3A_279 = arith.constant 0 : i32
        %dma_wait3A_280 = arith.constant 0 : i32
        %dma_wait3A_281 = tpu.memref_slice %arg2[%dma_wait3A_279, %dma_wait3A_280] : memref<20000x64xf32, #tpu.memory_space<hbm>> -> memref<20000x64xf32, #tpu.memory_space<hbm>>
        tpu.wait_indirect_dma semaphore(%arg12 : memref<!tpu.dma_semaphore, #tpu.memory_space<semaphore_mem>>) src(%dma_wait3A_281 : memref<20000x64xf32, #tpu.memory_space<hbm>>) dst(%dma_wait3A_275 : memref<80x64xf32, #tpu.memory_space<vmem>>)
        %dma_start3A_282 = arith.constant 1 : i32
        %dma_start3A_283 = arith.constant 0 : i32
        %dma_start3A_284 = arith.constant 0 : i32
        %dma_start3A_285 = tpu.memref_slice %arg9[%dma_start3A_282, %dma_start3A_283, %dma_start3A_284] : memref<6x80x64xf32, #tpu.memory_space<vmem>> -> memref<1x80x64xf32, #tpu.memory_space<vmem>>
        %dma_start3A_286 = tpu.memref_squeeze %dma_start3A_285 : memref<1x80x64xf32, #tpu.memory_space<vmem>> -> memref<80x64xf32, #tpu.memory_space<vmem>>
        %dma_start3A_287 = arith.constant 0 : i32
        %dma_start3A_288 = tpu.memref_slice %arg8[%scan3A_144, %dma_start3A_287] : memref<250x80xi32, #tpu.memory_space<vmem>> -> memref<1x80xi32, #tpu.memory_space<vmem>>
        %dma_start3A_289 = tpu.memref_squeeze %dma_start3A_288 : memref<1x80xi32, #tpu.memory_space<vmem>> -> memref<80xi32, #tpu.memory_space<vmem>>
        %dma_start3A_290 = arith.constant 0 : i32
        %dma_start3A_291 = arith.constant 0 : i32
        %dma_start3A_292 = tpu.memref_slice %arg10[%dma_start3A_290, %dma_start3A_291] : memref<10000x64xf32, #tpu.memory_space<vmem_shared>> -> memref<10000x64xf32, #tpu.memory_space<vmem_shared>>
        tpu.enqueue_indirect_dma source(%dma_start3A_286 : memref<80x64xf32, #tpu.memory_space<vmem>>) target(%dma_start3A_292 : memref<10000x64xf32, #tpu.memory_space<vmem_shared>>) offsets(%dma_start3A_289 : memref<80xi32, #tpu.memory_space<vmem>>) semaphore(%arg18 : memref<!tpu.dma_semaphore, #tpu.memory_space<semaphore_mem>>) {add = true}
      } else {
      }
      %jit3A_180 = arith.constant 6 : i32
      %eq3A_181 = arith.constant 0 : i32
      %eq3A_182 = arith.cmpi eq, %jit3A_180, %eq3A_181 : i32
      %jit3A_183 = arith.constant 1 : i32
      %select_n3A_184 = arith.select %eq3A_182, %jit3A_183, %jit3A_180 : i32
      %rem3A_185 = arith.remsi %scan3A_144, %select_n3A_184 : i32
      %ne3A_186 = arith.constant 0 : i32
      %ne3A_187 = arith.cmpi ne, %rem3A_185, %ne3A_186 : i32
      %lt3A_188 = arith.constant 0 : i32
      %lt3A_189 = arith.cmpi slt, %rem3A_185, %lt3A_188 : i32
      %lt3A_190 = arith.constant 0 : i32
      %lt3A_191 = arith.cmpi slt, %select_n3A_184, %lt3A_190 : i32
      %ne3A_192 = arith.xori %lt3A_189, %lt3A_191 : i1
      %and3A_193 = arith.andi %ne3A_192, %ne3A_187 : i1
      %add3A_194 = arith.addi %rem3A_185, %select_n3A_184 : i32
      %select_n3A_195 = arith.select %and3A_193, %add3A_194, %rem3A_185 : i32
      %eq3A_196 = arith.constant 2 : i32
      %eq3A_197 = arith.cmpi eq, %select_n3A_195, %eq3A_196 : i32
      %convert_element_type3A_198 = arith.extui %eq3A_197 : i1 to i32
      %cond3A_199 = arith.constant 0 : i32
      %cond3A_200 = arith.cmpi ne, %convert_element_type3A_198, %cond3A_199 : i32
      scf.if %cond3A_200 {
        %add3A_264 = arith.constant 4 : i32
        %add3A_265 = arith.addi %scan3A_144, %add3A_264 : i32
        %lt3A_266 = arith.constant 250 : i32
        %lt3A_267 = arith.cmpi slt, %add3A_265, %lt3A_266 : i32
        %convert_element_type3A_268 = arith.extui %lt3A_267 : i1 to i32
        %cond3A_269 = arith.constant 0 : i32
        %cond3A_270 = arith.cmpi ne, %convert_element_type3A_268, %cond3A_269 : i32
        scf.if %cond3A_270 {
          %ge3A = arith.constant 2 : i32
          %ge3A_293 = arith.cmpi sge, %scan3A_144, %ge3A : i32
          %convert_element_type3A_294 = arith.extui %ge3A_293 : i1 to i32
          %cond3A_295 = arith.constant 0 : i32
          %cond3A_296 = arith.cmpi ne, %convert_element_type3A_294, %cond3A_295 : i32
          scf.if %cond3A_296 {
            %sub3A = arith.constant 2 : i32
            %sub3A_310 = arith.subi %scan3A_144, %sub3A : i32
            %dma_wait3A_311 = arith.constant 0 : i32
            %dma_wait3A_312 = arith.constant 0 : i32
            %dma_wait3A_313 = arith.constant 0 : i32
            %dma_wait3A_314 = tpu.memref_slice %arg9[%dma_wait3A_311, %dma_wait3A_312, %dma_wait3A_313] : memref<6x80x64xf32, #tpu.memory_space<vmem>> -> memref<1x80x64xf32, #tpu.memory_space<vmem>>
            %dma_wait3A_315 = tpu.memref_squeeze %dma_wait3A_314 : memref<1x80x64xf32, #tpu.memory_space<vmem>> -> memref<80x64xf32, #tpu.memory_space<vmem>>
            %dma_wait3A_316 = arith.constant 0 : i32
            %dma_wait3A_317 = tpu.memref_slice %arg8[%sub3A_310, %dma_wait3A_316] : memref<250x80xi32, #tpu.memory_space<vmem>> -> memref<1x80xi32, #tpu.memory_space<vmem>>
            %dma_wait3A_318 = tpu.memref_squeeze %dma_wait3A_317 : memref<1x80xi32, #tpu.memory_space<vmem>> -> memref<80xi32, #tpu.memory_space<vmem>>
            %dma_wait3A_319 = arith.constant 0 : i32
            %dma_wait3A_320 = arith.constant 0 : i32
            %dma_wait3A_321 = tpu.memref_slice %arg10[%dma_wait3A_319, %dma_wait3A_320] : memref<10000x64xf32, #tpu.memory_space<vmem_shared>> -> memref<10000x64xf32, #tpu.memory_space<vmem_shared>>
            tpu.wait_indirect_dma semaphore(%arg17 : memref<!tpu.dma_semaphore, #tpu.memory_space<semaphore_mem>>) src(%dma_wait3A_315 : memref<80x64xf32, #tpu.memory_space<vmem>>) dst(%dma_wait3A_321 : memref<10000x64xf32, #tpu.memory_space<vmem_shared>>)
          } else {
          }
          %add3A_297 = arith.constant 4 : i32
          %add3A_298 = arith.addi %scan3A_144, %add3A_297 : i32
          %dma_start3A_299 = arith.constant 0 : i32
          %dma_start3A_300 = arith.constant 0 : i32
          %dma_start3A_301 = arith.constant 0 : i32
          %dma_start3A_302 = tpu.memref_slice %arg9[%dma_start3A_299, %dma_start3A_300, %dma_start3A_301] : memref<6x80x64xf32, #tpu.memory_space<vmem>> -> memref<1x80x64xf32, #tpu.memory_space<vmem>>
          %dma_start3A_303 = tpu.memref_squeeze %dma_start3A_302 : memref<1x80x64xf32, #tpu.memory_space<vmem>> -> memref<80x64xf32, #tpu.memory_space<vmem>>
          %dma_start3A_304 = arith.constant 0 : i32
          %dma_start3A_305 = tpu.memref_slice %arg7[%add3A_298, %dma_start3A_304] : memref<250x80xi32, #tpu.memory_space<vmem>> -> memref<1x80xi32, #tpu.memory_space<vmem>>
          %dma_start3A_306 = tpu.memref_squeeze %dma_start3A_305 : memref<1x80xi32, #tpu.memory_space<vmem>> -> memref<80xi32, #tpu.memory_space<vmem>>
          %dma_start3A_307 = arith.constant 0 : i32
          %dma_start3A_308 = arith.constant 0 : i32
          %dma_start3A_309 = tpu.memref_slice %arg2[%dma_start3A_307, %dma_start3A_308] : memref<20000x64xf32, #tpu.memory_space<hbm>> -> memref<20000x64xf32, #tpu.memory_space<hbm>>
          tpu.enqueue_indirect_dma source(%dma_start3A_309 : memref<20000x64xf32, #tpu.memory_space<hbm>>) target(%dma_start3A_303 : memref<80x64xf32, #tpu.memory_space<vmem>>) offsets(%dma_start3A_306 : memref<80xi32, #tpu.memory_space<vmem>>) semaphore(%arg11 : memref<!tpu.dma_semaphore, #tpu.memory_space<semaphore_mem>>)
        } else {
        }
        %dma_wait3A_271 = arith.constant 2 : i32
        %dma_wait3A_272 = arith.constant 0 : i32
        %dma_wait3A_273 = arith.constant 0 : i32
        %dma_wait3A_274 = tpu.memref_slice %arg9[%dma_wait3A_271, %dma_wait3A_272, %dma_wait3A_273] : memref<6x80x64xf32, #tpu.memory_space<vmem>> -> memref<1x80x64xf32, #tpu.memory_space<vmem>>
        %dma_wait3A_275 = tpu.memref_squeeze %dma_wait3A_274 : memref<1x80x64xf32, #tpu.memory_space<vmem>> -> memref<80x64xf32, #tpu.memory_space<vmem>>
        %dma_wait3A_276 = arith.constant 0 : i32
        %dma_wait3A_277 = tpu.memref_slice %arg7[%scan3A_144, %dma_wait3A_276] : memref<250x80xi32, #tpu.memory_space<vmem>> -> memref<1x80xi32, #tpu.memory_space<vmem>>
        %dma_wait3A_278 = tpu.memref_squeeze %dma_wait3A_277 : memref<1x80xi32, #tpu.memory_space<vmem>> -> memref<80xi32, #tpu.memory_space<vmem>>
        %dma_wait3A_279 = arith.constant 0 : i32
        %dma_wait3A_280 = arith.constant 0 : i32
        %dma_wait3A_281 = tpu.memref_slice %arg2[%dma_wait3A_279, %dma_wait3A_280] : memref<20000x64xf32, #tpu.memory_space<hbm>> -> memref<20000x64xf32, #tpu.memory_space<hbm>>
        tpu.wait_indirect_dma semaphore(%arg13 : memref<!tpu.dma_semaphore, #tpu.memory_space<semaphore_mem>>) src(%dma_wait3A_281 : memref<20000x64xf32, #tpu.memory_space<hbm>>) dst(%dma_wait3A_275 : memref<80x64xf32, #tpu.memory_space<vmem>>)
        %dma_start3A_282 = arith.constant 2 : i32
        %dma_start3A_283 = arith.constant 0 : i32
        %dma_start3A_284 = arith.constant 0 : i32
        %dma_start3A_285 = tpu.memref_slice %arg9[%dma_start3A_282, %dma_start3A_283, %dma_start3A_284] : memref<6x80x64xf32, #tpu.memory_space<vmem>> -> memref<1x80x64xf32, #tpu.memory_space<vmem>>
        %dma_start3A_286 = tpu.memref_squeeze %dma_start3A_285 : memref<1x80x64xf32, #tpu.memory_space<vmem>> -> memref<80x64xf32, #tpu.memory_space<vmem>>
        %dma_start3A_287 = arith.constant 0 : i32
        %dma_start3A_288 = tpu.memref_slice %arg8[%scan3A_144, %dma_start3A_287] : memref<250x80xi32, #tpu.memory_space<vmem>> -> memref<1x80xi32, #tpu.memory_space<vmem>>
        %dma_start3A_289 = tpu.memref_squeeze %dma_start3A_288 : memref<1x80xi32, #tpu.memory_space<vmem>> -> memref<80xi32, #tpu.memory_space<vmem>>
        %dma_start3A_290 = arith.constant 0 : i32
        %dma_start3A_291 = arith.constant 0 : i32
        %dma_start3A_292 = tpu.memref_slice %arg10[%dma_start3A_290, %dma_start3A_291] : memref<10000x64xf32, #tpu.memory_space<vmem_shared>> -> memref<10000x64xf32, #tpu.memory_space<vmem_shared>>
        tpu.enqueue_indirect_dma source(%dma_start3A_286 : memref<80x64xf32, #tpu.memory_space<vmem>>) target(%dma_start3A_292 : memref<10000x64xf32, #tpu.memory_space<vmem_shared>>) offsets(%dma_start3A_289 : memref<80xi32, #tpu.memory_space<vmem>>) semaphore(%arg19 : memref<!tpu.dma_semaphore, #tpu.memory_space<semaphore_mem>>) {add = true}
      } else {
      }
      %jit3A_201 = arith.constant 6 : i32
      %eq3A_202 = arith.constant 0 : i32
      %eq3A_203 = arith.cmpi eq, %jit3A_201, %eq3A_202 : i32
      %jit3A_204 = arith.constant 1 : i32
      %select_n3A_205 = arith.select %eq3A_203, %jit3A_204, %jit3A_201 : i32
      %rem3A_206 = arith.remsi %scan3A_144, %select_n3A_205 : i32
      %ne3A_207 = arith.constant 0 : i32
      %ne3A_208 = arith.cmpi ne, %rem3A_206, %ne3A_207 : i32
      %lt3A_209 = arith.constant 0 : i32
      %lt3A_210 = arith.cmpi slt, %rem3A_206, %lt3A_209 : i32
      %lt3A_211 = arith.constant 0 : i32
      %lt3A_212 = arith.cmpi slt, %select_n3A_205, %lt3A_211 : i32
      %ne3A_213 = arith.xori %lt3A_210, %lt3A_212 : i1
      %and3A_214 = arith.andi %ne3A_213, %ne3A_208 : i1
      %add3A_215 = arith.addi %rem3A_206, %select_n3A_205 : i32
      %select_n3A_216 = arith.select %and3A_214, %add3A_215, %rem3A_206 : i32
      %eq3A_217 = arith.constant 3 : i32
      %eq3A_218 = arith.cmpi eq, %select_n3A_216, %eq3A_217 : i32
      %convert_element_type3A_219 = arith.extui %eq3A_218 : i1 to i32
      %cond3A_220 = arith.constant 0 : i32
      %cond3A_221 = arith.cmpi ne, %convert_element_type3A_219, %cond3A_220 : i32
      scf.if %cond3A_221 {
        %add3A_264 = arith.constant 4 : i32
        %add3A_265 = arith.addi %scan3A_144, %add3A_264 : i32
        %lt3A_266 = arith.constant 250 : i32
        %lt3A_267 = arith.cmpi slt, %add3A_265, %lt3A_266 : i32
        %convert_element_type3A_268 = arith.extui %lt3A_267 : i1 to i32
        %cond3A_269 = arith.constant 0 : i32
        %cond3A_270 = arith.cmpi ne, %convert_element_type3A_268, %cond3A_269 : i32
        scf.if %cond3A_270 {
          %ge3A = arith.constant 2 : i32
          %ge3A_293 = arith.cmpi sge, %scan3A_144, %ge3A : i32
          %convert_element_type3A_294 = arith.extui %ge3A_293 : i1 to i32
          %cond3A_295 = arith.constant 0 : i32
          %cond3A_296 = arith.cmpi ne, %convert_element_type3A_294, %cond3A_295 : i32
          scf.if %cond3A_296 {
            %sub3A = arith.constant 2 : i32
            %sub3A_310 = arith.subi %scan3A_144, %sub3A : i32
            %dma_wait3A_311 = arith.constant 1 : i32
            %dma_wait3A_312 = arith.constant 0 : i32
            %dma_wait3A_313 = arith.constant 0 : i32
            %dma_wait3A_314 = tpu.memref_slice %arg9[%dma_wait3A_311, %dma_wait3A_312, %dma_wait3A_313] : memref<6x80x64xf32, #tpu.memory_space<vmem>> -> memref<1x80x64xf32, #tpu.memory_space<vmem>>
            %dma_wait3A_315 = tpu.memref_squeeze %dma_wait3A_314 : memref<1x80x64xf32, #tpu.memory_space<vmem>> -> memref<80x64xf32, #tpu.memory_space<vmem>>
            %dma_wait3A_316 = arith.constant 0 : i32
            %dma_wait3A_317 = tpu.memref_slice %arg8[%sub3A_310, %dma_wait3A_316] : memref<250x80xi32, #tpu.memory_space<vmem>> -> memref<1x80xi32, #tpu.memory_space<vmem>>
            %dma_wait3A_318 = tpu.memref_squeeze %dma_wait3A_317 : memref<1x80xi32, #tpu.memory_space<vmem>> -> memref<80xi32, #tpu.memory_space<vmem>>
            %dma_wait3A_319 = arith.constant 0 : i32
            %dma_wait3A_320 = arith.constant 0 : i32
            %dma_wait3A_321 = tpu.memref_slice %arg10[%dma_wait3A_319, %dma_wait3A_320] : memref<10000x64xf32, #tpu.memory_space<vmem_shared>> -> memref<10000x64xf32, #tpu.memory_space<vmem_shared>>
            tpu.wait_indirect_dma semaphore(%arg18 : memref<!tpu.dma_semaphore, #tpu.memory_space<semaphore_mem>>) src(%dma_wait3A_315 : memref<80x64xf32, #tpu.memory_space<vmem>>) dst(%dma_wait3A_321 : memref<10000x64xf32, #tpu.memory_space<vmem_shared>>)
          } else {
          }
          %add3A_297 = arith.constant 4 : i32
          %add3A_298 = arith.addi %scan3A_144, %add3A_297 : i32
          %dma_start3A_299 = arith.constant 1 : i32
          %dma_start3A_300 = arith.constant 0 : i32
          %dma_start3A_301 = arith.constant 0 : i32
          %dma_start3A_302 = tpu.memref_slice %arg9[%dma_start3A_299, %dma_start3A_300, %dma_start3A_301] : memref<6x80x64xf32, #tpu.memory_space<vmem>> -> memref<1x80x64xf32, #tpu.memory_space<vmem>>
          %dma_start3A_303 = tpu.memref_squeeze %dma_start3A_302 : memref<1x80x64xf32, #tpu.memory_space<vmem>> -> memref<80x64xf32, #tpu.memory_space<vmem>>
          %dma_start3A_304 = arith.constant 0 : i32
          %dma_start3A_305 = tpu.memref_slice %arg7[%add3A_298, %dma_start3A_304] : memref<250x80xi32, #tpu.memory_space<vmem>> -> memref<1x80xi32, #tpu.memory_space<vmem>>
          %dma_start3A_306 = tpu.memref_squeeze %dma_start3A_305 : memref<1x80xi32, #tpu.memory_space<vmem>> -> memref<80xi32, #tpu.memory_space<vmem>>
          %dma_start3A_307 = arith.constant 0 : i32
          %dma_start3A_308 = arith.constant 0 : i32
          %dma_start3A_309 = tpu.memref_slice %arg2[%dma_start3A_307, %dma_start3A_308] : memref<20000x64xf32, #tpu.memory_space<hbm>> -> memref<20000x64xf32, #tpu.memory_space<hbm>>
          tpu.enqueue_indirect_dma source(%dma_start3A_309 : memref<20000x64xf32, #tpu.memory_space<hbm>>) target(%dma_start3A_303 : memref<80x64xf32, #tpu.memory_space<vmem>>) offsets(%dma_start3A_306 : memref<80xi32, #tpu.memory_space<vmem>>) semaphore(%arg12 : memref<!tpu.dma_semaphore, #tpu.memory_space<semaphore_mem>>)
        } else {
        }
        %dma_wait3A_271 = arith.constant 3 : i32
        %dma_wait3A_272 = arith.constant 0 : i32
        %dma_wait3A_273 = arith.constant 0 : i32
        %dma_wait3A_274 = tpu.memref_slice %arg9[%dma_wait3A_271, %dma_wait3A_272, %dma_wait3A_273] : memref<6x80x64xf32, #tpu.memory_space<vmem>> -> memref<1x80x64xf32, #tpu.memory_space<vmem>>
        %dma_wait3A_275 = tpu.memref_squeeze %dma_wait3A_274 : memref<1x80x64xf32, #tpu.memory_space<vmem>> -> memref<80x64xf32, #tpu.memory_space<vmem>>
        %dma_wait3A_276 = arith.constant 0 : i32
        %dma_wait3A_277 = tpu.memref_slice %arg7[%scan3A_144, %dma_wait3A_276] : memref<250x80xi32, #tpu.memory_space<vmem>> -> memref<1x80xi32, #tpu.memory_space<vmem>>
        %dma_wait3A_278 = tpu.memref_squeeze %dma_wait3A_277 : memref<1x80xi32, #tpu.memory_space<vmem>> -> memref<80xi32, #tpu.memory_space<vmem>>
        %dma_wait3A_279 = arith.constant 0 : i32
        %dma_wait3A_280 = arith.constant 0 : i32
        %dma_wait3A_281 = tpu.memref_slice %arg2[%dma_wait3A_279, %dma_wait3A_280] : memref<20000x64xf32, #tpu.memory_space<hbm>> -> memref<20000x64xf32, #tpu.memory_space<hbm>>
        tpu.wait_indirect_dma semaphore(%arg14 : memref<!tpu.dma_semaphore, #tpu.memory_space<semaphore_mem>>) src(%dma_wait3A_281 : memref<20000x64xf32, #tpu.memory_space<hbm>>) dst(%dma_wait3A_275 : memref<80x64xf32, #tpu.memory_space<vmem>>)
        %dma_start3A_282 = arith.constant 3 : i32
        %dma_start3A_283 = arith.constant 0 : i32
        %dma_start3A_284 = arith.constant 0 : i32
        %dma_start3A_285 = tpu.memref_slice %arg9[%dma_start3A_282, %dma_start3A_283, %dma_start3A_284] : memref<6x80x64xf32, #tpu.memory_space<vmem>> -> memref<1x80x64xf32, #tpu.memory_space<vmem>>
        %dma_start3A_286 = tpu.memref_squeeze %dma_start3A_285 : memref<1x80x64xf32, #tpu.memory_space<vmem>> -> memref<80x64xf32, #tpu.memory_space<vmem>>
        %dma_start3A_287 = arith.constant 0 : i32
        %dma_start3A_288 = tpu.memref_slice %arg8[%scan3A_144, %dma_start3A_287] : memref<250x80xi32, #tpu.memory_space<vmem>> -> memref<1x80xi32, #tpu.memory_space<vmem>>
        %dma_start3A_289 = tpu.memref_squeeze %dma_start3A_288 : memref<1x80xi32, #tpu.memory_space<vmem>> -> memref<80xi32, #tpu.memory_space<vmem>>
        %dma_start3A_290 = arith.constant 0 : i32
        %dma_start3A_291 = arith.constant 0 : i32
        %dma_start3A_292 = tpu.memref_slice %arg10[%dma_start3A_290, %dma_start3A_291] : memref<10000x64xf32, #tpu.memory_space<vmem_shared>> -> memref<10000x64xf32, #tpu.memory_space<vmem_shared>>
        tpu.enqueue_indirect_dma source(%dma_start3A_286 : memref<80x64xf32, #tpu.memory_space<vmem>>) target(%dma_start3A_292 : memref<10000x64xf32, #tpu.memory_space<vmem_shared>>) offsets(%dma_start3A_289 : memref<80xi32, #tpu.memory_space<vmem>>) semaphore(%arg20 : memref<!tpu.dma_semaphore, #tpu.memory_space<semaphore_mem>>) {add = true}
      } else {
      }
      %jit3A_222 = arith.constant 6 : i32
      %eq3A_223 = arith.constant 0 : i32
      %eq3A_224 = arith.cmpi eq, %jit3A_222, %eq3A_223 : i32
      %jit3A_225 = arith.constant 1 : i32
      %select_n3A_226 = arith.select %eq3A_224, %jit3A_225, %jit3A_222 : i32
      %rem3A_227 = arith.remsi %scan3A_144, %select_n3A_226 : i32
      %ne3A_228 = arith.constant 0 : i32
      %ne3A_229 = arith.cmpi ne, %rem3A_227, %ne3A_228 : i32
      %lt3A_230 = arith.constant 0 : i32
      %lt3A_231 = arith.cmpi slt, %rem3A_227, %lt3A_230 : i32
      %lt3A_232 = arith.constant 0 : i32
      %lt3A_233 = arith.cmpi slt, %select_n3A_226, %lt3A_232 : i32
      %ne3A_234 = arith.xori %lt3A_231, %lt3A_233 : i1
      %and3A_235 = arith.andi %ne3A_234, %ne3A_229 : i1
      %add3A_236 = arith.addi %rem3A_227, %select_n3A_226 : i32
      %select_n3A_237 = arith.select %and3A_235, %add3A_236, %rem3A_227 : i32
      %eq3A_238 = arith.constant 4 : i32
      %eq3A_239 = arith.cmpi eq, %select_n3A_237, %eq3A_238 : i32
      %convert_element_type3A_240 = arith.extui %eq3A_239 : i1 to i32
      %cond3A_241 = arith.constant 0 : i32
      %cond3A_242 = arith.cmpi ne, %convert_element_type3A_240, %cond3A_241 : i32
      scf.if %cond3A_242 {
        %add3A_264 = arith.constant 4 : i32
        %add3A_265 = arith.addi %scan3A_144, %add3A_264 : i32
        %lt3A_266 = arith.constant 250 : i32
        %lt3A_267 = arith.cmpi slt, %add3A_265, %lt3A_266 : i32
        %convert_element_type3A_268 = arith.extui %lt3A_267 : i1 to i32
        %cond3A_269 = arith.constant 0 : i32
        %cond3A_270 = arith.cmpi ne, %convert_element_type3A_268, %cond3A_269 : i32
        scf.if %cond3A_270 {
          %ge3A = arith.constant 2 : i32
          %ge3A_293 = arith.cmpi sge, %scan3A_144, %ge3A : i32
          %convert_element_type3A_294 = arith.extui %ge3A_293 : i1 to i32
          %cond3A_295 = arith.constant 0 : i32
          %cond3A_296 = arith.cmpi ne, %convert_element_type3A_294, %cond3A_295 : i32
          scf.if %cond3A_296 {
            %sub3A = arith.constant 2 : i32
            %sub3A_310 = arith.subi %scan3A_144, %sub3A : i32
            %dma_wait3A_311 = arith.constant 2 : i32
            %dma_wait3A_312 = arith.constant 0 : i32
            %dma_wait3A_313 = arith.constant 0 : i32
            %dma_wait3A_314 = tpu.memref_slice %arg9[%dma_wait3A_311, %dma_wait3A_312, %dma_wait3A_313] : memref<6x80x64xf32, #tpu.memory_space<vmem>> -> memref<1x80x64xf32, #tpu.memory_space<vmem>>
            %dma_wait3A_315 = tpu.memref_squeeze %dma_wait3A_314 : memref<1x80x64xf32, #tpu.memory_space<vmem>> -> memref<80x64xf32, #tpu.memory_space<vmem>>
            %dma_wait3A_316 = arith.constant 0 : i32
            %dma_wait3A_317 = tpu.memref_slice %arg8[%sub3A_310, %dma_wait3A_316] : memref<250x80xi32, #tpu.memory_space<vmem>> -> memref<1x80xi32, #tpu.memory_space<vmem>>
            %dma_wait3A_318 = tpu.memref_squeeze %dma_wait3A_317 : memref<1x80xi32, #tpu.memory_space<vmem>> -> memref<80xi32, #tpu.memory_space<vmem>>
            %dma_wait3A_319 = arith.constant 0 : i32
            %dma_wait3A_320 = arith.constant 0 : i32
            %dma_wait3A_321 = tpu.memref_slice %arg10[%dma_wait3A_319, %dma_wait3A_320] : memref<10000x64xf32, #tpu.memory_space<vmem_shared>> -> memref<10000x64xf32, #tpu.memory_space<vmem_shared>>
            tpu.wait_indirect_dma semaphore(%arg19 : memref<!tpu.dma_semaphore, #tpu.memory_space<semaphore_mem>>) src(%dma_wait3A_315 : memref<80x64xf32, #tpu.memory_space<vmem>>) dst(%dma_wait3A_321 : memref<10000x64xf32, #tpu.memory_space<vmem_shared>>)
          } else {
          }
          %add3A_297 = arith.constant 4 : i32
          %add3A_298 = arith.addi %scan3A_144, %add3A_297 : i32
          %dma_start3A_299 = arith.constant 2 : i32
          %dma_start3A_300 = arith.constant 0 : i32
          %dma_start3A_301 = arith.constant 0 : i32
          %dma_start3A_302 = tpu.memref_slice %arg9[%dma_start3A_299, %dma_start3A_300, %dma_start3A_301] : memref<6x80x64xf32, #tpu.memory_space<vmem>> -> memref<1x80x64xf32, #tpu.memory_space<vmem>>
          %dma_start3A_303 = tpu.memref_squeeze %dma_start3A_302 : memref<1x80x64xf32, #tpu.memory_space<vmem>> -> memref<80x64xf32, #tpu.memory_space<vmem>>
          %dma_start3A_304 = arith.constant 0 : i32
          %dma_start3A_305 = tpu.memref_slice %arg7[%add3A_298, %dma_start3A_304] : memref<250x80xi32, #tpu.memory_space<vmem>> -> memref<1x80xi32, #tpu.memory_space<vmem>>
          %dma_start3A_306 = tpu.memref_squeeze %dma_start3A_305 : memref<1x80xi32, #tpu.memory_space<vmem>> -> memref<80xi32, #tpu.memory_space<vmem>>
          %dma_start3A_307 = arith.constant 0 : i32
          %dma_start3A_308 = arith.constant 0 : i32
          %dma_start3A_309 = tpu.memref_slice %arg2[%dma_start3A_307, %dma_start3A_308] : memref<20000x64xf32, #tpu.memory_space<hbm>> -> memref<20000x64xf32, #tpu.memory_space<hbm>>
          tpu.enqueue_indirect_dma source(%dma_start3A_309 : memref<20000x64xf32, #tpu.memory_space<hbm>>) target(%dma_start3A_303 : memref<80x64xf32, #tpu.memory_space<vmem>>) offsets(%dma_start3A_306 : memref<80xi32, #tpu.memory_space<vmem>>) semaphore(%arg13 : memref<!tpu.dma_semaphore, #tpu.memory_space<semaphore_mem>>)
        } else {
        }
        %dma_wait3A_271 = arith.constant 4 : i32
        %dma_wait3A_272 = arith.constant 0 : i32
        %dma_wait3A_273 = arith.constant 0 : i32
        %dma_wait3A_274 = tpu.memref_slice %arg9[%dma_wait3A_271, %dma_wait3A_272, %dma_wait3A_273] : memref<6x80x64xf32, #tpu.memory_space<vmem>> -> memref<1x80x64xf32, #tpu.memory_space<vmem>>
        %dma_wait3A_275 = tpu.memref_squeeze %dma_wait3A_274 : memref<1x80x64xf32, #tpu.memory_space<vmem>> -> memref<80x64xf32, #tpu.memory_space<vmem>>
        %dma_wait3A_276 = arith.constant 0 : i32
        %dma_wait3A_277 = tpu.memref_slice %arg7[%scan3A_144, %dma_wait3A_276] : memref<250x80xi32, #tpu.memory_space<vmem>> -> memref<1x80xi32, #tpu.memory_space<vmem>>
        %dma_wait3A_278 = tpu.memref_squeeze %dma_wait3A_277 : memref<1x80xi32, #tpu.memory_space<vmem>> -> memref<80xi32, #tpu.memory_space<vmem>>
        %dma_wait3A_279 = arith.constant 0 : i32
        %dma_wait3A_280 = arith.constant 0 : i32
        %dma_wait3A_281 = tpu.memref_slice %arg2[%dma_wait3A_279, %dma_wait3A_280] : memref<20000x64xf32, #tpu.memory_space<hbm>> -> memref<20000x64xf32, #tpu.memory_space<hbm>>
        tpu.wait_indirect_dma semaphore(%arg15 : memref<!tpu.dma_semaphore, #tpu.memory_space<semaphore_mem>>) src(%dma_wait3A_281 : memref<20000x64xf32, #tpu.memory_space<hbm>>) dst(%dma_wait3A_275 : memref<80x64xf32, #tpu.memory_space<vmem>>)
        %dma_start3A_282 = arith.constant 4 : i32
        %dma_start3A_283 = arith.constant 0 : i32
        %dma_start3A_284 = arith.constant 0 : i32
        %dma_start3A_285 = tpu.memref_slice %arg9[%dma_start3A_282, %dma_start3A_283, %dma_start3A_284] : memref<6x80x64xf32, #tpu.memory_space<vmem>> -> memref<1x80x64xf32, #tpu.memory_space<vmem>>
        %dma_start3A_286 = tpu.memref_squeeze %dma_start3A_285 : memref<1x80x64xf32, #tpu.memory_space<vmem>> -> memref<80x64xf32, #tpu.memory_space<vmem>>
        %dma_start3A_287 = arith.constant 0 : i32
        %dma_start3A_288 = tpu.memref_slice %arg8[%scan3A_144, %dma_start3A_287] : memref<250x80xi32, #tpu.memory_space<vmem>> -> memref<1x80xi32, #tpu.memory_space<vmem>>
        %dma_start3A_289 = tpu.memref_squeeze %dma_start3A_288 : memref<1x80xi32, #tpu.memory_space<vmem>> -> memref<80xi32, #tpu.memory_space<vmem>>
        %dma_start3A_290 = arith.constant 0 : i32
        %dma_start3A_291 = arith.constant 0 : i32
        %dma_start3A_292 = tpu.memref_slice %arg10[%dma_start3A_290, %dma_start3A_291] : memref<10000x64xf32, #tpu.memory_space<vmem_shared>> -> memref<10000x64xf32, #tpu.memory_space<vmem_shared>>
        tpu.enqueue_indirect_dma source(%dma_start3A_286 : memref<80x64xf32, #tpu.memory_space<vmem>>) target(%dma_start3A_292 : memref<10000x64xf32, #tpu.memory_space<vmem_shared>>) offsets(%dma_start3A_289 : memref<80xi32, #tpu.memory_space<vmem>>) semaphore(%arg21 : memref<!tpu.dma_semaphore, #tpu.memory_space<semaphore_mem>>) {add = true}
      } else {
      }
      %jit3A_243 = arith.constant 6 : i32
      %eq3A_244 = arith.constant 0 : i32
      %eq3A_245 = arith.cmpi eq, %jit3A_243, %eq3A_244 : i32
      %jit3A_246 = arith.constant 1 : i32
      %select_n3A_247 = arith.select %eq3A_245, %jit3A_246, %jit3A_243 : i32
      %rem3A_248 = arith.remsi %scan3A_144, %select_n3A_247 : i32
      %ne3A_249 = arith.constant 0 : i32
      %ne3A_250 = arith.cmpi ne, %rem3A_248, %ne3A_249 : i32
      %lt3A_251 = arith.constant 0 : i32
      %lt3A_252 = arith.cmpi slt, %rem3A_248, %lt3A_251 : i32
      %lt3A_253 = arith.constant 0 : i32
      %lt3A_254 = arith.cmpi slt, %select_n3A_247, %lt3A_253 : i32
      %ne3A_255 = arith.xori %lt3A_252, %lt3A_254 : i1
      %and3A_256 = arith.andi %ne3A_255, %ne3A_250 : i1
      %add3A_257 = arith.addi %rem3A_248, %select_n3A_247 : i32
      %select_n3A_258 = arith.select %and3A_256, %add3A_257, %rem3A_248 : i32
      %eq3A_259 = arith.constant 5 : i32
      %eq3A_260 = arith.cmpi eq, %select_n3A_258, %eq3A_259 : i32
      %convert_element_type3A_261 = arith.extui %eq3A_260 : i1 to i32
      %cond3A_262 = arith.constant 0 : i32
      %cond3A_263 = arith.cmpi ne, %convert_element_type3A_261, %cond3A_262 : i32
      scf.if %cond3A_263 {
        %add3A_264 = arith.constant 4 : i32
        %add3A_265 = arith.addi %scan3A_144, %add3A_264 : i32
        %lt3A_266 = arith.constant 250 : i32
        %lt3A_267 = arith.cmpi slt, %add3A_265, %lt3A_266 : i32
        %convert_element_type3A_268 = arith.extui %lt3A_267 : i1 to i32
        %cond3A_269 = arith.constant 0 : i32
        %cond3A_270 = arith.cmpi ne, %convert_element_type3A_268, %cond3A_269 : i32
        scf.if %cond3A_270 {
          %ge3A = arith.constant 2 : i32
          %ge3A_293 = arith.cmpi sge, %scan3A_144, %ge3A : i32
          %convert_element_type3A_294 = arith.extui %ge3A_293 : i1 to i32
          %cond3A_295 = arith.constant 0 : i32
          %cond3A_296 = arith.cmpi ne, %convert_element_type3A_294, %cond3A_295 : i32
          scf.if %cond3A_296 {
            %sub3A = arith.constant 2 : i32
            %sub3A_310 = arith.subi %scan3A_144, %sub3A : i32
            %dma_wait3A_311 = arith.constant 3 : i32
            %dma_wait3A_312 = arith.constant 0 : i32
            %dma_wait3A_313 = arith.constant 0 : i32
            %dma_wait3A_314 = tpu.memref_slice %arg9[%dma_wait3A_311, %dma_wait3A_312, %dma_wait3A_313] : memref<6x80x64xf32, #tpu.memory_space<vmem>> -> memref<1x80x64xf32, #tpu.memory_space<vmem>>
            %dma_wait3A_315 = tpu.memref_squeeze %dma_wait3A_314 : memref<1x80x64xf32, #tpu.memory_space<vmem>> -> memref<80x64xf32, #tpu.memory_space<vmem>>
            %dma_wait3A_316 = arith.constant 0 : i32
            %dma_wait3A_317 = tpu.memref_slice %arg8[%sub3A_310, %dma_wait3A_316] : memref<250x80xi32, #tpu.memory_space<vmem>> -> memref<1x80xi32, #tpu.memory_space<vmem>>
            %dma_wait3A_318 = tpu.memref_squeeze %dma_wait3A_317 : memref<1x80xi32, #tpu.memory_space<vmem>> -> memref<80xi32, #tpu.memory_space<vmem>>
            %dma_wait3A_319 = arith.constant 0 : i32
            %dma_wait3A_320 = arith.constant 0 : i32
            %dma_wait3A_321 = tpu.memref_slice %arg10[%dma_wait3A_319, %dma_wait3A_320] : memref<10000x64xf32, #tpu.memory_space<vmem_shared>> -> memref<10000x64xf32, #tpu.memory_space<vmem_shared>>
            tpu.wait_indirect_dma semaphore(%arg20 : memref<!tpu.dma_semaphore, #tpu.memory_space<semaphore_mem>>) src(%dma_wait3A_315 : memref<80x64xf32, #tpu.memory_space<vmem>>) dst(%dma_wait3A_321 : memref<10000x64xf32, #tpu.memory_space<vmem_shared>>)
          } else {
          }
          %add3A_297 = arith.constant 4 : i32
          %add3A_298 = arith.addi %scan3A_144, %add3A_297 : i32
          %dma_start3A_299 = arith.constant 3 : i32
          %dma_start3A_300 = arith.constant 0 : i32
          %dma_start3A_301 = arith.constant 0 : i32
          %dma_start3A_302 = tpu.memref_slice %arg9[%dma_start3A_299, %dma_start3A_300, %dma_start3A_301] : memref<6x80x64xf32, #tpu.memory_space<vmem>> -> memref<1x80x64xf32, #tpu.memory_space<vmem>>
          %dma_start3A_303 = tpu.memref_squeeze %dma_start3A_302 : memref<1x80x64xf32, #tpu.memory_space<vmem>> -> memref<80x64xf32, #tpu.memory_space<vmem>>
          %dma_start3A_304 = arith.constant 0 : i32
          %dma_start3A_305 = tpu.memref_slice %arg7[%add3A_298, %dma_start3A_304] : memref<250x80xi32, #tpu.memory_space<vmem>> -> memref<1x80xi32, #tpu.memory_space<vmem>>
          %dma_start3A_306 = tpu.memref_squeeze %dma_start3A_305 : memref<1x80xi32, #tpu.memory_space<vmem>> -> memref<80xi32, #tpu.memory_space<vmem>>
          %dma_start3A_307 = arith.constant 0 : i32
          %dma_start3A_308 = arith.constant 0 : i32
          %dma_start3A_309 = tpu.memref_slice %arg2[%dma_start3A_307, %dma_start3A_308] : memref<20000x64xf32, #tpu.memory_space<hbm>> -> memref<20000x64xf32, #tpu.memory_space<hbm>>
          tpu.enqueue_indirect_dma source(%dma_start3A_309 : memref<20000x64xf32, #tpu.memory_space<hbm>>) target(%dma_start3A_303 : memref<80x64xf32, #tpu.memory_space<vmem>>) offsets(%dma_start3A_306 : memref<80xi32, #tpu.memory_space<vmem>>) semaphore(%arg14 : memref<!tpu.dma_semaphore, #tpu.memory_space<semaphore_mem>>)
        } else {
        }
        %dma_wait3A_271 = arith.constant 5 : i32
        %dma_wait3A_272 = arith.constant 0 : i32
        %dma_wait3A_273 = arith.constant 0 : i32
        %dma_wait3A_274 = tpu.memref_slice %arg9[%dma_wait3A_271, %dma_wait3A_272, %dma_wait3A_273] : memref<6x80x64xf32, #tpu.memory_space<vmem>> -> memref<1x80x64xf32, #tpu.memory_space<vmem>>
        %dma_wait3A_275 = tpu.memref_squeeze %dma_wait3A_274 : memref<1x80x64xf32, #tpu.memory_space<vmem>> -> memref<80x64xf32, #tpu.memory_space<vmem>>
        %dma_wait3A_276 = arith.constant 0 : i32
        %dma_wait3A_277 = tpu.memref_slice %arg7[%scan3A_144, %dma_wait3A_276] : memref<250x80xi32, #tpu.memory_space<vmem>> -> memref<1x80xi32, #tpu.memory_space<vmem>>
        %dma_wait3A_278 = tpu.memref_squeeze %dma_wait3A_277 : memref<1x80xi32, #tpu.memory_space<vmem>> -> memref<80xi32, #tpu.memory_space<vmem>>
        %dma_wait3A_279 = arith.constant 0 : i32
        %dma_wait3A_280 = arith.constant 0 : i32
        %dma_wait3A_281 = tpu.memref_slice %arg2[%dma_wait3A_279, %dma_wait3A_280] : memref<20000x64xf32, #tpu.memory_space<hbm>> -> memref<20000x64xf32, #tpu.memory_space<hbm>>
        tpu.wait_indirect_dma semaphore(%arg16 : memref<!tpu.dma_semaphore, #tpu.memory_space<semaphore_mem>>) src(%dma_wait3A_281 : memref<20000x64xf32, #tpu.memory_space<hbm>>) dst(%dma_wait3A_275 : memref<80x64xf32, #tpu.memory_space<vmem>>)
        %dma_start3A_282 = arith.constant 5 : i32
        %dma_start3A_283 = arith.constant 0 : i32
        %dma_start3A_284 = arith.constant 0 : i32
        %dma_start3A_285 = tpu.memref_slice %arg9[%dma_start3A_282, %dma_start3A_283, %dma_start3A_284] : memref<6x80x64xf32, #tpu.memory_space<vmem>> -> memref<1x80x64xf32, #tpu.memory_space<vmem>>
        %dma_start3A_286 = tpu.memref_squeeze %dma_start3A_285 : memref<1x80x64xf32, #tpu.memory_space<vmem>> -> memref<80x64xf32, #tpu.memory_space<vmem>>
        %dma_start3A_287 = arith.constant 0 : i32
        %dma_start3A_288 = tpu.memref_slice %arg8[%scan3A_144, %dma_start3A_287] : memref<250x80xi32, #tpu.memory_space<vmem>> -> memref<1x80xi32, #tpu.memory_space<vmem>>
        %dma_start3A_289 = tpu.memref_squeeze %dma_start3A_288 : memref<1x80xi32, #tpu.memory_space<vmem>> -> memref<80xi32, #tpu.memory_space<vmem>>
        %dma_start3A_290 = arith.constant 0 : i32
        %dma_start3A_291 = arith.constant 0 : i32
        %dma_start3A_292 = tpu.memref_slice %arg10[%dma_start3A_290, %dma_start3A_291] : memref<10000x64xf32, #tpu.memory_space<vmem_shared>> -> memref<10000x64xf32, #tpu.memory_space<vmem_shared>>
        tpu.enqueue_indirect_dma source(%dma_start3A_286 : memref<80x64xf32, #tpu.memory_space<vmem>>) target(%dma_start3A_292 : memref<10000x64xf32, #tpu.memory_space<vmem_shared>>) offsets(%dma_start3A_289 : memref<80xi32, #tpu.memory_space<vmem>>) semaphore(%arg22 : memref<!tpu.dma_semaphore, #tpu.memory_space<semaphore_mem>>) {add = true}
      } else {
      }
    }
    %scan3A_66 = arith.constant 250 : i32
    %dma_wait3A = arith.constant 0 : i32
    %dma_wait3A_67 = arith.constant 0 : i32
    %dma_wait3A_68 = arith.constant 0 : i32
    %dma_wait3A_69 = arith.constant 0 : i32
    %dma_wait3A_70 = tpu.memref_slice %arg9[%dma_wait3A, %dma_wait3A_68, %dma_wait3A_69] : memref<6x80x64xf32, #tpu.memory_space<vmem>> -> memref<1x80x64xf32, #tpu.memory_space<vmem>>
    %dma_wait3A_71 = tpu.memref_squeeze %dma_wait3A_70 : memref<1x80x64xf32, #tpu.memory_space<vmem>> -> memref<80x64xf32, #tpu.memory_space<vmem>>
    %dma_wait3A_72 = arith.constant 0 : i32
    %dma_wait3A_73 = tpu.memref_slice %arg8[%dma_wait3A_67, %dma_wait3A_72] : memref<250x80xi32, #tpu.memory_space<vmem>> -> memref<1x80xi32, #tpu.memory_space<vmem>>
    %dma_wait3A_74 = tpu.memref_squeeze %dma_wait3A_73 : memref<1x80xi32, #tpu.memory_space<vmem>> -> memref<80xi32, #tpu.memory_space<vmem>>
    %dma_wait3A_75 = arith.constant 0 : i32
    %dma_wait3A_76 = arith.constant 0 : i32
    %dma_wait3A_77 = tpu.memref_slice %arg10[%dma_wait3A_75, %dma_wait3A_76] : memref<10000x64xf32, #tpu.memory_space<vmem_shared>> -> memref<10000x64xf32, #tpu.memory_space<vmem_shared>>
    tpu.wait_indirect_dma semaphore(%arg17 : memref<!tpu.dma_semaphore, #tpu.memory_space<semaphore_mem>>) src(%dma_wait3A_71 : memref<80x64xf32, #tpu.memory_space<vmem>>) dst(%dma_wait3A_77 : memref<10000x64xf32, #tpu.memory_space<vmem_shared>>)
    %dma_wait3A_78 = arith.constant 1 : i32
    %dma_wait3A_79 = arith.constant 0 : i32
    %dma_wait3A_80 = arith.constant 0 : i32
    %dma_wait3A_81 = arith.constant 0 : i32
    %dma_wait3A_82 = tpu.memref_slice %arg9[%dma_wait3A_78, %dma_wait3A_80, %dma_wait3A_81] : memref<6x80x64xf32, #tpu.memory_space<vmem>> -> memref<1x80x64xf32, #tpu.memory_space<vmem>>
    %dma_wait3A_83 = tpu.memref_squeeze %dma_wait3A_82 : memref<1x80x64xf32, #tpu.memory_space<vmem>> -> memref<80x64xf32, #tpu.memory_space<vmem>>
    %dma_wait3A_84 = arith.constant 0 : i32
    %dma_wait3A_85 = tpu.memref_slice %arg8[%dma_wait3A_79, %dma_wait3A_84] : memref<250x80xi32, #tpu.memory_space<vmem>> -> memref<1x80xi32, #tpu.memory_space<vmem>>
    %dma_wait3A_86 = tpu.memref_squeeze %dma_wait3A_85 : memref<1x80xi32, #tpu.memory_space<vmem>> -> memref<80xi32, #tpu.memory_space<vmem>>
    %dma_wait3A_87 = arith.constant 0 : i32
    %dma_wait3A_88 = arith.constant 0 : i32
    %dma_wait3A_89 = tpu.memref_slice %arg10[%dma_wait3A_87, %dma_wait3A_88] : memref<10000x64xf32, #tpu.memory_space<vmem_shared>> -> memref<10000x64xf32, #tpu.memory_space<vmem_shared>>
    tpu.wait_indirect_dma semaphore(%arg18 : memref<!tpu.dma_semaphore, #tpu.memory_space<semaphore_mem>>) src(%dma_wait3A_83 : memref<80x64xf32, #tpu.memory_space<vmem>>) dst(%dma_wait3A_89 : memref<10000x64xf32, #tpu.memory_space<vmem_shared>>)
    %dma_wait3A_90 = arith.constant 2 : i32
    %dma_wait3A_91 = arith.constant 0 : i32
    %dma_wait3A_92 = arith.constant 0 : i32
    %dma_wait3A_93 = arith.constant 0 : i32
    %dma_wait3A_94 = tpu.memref_slice %arg9[%dma_wait3A_90, %dma_wait3A_92, %dma_wait3A_93] : memref<6x80x64xf32, #tpu.memory_space<vmem>> -> memref<1x80x64xf32, #tpu.memory_space<vmem>>
    %dma_wait3A_95 = tpu.memref_squeeze %dma_wait3A_94 : memref<1x80x64xf32, #tpu.memory_space<vmem>> -> memref<80x64xf32, #tpu.memory_space<vmem>>
    %dma_wait3A_96 = arith.constant 0 : i32
    %dma_wait3A_97 = tpu.memref_slice %arg8[%dma_wait3A_91, %dma_wait3A_96] : memref<250x80xi32, #tpu.memory_space<vmem>> -> memref<1x80xi32, #tpu.memory_space<vmem>>
    %dma_wait3A_98 = tpu.memref_squeeze %dma_wait3A_97 : memref<1x80xi32, #tpu.memory_space<vmem>> -> memref<80xi32, #tpu.memory_space<vmem>>
    %dma_wait3A_99 = arith.constant 0 : i32
    %dma_wait3A_100 = arith.constant 0 : i32
    %dma_wait3A_101 = tpu.memref_slice %arg10[%dma_wait3A_99, %dma_wait3A_100] : memref<10000x64xf32, #tpu.memory_space<vmem_shared>> -> memref<10000x64xf32, #tpu.memory_space<vmem_shared>>
    tpu.wait_indirect_dma semaphore(%arg19 : memref<!tpu.dma_semaphore, #tpu.memory_space<semaphore_mem>>) src(%dma_wait3A_95 : memref<80x64xf32, #tpu.memory_space<vmem>>) dst(%dma_wait3A_101 : memref<10000x64xf32, #tpu.memory_space<vmem_shared>>)
    %dma_wait3A_102 = arith.constant 3 : i32
    %dma_wait3A_103 = arith.constant 0 : i32
    %dma_wait3A_104 = arith.constant 0 : i32
    %dma_wait3A_105 = arith.constant 0 : i32
    %dma_wait3A_106 = tpu.memref_slice %arg9[%dma_wait3A_102, %dma_wait3A_104, %dma_wait3A_105] : memref<6x80x64xf32, #tpu.memory_space<vmem>> -> memref<1x80x64xf32, #tpu.memory_space<vmem>>
    %dma_wait3A_107 = tpu.memref_squeeze %dma_wait3A_106 : memref<1x80x64xf32, #tpu.memory_space<vmem>> -> memref<80x64xf32, #tpu.memory_space<vmem>>
    %dma_wait3A_108 = arith.constant 0 : i32
    %dma_wait3A_109 = tpu.memref_slice %arg8[%dma_wait3A_103, %dma_wait3A_108] : memref<250x80xi32, #tpu.memory_space<vmem>> -> memref<1x80xi32, #tpu.memory_space<vmem>>
    %dma_wait3A_110 = tpu.memref_squeeze %dma_wait3A_109 : memref<1x80xi32, #tpu.memory_space<vmem>> -> memref<80xi32, #tpu.memory_space<vmem>>
    %dma_wait3A_111 = arith.constant 0 : i32
    %dma_wait3A_112 = arith.constant 0 : i32
    %dma_wait3A_113 = tpu.memref_slice %arg10[%dma_wait3A_111, %dma_wait3A_112] : memref<10000x64xf32, #tpu.memory_space<vmem_shared>> -> memref<10000x64xf32, #tpu.memory_space<vmem_shared>>
    tpu.wait_indirect_dma semaphore(%arg20 : memref<!tpu.dma_semaphore, #tpu.memory_space<semaphore_mem>>) src(%dma_wait3A_107 : memref<80x64xf32, #tpu.memory_space<vmem>>) dst(%dma_wait3A_113 : memref<10000x64xf32, #tpu.memory_space<vmem_shared>>)
    %dma_wait3A_114 = arith.constant 4 : i32
    %dma_wait3A_115 = arith.constant 0 : i32
    %dma_wait3A_116 = arith.constant 0 : i32
    %dma_wait3A_117 = arith.constant 0 : i32
    %dma_wait3A_118 = tpu.memref_slice %arg9[%dma_wait3A_114, %dma_wait3A_116, %dma_wait3A_117] : memref<6x80x64xf32, #tpu.memory_space<vmem>> -> memref<1x80x64xf32, #tpu.memory_space<vmem>>
    %dma_wait3A_119 = tpu.memref_squeeze %dma_wait3A_118 : memref<1x80x64xf32, #tpu.memory_space<vmem>> -> memref<80x64xf32, #tpu.memory_space<vmem>>
    %dma_wait3A_120 = arith.constant 0 : i32
    %dma_wait3A_121 = tpu.memref_slice %arg8[%dma_wait3A_115, %dma_wait3A_120] : memref<250x80xi32, #tpu.memory_space<vmem>> -> memref<1x80xi32, #tpu.memory_space<vmem>>
    %dma_wait3A_122 = tpu.memref_squeeze %dma_wait3A_121 : memref<1x80xi32, #tpu.memory_space<vmem>> -> memref<80xi32, #tpu.memory_space<vmem>>
    %dma_wait3A_123 = arith.constant 0 : i32
    %dma_wait3A_124 = arith.constant 0 : i32
    %dma_wait3A_125 = tpu.memref_slice %arg10[%dma_wait3A_123, %dma_wait3A_124] : memref<10000x64xf32, #tpu.memory_space<vmem_shared>> -> memref<10000x64xf32, #tpu.memory_space<vmem_shared>>
    tpu.wait_indirect_dma semaphore(%arg21 : memref<!tpu.dma_semaphore, #tpu.memory_space<semaphore_mem>>) src(%dma_wait3A_119 : memref<80x64xf32, #tpu.memory_space<vmem>>) dst(%dma_wait3A_125 : memref<10000x64xf32, #tpu.memory_space<vmem_shared>>)
    %dma_wait3A_126 = arith.constant 5 : i32
    %dma_wait3A_127 = arith.constant 0 : i32
    %dma_wait3A_128 = arith.constant 0 : i32
    %dma_wait3A_129 = arith.constant 0 : i32
    %dma_wait3A_130 = tpu.memref_slice %arg9[%dma_wait3A_126, %dma_wait3A_128, %dma_wait3A_129] : memref<6x80x64xf32, #tpu.memory_space<vmem>> -> memref<1x80x64xf32, #tpu.memory_space<vmem>>
    %dma_wait3A_131 = tpu.memref_squeeze %dma_wait3A_130 : memref<1x80x64xf32, #tpu.memory_space<vmem>> -> memref<80x64xf32, #tpu.memory_space<vmem>>
    %dma_wait3A_132 = arith.constant 0 : i32
    %dma_wait3A_133 = tpu.memref_slice %arg8[%dma_wait3A_127, %dma_wait3A_132] : memref<250x80xi32, #tpu.memory_space<vmem>> -> memref<1x80xi32, #tpu.memory_space<vmem>>
    %dma_wait3A_134 = tpu.memref_squeeze %dma_wait3A_133 : memref<1x80xi32, #tpu.memory_space<vmem>> -> memref<80xi32, #tpu.memory_space<vmem>>
    %dma_wait3A_135 = arith.constant 0 : i32
    %dma_wait3A_136 = arith.constant 0 : i32
    %dma_wait3A_137 = tpu.memref_slice %arg10[%dma_wait3A_135, %dma_wait3A_136] : memref<10000x64xf32, #tpu.memory_space<vmem_shared>> -> memref<10000x64xf32, #tpu.memory_space<vmem_shared>>
    tpu.wait_indirect_dma semaphore(%arg22 : memref<!tpu.dma_semaphore, #tpu.memory_space<semaphore_mem>>) src(%dma_wait3A_131 : memref<80x64xf32, #tpu.memory_space<vmem>>) dst(%dma_wait3A_137 : memref<10000x64xf32, #tpu.memory_space<vmem_shared>>)
    %barrier3A_138 = arith.constant 0 : index
    tpu.barrier barrier_id(%barrier3A_138)
    %eq3A_139 = arith.constant 0 : i32
    %eq3A_140 = arith.cmpi eq, %arg1, %eq3A_139 : i32
    %convert_element_type3A_141 = arith.extui %eq3A_140 : i1 to i32
    %cond3A_142 = arith.constant 0 : i32
    %cond3A_143 = arith.cmpi ne, %convert_element_type3A_141, %cond3A_142 : i32
    scf.if %cond3A_143 {
      "tpu.region"() ({
        %run_scoped3A_144 = tpu.sem_alloc : memref<!tpu.dma_semaphore, #tpu.memory_space<semaphore_mem>>
        %dma_start3A_145 = arith.constant 0 : i32
        %dma_start3A_146 = arith.constant 0 : i32
        %dma_start3A_147 = tpu.memref_slice %arg6[%arg0, %dma_start3A_145, %dma_start3A_146] : memref<2x10000x64xf32, #tpu.memory_space<hbm>> -> memref<1x10000x64xf32, #tpu.memory_space<hbm>>
        %dma_start3A_148 = tpu.memref_squeeze %dma_start3A_147 : memref<1x10000x64xf32, #tpu.memory_space<hbm>> -> memref<10000x64xf32, #tpu.memory_space<hbm>>
        tpu.enqueue_dma source(%arg10 : memref<10000x64xf32, #tpu.memory_space<vmem_shared>>) target(%dma_start3A_148 : memref<10000x64xf32, #tpu.memory_space<hbm>>) target_semaphore(%run_scoped3A_144 : memref<!tpu.dma_semaphore, #tpu.memory_space<semaphore_mem>>)
        %dma_wait3A_149 = arith.constant 0 : i32
        %dma_wait3A_150 = arith.constant 0 : i32
        %dma_wait3A_151 = tpu.memref_slice %arg6[%arg0, %dma_wait3A_149, %dma_wait3A_150] : memref<2x10000x64xf32, #tpu.memory_space<hbm>> -> memref<1x10000x64xf32, #tpu.memory_space<hbm>>
        %dma_wait3A_152 = tpu.memref_squeeze %dma_wait3A_151 : memref<1x10000x64xf32, #tpu.memory_space<hbm>> -> memref<10000x64xf32, #tpu.memory_space<hbm>>
        tpu.wait_dma2 semaphore(%run_scoped3A_144 : memref<!tpu.dma_semaphore, #tpu.memory_space<semaphore_mem>>) src(%arg10 : memref<10000x64xf32, #tpu.memory_space<vmem_shared>>) dst(%dma_wait3A_152 : memref<10000x64xf32, #tpu.memory_space<hbm>>)
        tpu.yield
      }) : () -> ()
    } else {
    }
    return
  }
}

module attributes {stable_mosaic.version = 14 : i64} {
  func.func @body(%arg0: i32, %arg1: memref<2000x128xf32, #tpu.memory_space<vmem>>, %arg2: memref<128x128xf32, #tpu.memory_space<vmem>>, %arg3: memref<2000x128xf32, #tpu.memory_space<vmem>>) attributes {dimension_semantics = [#tpu.dimension_semantics<arbitrary>], iteration_bounds = array<i64: 5>, scalar_prefetch = 0 : i64, scratch_operands = 0 : i64, tpu.core_type = #tpu.core_type<tc>, window_params = [{transform_indices = @transform_0, window_bounds = array<i64: 2000, 128>}, {pipeline_mode = #tpu.pipeline_mode<synchronous>, transform_indices = @transform_1, window_bounds = array<i64: 128, 128>}, {transform_indices = @transform_2, window_bounds = array<i64: 2000, 128>}]} {
    %get3A = arith.constant 0 : index
    %get3A_0 = arith.constant 0 : index
    %get3A_1 = vector.load %arg1[%get3A, %get3A_0] : memref<2000x128xf32, #tpu.memory_space<vmem>>, vector<2000x128xf32>
    %get3A_2 = arith.constant 0 : index
    %get3A_3 = arith.constant 0 : index
    %get3A_4 = vector.load %arg2[%get3A_2, %get3A_3] : memref<128x128xf32, #tpu.memory_space<vmem>>, vector<128x128xf32>
    %dot_general3A = arith.constant dense<0.000000e+00> : vector<2000x128xf32>
    %dot_general3A_5 = tpu.matmul %get3A_1, %get3A_4, %dot_general3A {dimension_numbers = #tpu.dot_dimension_numbers<[1], [0], [0], [1], [0, 0, 1, 1], [], []>, transpose_lhs_hint = false} : vector<2000x128xf32>, vector<128x128xf32>, vector<2000x128xf32> -> vector<2000x128xf32>
    %swap3A = arith.constant 0 : index
    %swap3A_6 = arith.constant 0 : index
    %swap3A_7 = vector.load %arg3[%swap3A, %swap3A_6] : memref<2000x128xf32, #tpu.memory_space<vmem>>, vector<2000x128xf32>
    tpu.vector_store %arg3[%swap3A, %swap3A_6], %dot_general3A_5 {strides = array<i32>} : memref<2000x128xf32, #tpu.memory_space<vmem>>, vector<2000x128xf32>,
    return
  }
  func.func @transform_0(%arg0: i32) -> (i32, i32) {
    %c0_i32 = arith.constant 0 : i32
    %c0_i32_0 = arith.constant 0 : i32
    return %arg0, %c0_i32 : i32, i32
  }
  func.func @transform_1(%arg0: i32) -> (i32, i32) {
    %c0_i32 = arith.constant 0 : i32
    %c0_i32_0 = arith.constant 0 : i32
    %c0_i32_1 = arith.constant 0 : i32
    return %c0_i32, %c0_i32_0 : i32, i32
  }
  func.func @transform_2(%arg0: i32) -> (i32, i32) {
    %c0_i32 = arith.constant 0 : i32
    %c0_i32_0 = arith.constant 0 : i32
    return %arg0, %c0_i32 : i32, i32
  }
}

module attributes {stable_mosaic.version = 14 : i64} {
  func.func @body(%arg0: i32, %arg1: memref<2000x128xf32, #tpu.memory_space<vmem>>, %arg2: memref<2x2000x16xf32, #tpu.memory_space<vmem>>, %arg3: memref<2x2000x64xf32, #tpu.memory_space<vmem>>) attributes {dimension_semantics = [#tpu.dimension_semantics<arbitrary>], iteration_bounds = array<i64: 5>, scalar_prefetch = 0 : i64, scratch_operands = 0 : i64, tpu.core_type = #tpu.core_type<tc>, window_params = [{transform_indices = @transform_0, window_bounds = array<i64: 2000, 128>}, {transform_indices = @transform_1, window_bounds = array<i64: 2, 2000, 16>}, {transform_indices = @transform_2, window_bounds = array<i64: 2, 2000, 64>}]} {
    %get3A = arith.constant 0 : index
    %get3A_0 = arith.constant 0 : index
    %get3A_1 = arith.constant 0 : index
    %get3A_2 = vector.load %arg2[%get3A, %get3A_0, %get3A_1] : memref<2x2000x16xf32, #tpu.memory_space<vmem>>, vector<2x2000x16xf32>
    %slice3A = vector.extract_strided_slice %get3A_2 {offsets = [0, 0, 0], sizes = [1, 2000, 1], strides = [1, 1, 1]} : vector<2x2000x16xf32> to vector<1x2000x1xf32>
    %squeeze3A = vector.shape_cast %slice3A : vector<1x2000x1xf32> to vector<2000xf32>
    %slice3A_3 = vector.extract_strided_slice %get3A_2 {offsets = [1, 0, 0], sizes = [1, 2000, 1], strides = [1, 1, 1]} : vector<2x2000x16xf32> to vector<1x2000x1xf32>
    %squeeze3A_4 = vector.shape_cast %slice3A_3 : vector<1x2000x1xf32> to vector<2000xf32>
    %add3A = arith.addf %squeeze3A, %squeeze3A_4 : vector<2000xf32>
    %add3A_5 = arith.constant 1.000000e+00 : f32
    %add3A_6 = vector.broadcast %add3A_5 : f32 to vector<2000xf32>
    %add3A_7 = arith.addf %add3A, %add3A_6 : vector<2000xf32>
    %rsqrt3A = math.rsqrt %add3A_7 : vector<2000xf32>
    %get3A_8 = arith.constant 0 : index
    %get3A_9 = arith.constant 0 : index
    %get3A_10 = vector.load %arg1[%get3A_8, %get3A_9] : memref<2000x128xf32, #tpu.memory_space<vmem>>, vector<2000x128xf32>
    %broadcast_in_dim3A = vector.shape_cast %rsqrt3A : vector<2000xf32> to vector<2000x1xf32>
    %mul3A = vector.broadcast %broadcast_in_dim3A : vector<2000x1xf32> to vector<2000x128xf32>
    %mul3A_11 = arith.mulf %get3A_10, %mul3A : vector<2000x128xf32>
    %slice3A_12 = vector.extract_strided_slice %mul3A_11 {offsets = [0, 0], sizes = [2000, 64], strides = [1, 1]} : vector<2000x128xf32> to vector<2000x64xf32>
    %swap3A = arith.constant 0 : index
    %swap3A_13 = arith.constant 0 : index
    %swap3A_14 = arith.constant 0 : index
    %swap3A_15 = vector.load %arg3[%swap3A, %swap3A_13, %swap3A_14] : memref<2x2000x64xf32, #tpu.memory_space<vmem>>, vector<1x2000x64xf32>
    %swap3A_16 = vector.shape_cast %swap3A_15 : vector<1x2000x64xf32> to vector<2000x64xf32>
    %swap3A_17 = vector.shape_cast %slice3A_12 : vector<2000x64xf32> to vector<1x2000x64xf32>
    tpu.vector_store %arg3[%swap3A, %swap3A_13, %swap3A_14], %swap3A_17 {strides = array<i32>} : memref<2x2000x64xf32, #tpu.memory_space<vmem>>, vector<1x2000x64xf32>,
    %slice3A_18 = vector.extract_strided_slice %mul3A_11 {offsets = [0, 64], sizes = [2000, 64], strides = [1, 1]} : vector<2000x128xf32> to vector<2000x64xf32>
    %swap3A_19 = arith.constant 1 : index
    %swap3A_20 = arith.constant 0 : index
    %swap3A_21 = arith.constant 0 : index
    %swap3A_22 = vector.load %arg3[%swap3A_19, %swap3A_20, %swap3A_21] : memref<2x2000x64xf32, #tpu.memory_space<vmem>>, vector<1x2000x64xf32>
    %swap3A_23 = vector.shape_cast %swap3A_22 : vector<1x2000x64xf32> to vector<2000x64xf32>
    %swap3A_24 = vector.shape_cast %slice3A_18 : vector<2000x64xf32> to vector<1x2000x64xf32>
    tpu.vector_store %arg3[%swap3A_19, %swap3A_20, %swap3A_21], %swap3A_24 {strides = array<i32>} : memref<2x2000x64xf32, #tpu.memory_space<vmem>>, vector<1x2000x64xf32>,
    return
  }
  func.func @transform_0(%arg0: i32) -> (i32, i32) {
    %c0_i32 = arith.constant 0 : i32
    %c0_i32_0 = arith.constant 0 : i32
    return %arg0, %c0_i32 : i32, i32
  }
  func.func @transform_1(%arg0: i32) -> (i32, i32, i32) {
    %c0_i32 = arith.constant 0 : i32
    %c0_i32_0 = arith.constant 0 : i32
    %c0_i32_1 = arith.constant 0 : i32
    return %c0_i32, %arg0, %c0_i32_0 : i32, i32, i32
  }
  func.func @transform_2(%arg0: i32) -> (i32, i32, i32) {
    %c0_i32 = arith.constant 0 : i32
    %c0_i32_0 = arith.constant 0 : i32
    %c0_i32_1 = arith.constant 0 : i32
    return %c0_i32, %arg0, %c0_i32_0 : i32, i32, i32
  }
}

module attributes {stable_mosaic.version = 14 : i64} {
  func.func @body(%arg0: i32, %arg1: memref<2x2000x64xf32, #tpu.memory_space<vmem>>, %arg2: memref<2x2000x64xf32, #tpu.memory_space<vmem>>, %arg3: memref<2x2000x16xf32, #tpu.memory_space<vmem>>, %arg4: memref<128xf32, #tpu.memory_space<vmem>>, %arg5: memref<128x64xf32, #tpu.memory_space<vmem>>, %arg6: memref<2000x64xf32, #tpu.memory_space<vmem>>) attributes {dimension_semantics = [#tpu.dimension_semantics<arbitrary>], iteration_bounds = array<i64: 5>, scalar_prefetch = 0 : i64, scratch_operands = 0 : i64, tpu.core_type = #tpu.core_type<tc>, window_params = [{transform_indices = @transform_0, window_bounds = array<i64: 2, 2000, 64>}, {transform_indices = @transform_1, window_bounds = array<i64: 2, 2000, 64>}, {transform_indices = @transform_2, window_bounds = array<i64: 2, 2000, 16>}, {pipeline_mode = #tpu.pipeline_mode<synchronous>, transform_indices = @transform_3, window_bounds = array<i64: 128>}, {pipeline_mode = #tpu.pipeline_mode<synchronous>, transform_indices = @transform_4, window_bounds = array<i64: 128, 64>}, {transform_indices = @transform_5, window_bounds = array<i64: 2000, 64>}]} {
    %get3A = arith.constant 0 : index
    %get3A_0 = arith.constant 0 : index
    %get3A_1 = arith.constant 0 : index
    %get3A_2 = vector.load %arg3[%get3A, %get3A_0, %get3A_1] : memref<2x2000x16xf32, #tpu.memory_space<vmem>>, vector<2x2000x16xf32>
    %slice3A = vector.extract_strided_slice %get3A_2 {offsets = [0, 0, 0], sizes = [1, 2000, 1], strides = [1, 1, 1]} : vector<2x2000x16xf32> to vector<1x2000x1xf32>
    %squeeze3A = vector.shape_cast %slice3A : vector<1x2000x1xf32> to vector<2000xf32>
    %slice3A_3 = vector.extract_strided_slice %get3A_2 {offsets = [1, 0, 0], sizes = [1, 2000, 1], strides = [1, 1, 1]} : vector<2x2000x16xf32> to vector<1x2000x1xf32>
    %squeeze3A_4 = vector.shape_cast %slice3A_3 : vector<1x2000x1xf32> to vector<2000xf32>
    %add3A = arith.addf %squeeze3A, %squeeze3A_4 : vector<2000xf32>
    %add3A_5 = arith.constant 1.000000e+00 : f32
    %add3A_6 = vector.broadcast %add3A_5 : f32 to vector<2000xf32>
    %add3A_7 = arith.addf %add3A, %add3A_6 : vector<2000xf32>
    %rsqrt3A = math.rsqrt %add3A_7 : vector<2000xf32>
    %get3A_8 = arith.constant 0 : index
    %get3A_9 = arith.constant 0 : index
    %get3A_10 = arith.constant 0 : index
    %get3A_11 = vector.load %arg1[%get3A_8, %get3A_9, %get3A_10] : memref<2x2000x64xf32, #tpu.memory_space<vmem>>, vector<2x2000x64xf32>
    %get3A_12 = arith.constant 0 : index
    %get3A_13 = arith.constant 0 : index
    %get3A_14 = arith.constant 0 : index
    %get3A_15 = vector.load %arg2[%get3A_12, %get3A_13, %get3A_14] : memref<2x2000x64xf32, #tpu.memory_space<vmem>>, vector<2x2000x64xf32>
    %slice3A_16 = vector.extract_strided_slice %get3A_11 {offsets = [0, 0, 0], sizes = [1, 2000, 64], strides = [1, 1, 1]} : vector<2x2000x64xf32> to vector<1x2000x64xf32>
    %squeeze3A_17 = vector.shape_cast %slice3A_16 : vector<1x2000x64xf32> to vector<2000x64xf32>
    %slice3A_18 = vector.extract_strided_slice %get3A_15 {offsets = [0, 0, 0], sizes = [1, 2000, 64], strides = [1, 1, 1]} : vector<2x2000x64xf32> to vector<1x2000x64xf32>
    %squeeze3A_19 = vector.shape_cast %slice3A_18 : vector<1x2000x64xf32> to vector<2000x64xf32>
    %add3A_20 = arith.addf %squeeze3A_17, %squeeze3A_19 : vector<2000x64xf32>
    %slice3A_21 = vector.extract_strided_slice %get3A_11 {offsets = [1, 0, 0], sizes = [1, 2000, 64], strides = [1, 1, 1]} : vector<2x2000x64xf32> to vector<1x2000x64xf32>
    %squeeze3A_22 = vector.shape_cast %slice3A_21 : vector<1x2000x64xf32> to vector<2000x64xf32>
    %slice3A_23 = vector.extract_strided_slice %get3A_15 {offsets = [1, 0, 0], sizes = [1, 2000, 64], strides = [1, 1, 1]} : vector<2x2000x64xf32> to vector<1x2000x64xf32>
    %squeeze3A_24 = vector.shape_cast %slice3A_23 : vector<1x2000x64xf32> to vector<2000x64xf32>
    %add3A_25 = arith.addf %squeeze3A_22, %squeeze3A_24 : vector<2000x64xf32>
    %concatenate3A = tpu.concatenate %add3A_20, %add3A_25 in 1 : vector<2000x64xf32>, vector<2000x64xf32> -> vector<2000x128xf32>
    %broadcast_in_dim3A = vector.shape_cast %rsqrt3A : vector<2000xf32> to vector<2000x1xf32>
    %mul3A = vector.broadcast %broadcast_in_dim3A : vector<2000x1xf32> to vector<2000x128xf32>
    %mul3A_26 = arith.mulf %concatenate3A, %mul3A : vector<2000x128xf32>
    %get3A_27 = arith.constant 0 : index
    %get3A_28 = vector.load %arg4[%get3A_27] : memref<128xf32, #tpu.memory_space<vmem>>, vector<128xf32>
    %broadcast_in_dim3A_29 = vector.shape_cast %get3A_28 : vector<128xf32> to vector<1x128xf32>
    %add3A_30 = vector.broadcast %broadcast_in_dim3A_29 : vector<1x128xf32> to vector<2000x128xf32>
    %add3A_31 = arith.addf %mul3A_26, %add3A_30 : vector<2000x128xf32>
    %max3A = arith.constant 0.000000e+00 : f32
    %max3A_32 = vector.broadcast %max3A : f32 to vector<2000x128xf32>
    %max3A_33 = arith.maximumf %add3A_31, %max3A_32 : vector<2000x128xf32>
    %get3A_34 = arith.constant 0 : index
    %get3A_35 = arith.constant 0 : index
    %get3A_36 = vector.load %arg5[%get3A_34, %get3A_35] : memref<128x64xf32, #tpu.memory_space<vmem>>, vector<128x64xf32>
    %dot_general3A = arith.constant dense<0.000000e+00> : vector<2000x64xf32>
    %dot_general3A_37 = tpu.matmul %max3A_33, %get3A_36, %dot_general3A {dimension_numbers = #tpu.dot_dimension_numbers<[1], [0], [0], [1], [0, 0, 1, 1], [], []>, transpose_lhs_hint = false} : vector<2000x128xf32>, vector<128x64xf32>, vector<2000x64xf32> -> vector<2000x64xf32>
    %broadcast_in_dim3A_38 = vector.shape_cast %rsqrt3A : vector<2000xf32> to vector<2000x1xf32>
    %mul3A_39 = vector.broadcast %broadcast_in_dim3A_38 : vector<2000x1xf32> to vector<2000x64xf32>
    %mul3A_40 = arith.mulf %dot_general3A_37, %mul3A_39 : vector<2000x64xf32>
    %swap3A = arith.constant 0 : index
    %swap3A_41 = arith.constant 0 : index
    %swap3A_42 = vector.load %arg6[%swap3A, %swap3A_41] : memref<2000x64xf32, #tpu.memory_space<vmem>>, vector<2000x64xf32>
    tpu.vector_store %arg6[%swap3A, %swap3A_41], %mul3A_40 {strides = array<i32>} : memref<2000x64xf32, #tpu.memory_space<vmem>>, vector<2000x64xf32>,
    return
  }
  func.func @transform_0(%arg0: i32) -> (i32, i32, i32) {
    %c0_i32 = arith.constant 0 : i32
    %c0_i32_0 = arith.constant 0 : i32
    %c0_i32_1 = arith.constant 0 : i32
    return %c0_i32, %arg0, %c0_i32_0 : i32, i32, i32
  }
  func.func @transform_1(%arg0: i32) -> (i32, i32, i32) {
    %c0_i32 = arith.constant 0 : i32
    %c0_i32_0 = arith.constant 0 : i32
    %c0_i32_1 = arith.constant 0 : i32
    return %c0_i32, %arg0, %c0_i32_0 : i32, i32, i32
  }
  func.func @transform_2(%arg0: i32) -> (i32, i32, i32) {
    %c0_i32 = arith.constant 0 : i32
    %c0_i32_0 = arith.constant 0 : i32
    %c0_i32_1 = arith.constant 0 : i32
    return %c0_i32, %arg0, %c0_i32_0 : i32, i32, i32
  }
  func.func @transform_3(%arg0: i32) -> i32 {
    %c0_i32 = arith.constant 0 : i32
    %c0_i32_0 = arith.constant 0 : i32
    return %c0_i32 : i32
  }
  func.func @transform_4(%arg0: i32) -> (i32, i32) {
    %c0_i32 = arith.constant 0 : i32
    %c0_i32_0 = arith.constant 0 : i32
    %c0_i32_1 = arith.constant 0 : i32
    return %c0_i32, %c0_i32_0 : i32, i32
  }
  func.func @transform_5(%arg0: i32) -> (i32, i32) {
    %c0_i32 = arith.constant 0 : i32
    %c0_i32_0 = arith.constant 0 : i32
    return %arg0, %c0_i32 : i32, i32
  }
}

module attributes {stable_mosaic.version = 14 : i64} {
  func.func @body(%arg0: i32, %arg1: memref<2x2000x64xf32, #tpu.memory_space<vmem>>, %arg2: memref<2000x64xf32, #tpu.memory_space<vmem>>, %arg3: memref<2x2000x16xf32, #tpu.memory_space<vmem>>, %arg4: memref<64xf32, #tpu.memory_space<vmem>>, %arg5: memref<2000x64xf32, #tpu.memory_space<vmem>>, %arg6: memref<2000x1xi32, #tpu.memory_space<vmem>>, %arg7: memref<2000x64xf32, #tpu.memory_space<vmem>>) attributes {dimension_semantics = [#tpu.dimension_semantics<arbitrary>], iteration_bounds = array<i64: 5>, scalar_prefetch = 0 : i64, scratch_operands = 0 : i64, tpu.core_type = #tpu.core_type<tc>, window_params = [{transform_indices = @transform_0, window_bounds = array<i64: 2, 2000, 64>}, {transform_indices = @transform_1, window_bounds = array<i64: 2000, 64>}, {transform_indices = @transform_2, window_bounds = array<i64: 2, 2000, 16>}, {pipeline_mode = #tpu.pipeline_mode<synchronous>, transform_indices = @transform_3, window_bounds = array<i64: 64>}, {transform_indices = @transform_4, window_bounds = array<i64: 2000, 64>}, {transform_indices = @transform_5, window_bounds = array<i64: 2000, 1>}, {transform_indices = @transform_6, window_bounds = array<i64: 2000, 64>}]} {
    %get3A = arith.constant 0 : index
    %get3A_0 = arith.constant 0 : index
    %get3A_1 = arith.constant 0 : index
    %get3A_2 = vector.load %arg3[%get3A, %get3A_0, %get3A_1] : memref<2x2000x16xf32, #tpu.memory_space<vmem>>, vector<2x2000x16xf32>
    %slice3A = vector.extract_strided_slice %get3A_2 {offsets = [0, 0, 0], sizes = [1, 2000, 1], strides = [1, 1, 1]} : vector<2x2000x16xf32> to vector<1x2000x1xf32>
    %squeeze3A = vector.shape_cast %slice3A : vector<1x2000x1xf32> to vector<2000xf32>
    %slice3A_3 = vector.extract_strided_slice %get3A_2 {offsets = [1, 0, 0], sizes = [1, 2000, 1], strides = [1, 1, 1]} : vector<2x2000x16xf32> to vector<1x2000x1xf32>
    %squeeze3A_4 = vector.shape_cast %slice3A_3 : vector<1x2000x1xf32> to vector<2000xf32>
    %add3A = arith.addf %squeeze3A, %squeeze3A_4 : vector<2000xf32>
    %add3A_5 = arith.constant 1.000000e+00 : f32
    %add3A_6 = vector.broadcast %add3A_5 : f32 to vector<2000xf32>
    %add3A_7 = arith.addf %add3A, %add3A_6 : vector<2000xf32>
    %rsqrt3A = math.rsqrt %add3A_7 : vector<2000xf32>
    %get3A_8 = arith.constant 0 : index
    %get3A_9 = arith.constant 0 : index
    %get3A_10 = arith.constant 0 : index
    %get3A_11 = vector.load %arg1[%get3A_8, %get3A_9, %get3A_10] : memref<2x2000x64xf32, #tpu.memory_space<vmem>>, vector<2x2000x64xf32>
    %slice3A_12 = vector.extract_strided_slice %get3A_11 {offsets = [0, 0, 0], sizes = [1, 2000, 64], strides = [1, 1, 1]} : vector<2x2000x64xf32> to vector<1x2000x64xf32>
    %squeeze3A_13 = vector.shape_cast %slice3A_12 : vector<1x2000x64xf32> to vector<2000x64xf32>
    %slice3A_14 = vector.extract_strided_slice %get3A_11 {offsets = [1, 0, 0], sizes = [1, 2000, 64], strides = [1, 1, 1]} : vector<2x2000x64xf32> to vector<1x2000x64xf32>
    %squeeze3A_15 = vector.shape_cast %slice3A_14 : vector<1x2000x64xf32> to vector<2000x64xf32>
    %add3A_16 = arith.addf %squeeze3A_13, %squeeze3A_15 : vector<2000x64xf32>
    %get3A_17 = arith.constant 0 : index
    %get3A_18 = arith.constant 0 : index
    %get3A_19 = vector.load %arg2[%get3A_17, %get3A_18] : memref<2000x64xf32, #tpu.memory_space<vmem>>, vector<2000x64xf32>
    %add3A_20 = arith.addf %add3A_16, %get3A_19 : vector<2000x64xf32>
    %broadcast_in_dim3A = vector.shape_cast %rsqrt3A : vector<2000xf32> to vector<2000x1xf32>
    %mul3A = vector.broadcast %broadcast_in_dim3A : vector<2000x1xf32> to vector<2000x64xf32>
    %mul3A_21 = arith.mulf %add3A_20, %mul3A : vector<2000x64xf32>
    %get3A_22 = arith.constant 0 : index
    %get3A_23 = vector.load %arg4[%get3A_22] : memref<64xf32, #tpu.memory_space<vmem>>, vector<64xf32>
    %broadcast_in_dim3A_24 = vector.shape_cast %get3A_23 : vector<64xf32> to vector<1x64xf32>
    %add3A_25 = vector.broadcast %broadcast_in_dim3A_24 : vector<1x64xf32> to vector<2000x64xf32>
    %add3A_26 = arith.addf %mul3A_21, %add3A_25 : vector<2000x64xf32>
    %reduce_max3A = arith.constant dense<0xFF800000> : vector<2000xf32>
    %reduce_max3A_27 = vector.multi_reduction <maximumf>, %add3A_26, %reduce_max3A [1] : vector<2000x64xf32> to vector<2000xf32>
    %broadcast_in_dim3A_28 = vector.shape_cast %reduce_max3A_27 : vector<2000xf32> to vector<2000x1xf32>
    %sub3A = vector.broadcast %broadcast_in_dim3A_28 : vector<2000x1xf32> to vector<2000x64xf32>
    %sub3A_29 = arith.subf %add3A_26, %sub3A : vector<2000x64xf32>
    %exp3A = math.exp %sub3A_29 : vector<2000x64xf32>
    %reduce_sum3A = arith.constant dense<0.000000e+00> : vector<2000xf32>
    %reduce_sum3A_30 = vector.multi_reduction <add>, %exp3A, %reduce_sum3A [1] : vector<2000x64xf32> to vector<2000xf32>
    %broadcast_in_dim3A_31 = vector.shape_cast %reduce_sum3A_30 : vector<2000xf32> to vector<2000x1xf32>
    %div3A = vector.broadcast %broadcast_in_dim3A_31 : vector<2000x1xf32> to vector<2000x64xf32>
    %div3A_32 = arith.divf %exp3A, %div3A : vector<2000x64xf32>
    %iota3A = tpu.iota {dimensions = array<i32: 1>} : vector<2000x64xi32>
    %eq3A = vector.broadcast %broadcast_in_dim3A_28 : vector<2000x1xf32> to vector<2000x64xf32>
    %eq3A_33 = arith.cmpf oeq, %add3A_26, %eq3A : vector<2000x64xf32>
    %jit3A = arith.constant 64 : i32
    %broadcast_in_dim3A_34 = vector.broadcast %jit3A : i32 to vector<2000x64xi32>
    %select_n3A = arith.select %eq3A_33, %iota3A, %broadcast_in_dim3A_34 : vector<2000x64xi1>, vector<2000x64xi32>
    %swap3A = arith.constant 0 : index
    %swap3A_35 = arith.constant 0 : index
    %swap3A_36 = vector.load %arg7[%swap3A, %swap3A_35] : memref<2000x64xf32, #tpu.memory_space<vmem>>, vector<2000x64xf32>
    tpu.vector_store %arg7[%swap3A, %swap3A_35], %add3A_26 {strides = array<i32>} : memref<2000x64xf32, #tpu.memory_space<vmem>>, vector<2000x64xf32>,
    %swap3A_37 = arith.constant 0 : index
    %swap3A_38 = arith.constant 0 : index
    %swap3A_39 = vector.load %arg5[%swap3A_37, %swap3A_38] : memref<2000x64xf32, #tpu.memory_space<vmem>>, vector<2000x64xf32>
    tpu.vector_store %arg5[%swap3A_37, %swap3A_38], %div3A_32 {strides = array<i32>} : memref<2000x64xf32, #tpu.memory_space<vmem>>, vector<2000x64xf32>,
    %reduce_min3A = arith.constant dense<2147483647> : vector<2000xi32>
    %reduce_min3A_40 = vector.multi_reduction <minsi>, %select_n3A, %reduce_min3A [1] : vector<2000x64xi32> to vector<2000xi32>
    %broadcast_in_dim3A_41 = vector.shape_cast %reduce_min3A_40 : vector<2000xi32> to vector<2000x1xi32>
    %swap3A_42 = arith.constant 0 : index
    %swap3A_43 = arith.constant 0 : index
    %swap3A_44 = vector.load %arg6[%swap3A_42, %swap3A_43] : memref<2000x1xi32, #tpu.memory_space<vmem>>, vector<2000x1xi32>
    tpu.vector_store %arg6[%swap3A_42, %swap3A_43], %broadcast_in_dim3A_41 {strides = array<i32>} : memref<2000x1xi32, #tpu.memory_space<vmem>>, vector<2000x1xi32>,
    return
  }
  func.func @transform_0(%arg0: i32) -> (i32, i32, i32) {
    %c0_i32 = arith.constant 0 : i32
    %c0_i32_0 = arith.constant 0 : i32
    %c0_i32_1 = arith.constant 0 : i32
    return %c0_i32, %arg0, %c0_i32_0 : i32, i32, i32
  }
  func.func @transform_1(%arg0: i32) -> (i32, i32) {
    %c0_i32 = arith.constant 0 : i32
    %c0_i32_0 = arith.constant 0 : i32
    return %arg0, %c0_i32 : i32, i32
  }
  func.func @transform_2(%arg0: i32) -> (i32, i32, i32) {
    %c0_i32 = arith.constant 0 : i32
    %c0_i32_0 = arith.constant 0 : i32
    %c0_i32_1 = arith.constant 0 : i32
    return %c0_i32, %arg0, %c0_i32_0 : i32, i32, i32
  }
  func.func @transform_3(%arg0: i32) -> i32 {
    %c0_i32 = arith.constant 0 : i32
    %c0_i32_0 = arith.constant 0 : i32
    return %c0_i32 : i32
  }
  func.func @transform_4(%arg0: i32) -> (i32, i32) {
    %c0_i32 = arith.constant 0 : i32
    %c0_i32_0 = arith.constant 0 : i32
    return %arg0, %c0_i32 : i32, i32
  }
  func.func @transform_5(%arg0: i32) -> (i32, i32) {
    %c0_i32 = arith.constant 0 : i32
    %c0_i32_0 = arith.constant 0 : i32
    return %arg0, %c0_i32 : i32, i32
  }
  func.func @transform_6(%arg0: i32) -> (i32, i32) {
    %c0_i32 = arith.constant 0 : i32
    %c0_i32_0 = arith.constant 0 : i32
    return %arg0, %c0_i32 : i32, i32
  }
}

</mosaic_0001>

<sc_bundles>
// kernel: kernel.12.cloned.1.call-start
scs
__scs_entry_jumppad:
0x0: {  	(pc) =	sbr.rel $0x88, $3  }
0x1: {  	(tag) =	ssettag $0x0;
	lr =	simm.s32 $0x1  }
0x2: {  	[smem:$0x3F9B] =	sst lr;
	_ =	strace $0xD0000000  }
0x3: {  	_ = 	snop  }
0x4: {  	_ = 	snop  }
0x5: {  	_ = 	snop  }
0x6: {  	_ = 	snop  }
0x7: {  	_ = 	snop  }
__scs_overlays_trampoline_lowered:
0x8: {  	[smem:$0x3FAA] =	sst s0  }
0x9: {  	[smem:$0x3FAB] =	sst s1  }
0xa: {  	[smem:$0x3FAC] =	sst s2  }
0xb: {  	[smem:$0x3FAD] =	sst s3  }
0xc: {  	[smem:$0x3FAE] =	sst s4  }
0xd: {  	[smem:$0x3FAF] =	sst s5  }
0xe: {  	[smem:$0x3FB0] =	sst s6  }
0xf: {  	[smem:$0x3FB1] =	sst s7  }
0x10: {  	[smem:$0x3FB2] =	sst s8  }
0x11: {  	[smem:$0x3FB3] =	sst s9;
	s0 =	simm.s32 @!p0 $0x0  }
0x12: {  	s1 =	sld [smem:$0x3F99];
	s0 =	simm.s32 @p0 $0x1  }
0x13: {  	[smem:$0x3FB4] =	sst s0;
	s0 =	simm.s32 @!p1 $0x0  }
0x14: {  	s2 =	sld [smem:$0x3F98];
	s0 =	simm.s32 @p1 $0x1  }
0x15: {  	[smem:$0x3FB5] =	sst s0;
	s0 =	simm.s32 @!p2 $0x0  }
0x16: {  	s3 =	sld [smem:$0x3FDB];
	s0 =	simm.s32 @p2 $0x1  }
0x17: {  	s4 =	simm.s32 $0x1BF5;
	[smem:$0x3FB7] =	sst s0  }
0x18: {  	s0 =	sld [smem:$0x3F9A];
	_ =	swait.ge [sflag:s4], $0x0  }
0x19: {  	s7 =	sld [smem:$0x3F9B]  }
0x1a: {  	s8 =	sadd.s32 $0xFFFFE003, lr  }
0x1b: {  	s9 =	sadd.s32 $0xFFFFFEF7, lr;
	s5 =	simm.s32 $0xFFFFFFFF;
	p2 =	slt.u32 s8, $0xFFFFF086  }
0x1c: {  	p1 =	slt.u32 s9, $0xF7A;
	s5 =	simm.s32 @!p2 $0x0  }
0x1d: {  	s5 =	simm.s32 @p1 $0x1;
	p0 =	seq.s32 s7, s2  }
0x1e: {  	s7 =	smul.u32 @!p0 $0xF7A, s2;
	p2 =	seq.s32 @!p0 s5, $0x0  }
0x1f: {  	s9 =	smul.u32 $0xF7A, s1;
	s8 =	simm.s32 @!p0 $0x1BF5;
	p2 =	por !p2, p0  }
0x20: {  	[sflag:s8] =	ssyncset.s32 @!p0 $0xFFFFF086;
	s6 =	sadd.s32 @!p0 s3, s7;
	s7 =	simm.s32 @!p0 $0x108  }
0x21: {  	s3 =	sadd.s32 s3, s9;
	s6 =	sadd.s32 @!p0 $0x88, s6;
	s7 =	simm.s32 @p2 $0x1082  }
0x22: {  	[simem:s7], [sflag:s8] =	dma.local @!p0 [hbm:s6], $0xF7A  }
0x23: {  	s9 =	sor.u32 $0xD0000000, s2;
	s6 =	simm.s32 $0x108;
	_ =	swait.ge @!p0 [sflag:s8], $0x0  }
0x24: {  	s3 =	sadd.s32 $0x88, s3;
	s6 =	simm.s32 @!p1 $0x1082;
	[sflag:s4] =	ssyncset.s32 $0xFFFFF086  }
0x25: {  	[simem:s6], [sflag:s4] =	dma.local [hbm:s3], $0xF7A  }
0x26: {  	[smem:$0x3F9B] =	sst s1;
	(tag) =	ssettag s2;
	_ =	strace s9  }
0x27: {  	s1 =	sld [smem:$0x3FAB]  }
0x28: {  	s2 =	sld [smem:$0x3FAC]  }
0x29: {  	s4 =	sld [smem:$0x3FAE]  }
0x2a: {  	p0 =	seq.s32 s5, $0x0;
	s5 =	sld [smem:$0x3FAF]  }
0x2b: {  	s6 =	sld [smem:$0x3FB0]  }
0x2c: {  	s7 =	sld [smem:$0x3FB1]  }
0x2d: {  	s3 =	simm.s32 $0x108;
	s8 =	sld [smem:$0x3FB2]  }
0x2e: {  	s3 =	simm.s32 @!p0 $0x1082;
	s9 =	sld [smem:$0x3FB3]  }
0x2f: {  	lr =	sadd.s32 s0, s3;
	s0 =	sld [smem:$0x3FAA]  }
0x30: {  	s3 =	sld [smem:$0x3FAD]  }
0x31: {  	[smem:$0x3FB6] =	sst s10  }
0x32: {  	s10 =	sld [smem:$0x3FB4];
	_ =	sdelay $0x3  }
0x33: {  	p0 =	seq.s32 s10, $0x1;
	s10 =	sld [smem:$0x3FB6];
	_ =	sdelay $0x3  }
0x34: {  	[smem:$0x3FB6] =	sst s10  }
0x35: {  	s10 =	sld [smem:$0x3FB5];
	_ =	sdelay $0x3  }
0x36: {  	p1 =	seq.s32 s10, $0x1;
	s10 =	sld [smem:$0x3FB6];
	_ =	sdelay $0x3  }
0x37: {  	[smem:$0x3FB6] =	sst s10  }
0x38: {  	s10 =	sld [smem:$0x3FB7]  }
0x39: {  	_ = 	snop;
	(pc) =	sbr.ind lr, $3  }
0x3a: {  	_ = 	snop  }
0x3b: {  	_ = 	snop  }
0x3c: {  	p2 =	seq.s32 s10, $0x1;
	s10 =	sld [smem:$0x3FB6]  }
0x3d: {  	_ =	shalt  }
0x3e: {  	_ =	shalt  }
0x3f: {  	_ =	shalt  }
0x40: {  	_ =	shalt  }
0x41: {  	_ =	shalt  }
0x42: {  	_ =	shalt  }
0x43: {  	_ =	shalt  }
0x44: {  	_ =	shalt  }
0x45: {  	_ =	shalt  }
0x46: {  	_ =	shalt  }
0x47: {  	_ =	shalt  }
0x48: {  	_ =	shalt  }
0x49: {  	_ =	shalt  }
0x4a: {  	_ =	shalt  }
0x4b: {  	_ =	shalt  }
0x4c: {  	_ =	shalt  }
0x4d: {  	_ =	shalt  }
0x4e: {  	_ =	shalt  }
0x4f: {  	_ =	shalt  }
0x50: {  	_ =	shalt  }
0x51: {  	_ =	shalt  }
0x52: {  	_ =	shalt  }
0x53: {  	_ =	shalt  }
0x54: {  	_ =	shalt  }
0x55: {  	_ =	shalt  }
0x56: {  	_ =	shalt  }
0x57: {  	_ =	shalt  }
0x58: {  	_ =	shalt  }
0x59: {  	_ =	shalt  }
0x5a: {  	_ =	shalt  }
0x5b: {  	_ =	shalt  }
0x5c: {  	_ =	shalt  }
0x5d: {  	_ =	shalt  }
0x5e: {  	_ =	shalt  }
0x5f: {  	_ =	shalt  }
0x60: {  	_ =	shalt  }
0x61: {  	_ =	shalt  }
0x62: {  	_ =	shalt  }
0x63: {  	_ =	shalt  }
0x64: {  	_ =	shalt  }
0x65: {  	_ =	shalt  }
0x66: {  	_ =	shalt  }
0x67: {  	_ =	shalt  }
0x68: {  	_ =	shalt  }
0x69: {  	_ =	shalt  }
0x6a: {  	_ =	shalt  }
0x6b: {  	_ =	shalt  }
0x6c: {  	_ =	shalt  }
0x6d: {  	_ =	shalt  }
0x6e: {  	_ =	shalt  }
0x6f: {  	_ =	shalt  }
0x70: {  	_ =	shalt  }
0x71: {  	_ =	shalt  }
0x72: {  	_ =	shalt  }
0x73: {  	_ =	shalt  }
0x74: {  	_ =	shalt  }
0x75: {  	_ =	shalt  }
0x76: {  	_ =	shalt  }
0x77: {  	_ =	shalt  }
0x78: {  	_ =	shalt  }
0x79: {  	_ =	shalt  }
0x7a: {  	_ =	shalt  }
0x7b: {  	_ =	shalt  }
0x7c: {  	_ =	shalt  }
0x7d: {  	_ =	shalt  }
0x7e: {  	_ =	shalt  }
0x7f: {  	_ =	shalt  }
0x80: {  	_ =	shalt  }
0x81: {  	_ =	shalt  }
0x82: {  	_ =	shalt  }
0x83: {  	_ =	shalt  }
0x84: {  	_ =	shalt  }
0x85: {  	_ =	shalt  }
0x86: {  	_ =	shalt  }
0x87: {  	_ =	shalt  }
.Lfunc_end0:
.L_simem_size_0:
called_computation.1_lowered:
.L_overlay_start_0:
0x88: {  	s2 =	sld [smem:$0x3FD9]  }
0x89: {  	s3 =	sld [smem:$0x3FFE];
	_ =	sdelay $0x1  }
0x8a: {  	s1 =	srdreg.scid  }
0x8b: {  	s0 =	sand.u32 $0x1, s1  }
0x8c: {  	s14 =	sshll.u32 s0, $0xA;
	s2 =	sadd.s32 s3, s2  }
0x8d: {  	s2 =	sadd.s32 s2, s14  }
0x8e: {  	[smem:$0x3FC2] =	sst s2  }
0x8f: {  	_ = 	snop  }
0x90: {  	s2 =	sld [smem:$0x3FD0];
	_ =	sdelay $0x2  }
0x91: {  	s15 =	simm.s32 $0xA;
	s4 =	simm.s32 $0x10  }
0x92: {  	[smem:s4], [sflag:s15] =	dma.local [hbm:s2], $0x1  }
0x93: {  	_ =	swait.eq [sflag:s15], $0x1  }
0x94: {  	[sflag:s15] =	ssyncset.done $0x0  }
0x95: {  	s16 =	sld [smem:$0x10];
	[sflag:s15] =	ssyncadd.s32 $0xFFFFFFFF  }
0x96: {  	s17 =	sld [smem:$0x12];
	(tm) =	ssettm $0x1  }
0x97: {  	s18 =	sld [smem:$0x3FFB];
	_ =	sdelay $0x3  }
0x98: {  	_ =	strace s18  }
0x99: {  	s4 =	sld [smem:$0x3FFC];
	_ =	sdelay $0x3  }
0x9a: {  	_ =	strace s4  }
0x9b: {  	s4 =	sld [smem:$0x3FFD];
	_ =	sdelay $0x3  }
0x9c: {  	_ =	strace s4  }
0x9d: {  	_ =	strace $0x8FFFFFFF  }
0x9e: {  	s19 =	sld [smem:$0x3FDB];
	_ =	sdelay $0x1  }
0x9f: {  	s5 =	simm.s32 $_scs_section_size  }
0xa0: {  	s6 =	simm.s32 $_size__tile_overlayer_lowered;
	s7 =	simm.s32 $_tile_overlayer_lowered  }
0xa1: {  	s22 =	simm.s32 $0x1BFF;
	s21 =	sshll.u32 s7, $0x1;
	s4 =	sadd.s32 s5, s19  }
0xa2: {  	s8 =	simm.s32 $0x0;
	s20 =	sshll.u32 s6, $0x1;
	s6 =	sadd.s32 s21, s4  }
0xa3: {  	[timem:s8], [sflag:s22] =	dma.local [hbm:s6], s20  }
0xa4: {  	_ =	swait.ge [sflag:s22], s20  }
0xa5: {  	s5 =	ssub.s32 $0x0, s20;
	[sflag:s22] =	ssyncset.done $0x0  }
0xa6: {  	[sflag:s22] =	ssyncadd.s32 s5;
	_ =	sdelay $0x1  }
0xa7: {  	s23 =	simm.s32 $0x1B8B  }
0xa8: {  	_ =	swait.ge [sflag:s23], $0x1  }
0xa9: {  	[sflag:s23] =	ssyncset.done $0x0  }
0xaa: {  	s25 =	simm.s32 $0x1B8E;
	s24 =	sld [smem:$0x3FFE];
	[sflag:s23] =	ssyncadd.s32 $0xFFFFFFFF  }
0xab: {  	s26 =	simm.s32 $execute0_lowered;
	[smem:$0x3FD2] =	sst s25  }
0xac: {  	s6 =	sshll.u32 s26, $0x1;
	_ =	strace $0x80000049;
	[dreg:$0x1] =	wrdreg $0xFFFFFFFF  }
0xad: {  	s28 =	simm.s32 $_size_execute0_lowered;
	s4 =	sadd.s32 s4, s6;
	[dreg:$0x0] =	wrdreg $0x0  }
0xae: {  	s6 =	sshll.u32 s28, $0x1;
	[dreg:$0x2] =	wrdreg s4  }
0xaf: {  	[dreg:$0x3] =	wrdreg s6  }
0xb0: {  	[dreg:$0x4] =	wrdreg $0xC0  }
0xb1: {  	_ =	task [dreg:s8], $0x5FFFF  }
0xb2: {  	[dreg:$0x1] =	wrdreg $0xFFFFFFFF  }
0xb3: {  	[dreg:$0x0] =	wrdreg $0x60  }
0xb4: {  	[dreg:$0x2] =	wrdreg s24  }
0xb5: {  	[dreg:$0x3] =	wrdreg s17  }
0xb6: {  	[dreg:$0x4] =	wrdreg s16  }
0xb7: {  	[dreg:$0x5] =	wrdreg $0x114400  }
0xb8: {  	[dreg:$0x6] =	wrdreg $0x9  }
0xb9: {  	_ =	task.clear_ibuf [dreg:s8], $0x7FFFF;
	_ =	strace $0x90000049  }
0xba: {  	s29 =	simm.s32 $0x9;
	_ =	strace $0x8000004B  }
0xbb: {  	_ =	swait.ge [sflag:s29], $0x1  }
0xbc: {  	[sflag:s29] =	ssyncadd.s32 $0xFFFFFFFF  }
0xbd: {  	_ =	strace $0x9000004B  }
0xbe: {  	_ =	sfence  }
0xbf: {  	s30 =	sld [smem:$0x0];
	_ =	sdelay $0x2  }
0xc0: {  	s31 =	sshll.u32 s1, $0xD;
	s1 =	sshrl.u32 s1, $0x2  }
0xc1: {  	s3 =	sand.u32 $0x4000, s31;
	s1 =	sadd.s32 s1, s30  }
0xc2: {  	s0 =	sor.u32 s3, s0;
	s1 =	sshll.u32 s1, $0x11  }
0xc3: {  	s0 =	sor.u32 s1, s0  }
0xc4: {  	s0 =	sadd.s32 $0x8F2B, s0  }
0xc5: {  	[sflag:s0] =	ssyncadd.remote.s32 $0x1  }
0xc6: {  	_ =	sfence.sel $0xFFFF  }
0xc7: {  	[dreg:$0x0] =	wrdreg $0xFFFFFFFF;
	(pc) =	sbr.abs _section_cstart, $3  }
0xc8: {  	[dreg:$0x1] =	wrdreg $0xFFFFFFFF  }
0xc9: {  	_ =	task.clear_ibuf [dreg:s8], $0x2FFFF;
	_ =	strace $0x9FFFFFFF  }
0xca: {  	(tm) =	ssettm $0x7FFFFFFF  }
0xcb: {  	_ =	shalt  }
tec
execute0_lowered:
.L_overlay_start_1:
0x0: {  	(tag) =	ssettag $0x1  }
0x1: {  	s0 =	rddreg [dreg:$0x0]  }
0x2: {  	s1 =	rddreg [dreg:$0x1]  }
0x3: {  	s2 =	rddreg [dreg:$0x3]  }
0x4: {  	s3 =	srdreg.scid;
	s11 =	stileid.u32;
	s15 =	simm.s32 $0x50  }
0x5: {  	s16 =	simm.s32 $0x9C40;
	s17 =	simm.s32 $0xB040;
	s18 =	simm.s32 $0xA0  }
0x6: {  	s19 =	simm.s32 $0xC440;
	s20 =	simm.s32 $0xF0;
	s21 =	simm.s32 $0xD840  }
0x7: {  	s22 =	simm.s32 $0x7;
	s23 =	simm.s32 $0x8;
	s24 =	simm.s32 $0x9  }
0x8: {  	s25 =	simm.s32 $0xA;
	s26 =	simm.s32 $0xB;
	s28 =	simm.s32 $0xC  }
0x9: {  	s29 =	simm.s32 $0x0;
	s5 =	sand.u32 $0x1, s3;
	s3 =	simm.s32 $0x0  }
0xa: {  	s7 =	smul.u32 $0x2710, s11;
	s4 =	sadd.s32 $0xACA00, s0;
	s8 =	sadd.s32 $0x6800, s0  }
0xb: {  	s6 =	smul.u32 $0x13880, s5;
	[smem:$0x7FF] =	sst s3;
	s30 =	ssub.s32 $0x2, s5  }
0xc: {  	p0 =	seq.s32 s5, $0x1;
	_ =	strace $0x8000004A;
	s9 =	sshrl.u32 s7, $0x3  }
.Ltmp0:
0xd: {  	s31 =	sshrl.u32 s30, $0x1;
	s0 =	sadd.s32 s6, s0;
	(pc) =	sbr.rel .LBB2_1-.Ltmp0, $4  }
0xe: {  	s10 =	sadd.s32 s1, s9;
	s12 =	ssub.s32 s30, s31;
	s1 =	smov.u32 @p0 s8  }
0xf: {  	p0 =	sne.s32 s11, $0x0;
	s5 =	sadd.s32 $0x9C40, s10;
	s6 =	sadd.s32 $0xEA60, s10  }
0x10: {  	s7 =	sadd.s32 $0xD3C00, s0;
	s8 =	sadd.s32 s1, s9;
	s9 =	smax.u32 s12, $0x1  }
0x11: {  	s11 =	sshrl.u32 @!p0 s2, $0x3;
	s12 =	simm.s32 $0xD;
	s10 =	sadd.s32 $0x4E20, s8  }
.LBB2_6:
0x12: {  	_ =	swait.ge [sflag:s22], $0x1400  }
0x13: {  	[sflag:s22] =	ssyncset.done $0x0  }
0x14: {  	[sflag:s22] =	ssyncadd.s32 $0xFFFFEC00  }
0x15: {  	_ =	swait.ge [sflag:s23], $0x1400  }
0x16: {  	[sflag:s23] =	ssyncset.done $0x0  }
0x17: {  	[sflag:s23] =	ssyncadd.s32 $0xFFFFEC00  }
0x18: {  	_ =	swait.ge [sflag:s24], $0x1400  }
0x19: {  	[sflag:s24] =	ssyncset.done $0x0  }
0x1a: {  	[sflag:s24] =	ssyncadd.s32 $0xFFFFEC00  }
0x1b: {  	_ =	swait.ge [sflag:s25], $0x1400  }
0x1c: {  	[sflag:s25] =	ssyncset.done $0x0  }
0x1d: {  	[sflag:s25] =	ssyncadd.s32 $0xFFFFEC00  }
0x1e: {  	_ =	swait.ge [sflag:s26], $0x1400  }
0x1f: {  	[sflag:s26] =	ssyncset.done $0x0  }
0x20: {  	[sflag:s26] =	ssyncadd.s32 $0xFFFFEC00  }
0x21: {  	_ =	swait.ge [sflag:s28], $0x1400  }
0x22: {  	[sflag:s28] =	ssyncset.done $0x0  }
0x23: {  	s29 =	sadd.s32 $0x1, s29;
	[sflag:s28] =	ssyncadd.s32 $0xFFFFEC00  }
0x24: {  	s0 =	simm.s32 @!p0 $0x1C0D;
	p1 =	sne.s32 s29, s9;
	[bflag:$0x0] =	sbarrier.arrive $0xFFFF  }
0x25: {  	[hbm:s7], [sflag:s0] =	dma.local @!p0 [spmem:s11], $0x13880  }
.Ltmp1:
0x26: {  	_ = 	snop;
	(pc) =	sbr.rel @!p1 .LBB2_7-.Ltmp1, $4  }
0x27: {  	s0 =	simm.s32 @!p0 $0xD  }
0x28: {  	_ =	swait.ge @!p0 [sflag:s0], $0x13880  }
0x29: {  	[sflag:s0] =	ssyncset.done @!p0 $0x0  }
0x2a: {  	[sflag:s0] =	ssyncadd.s32 @!p0 $0xFFFEC780  }
.LBB2_1:
0x2b: {  	s0 =	simm.s32 @!p0 $0x1C0D;
	s1 =	rddreg [dreg:$0x2]  }
0x2c: {  	[spmem:s11], [sflag:s0] =	dma.local @!p0 [hbm:s1], $0x13880  }
0x2d: {  	s0 =	simm.s32 @!p0 $0xD  }
0x2e: {  	_ =	swait.ge @!p0 [sflag:s0], $0x13880  }
0x2f: {  	[sflag:s0] =	ssyncset.done @!p0 $0x0  }
0x30: {  	[sflag:s0] =	ssyncadd.s32 @!p0 $0xFFFEC780  }
0x31: {  	[tilespmem:s3], [sflag:$0xD] =	stream.linear.gather [hbm4b:s8+s3], $0x2710, $0x38;
	[tilespmem:$0x1B080] =	vst v63  }
0x32: {  	_ =	swait.ge [sflag:s12], $0x2710  }
0x33: {  	[sflag:s12] =	ssyncset.done $0x0  }
0x34: {  	s13 =	simm.s32 $0x2710;
	[sflag:s12] =	ssyncadd.s32 $0xFFFFD8F0  }
0x35: {  	[tilespmem:s13], [sflag:$0xD] =	stream.linear.gather [hbm4b:s10+s3], $0x2710, $0x38;
	[tilespmem:$0x1B080] =	vst v63  }
0x36: {  	_ =	swait.ge [sflag:s12], $0x2710  }
0x37: {  	[sflag:s12] =	ssyncset.done $0x0  }
0x38: {  	s30 =	simm.s32 $0x4E20;
	[sflag:s12] =	ssyncadd.s32 $0xFFFFD8F0  }
0x39: {  	[tilespmem:s30], [sflag:$0xD] =	stream.linear.gather [hbm4b:s5+s3], $0x2710, $0x38;
	[tilespmem:$0x1B080] =	vst v63  }
0x3a: {  	_ =	swait.ge [sflag:s12], $0x2710  }
0x3b: {  	[sflag:s12] =	ssyncset.done $0x0  }
0x3c: {  	s14 =	simm.s32 $0x7530;
	[sflag:s12] =	ssyncadd.s32 $0xFFFFD8F0  }
0x3d: {  	[tilespmem:s14], [sflag:$0xD] =	stream.linear.gather [hbm4b:s6+s3], $0x2710, $0x38;
	[tilespmem:$0x1B080] =	vst v63  }
0x3e: {  	_ =	swait.ge [sflag:s12], $0x2710  }
0x3f: {  	[sflag:s12] =	ssyncset.done $0x0  }
0x40: {  	[sflag:s12] =	ssyncadd.s32 $0xFFFFD8F0  }
0x41: {  	[bflag:$0x0] =	sbarrier.arrive $0xFFFF  }
0x42: {  	[tilespmem:s16], [sflag:$0x1] =	stream.indirect.gather [hbm4b:s4+s15], $0x40, s3, s15, $0xb8;
	[tilespmem:$0x1B080] =	vst v63  }
0x43: {  	_ = 	snop  }
0x44: {  	[tilespmem:s17], [sflag:$0x2] =	stream.indirect.gather [hbm4b:s4+s15], $0x40, s15, s15, $0xb8;
	[tilespmem:$0x1B080] =	vst v63  }
.Ltmp2:
0x45: {  	_ = 	snop;
	(pc) =	sbr.rel .LBB2_2-.Ltmp2, $4  }
0x46: {  	_ = 	snop  }
0x47: {  	[tilespmem:s19], [sflag:$0x3] =	stream.indirect.gather [hbm4b:s4+s15], $0x40, s18, s15, $0xb8;
	[tilespmem:$0x1B080] =	vst v63  }
0x48: {  	s31 =	simm.s32 $0x140;
	s0 =	simm.s32 $0x0  }
0x49: {  	[tilespmem:s21], [sflag:$0x4] =	stream.indirect.gather [hbm4b:s4+s15], $0x40, s20, s15, $0xb8;
	[tilespmem:$0x1B080] =	vst v63  }
.LBB2_4:
0x4a: {  	p1 =	seq.s32 s1, $0x3  }
0x4b: {  	p2 =	sgt.u32 @p1 s0, $0xF5  }
0x4c: {  	p2 =	por p2, !p1  }
0x4d: {  	s13 =	simm.s32 @!p2 $0x8  }
0x4e: {  	_ =	swait.ge @!p2 [sflag:s13], $0x1400  }
0x4f: {  	[sflag:s13] =	ssyncset.done @!p2 $0x0  }
0x50: {  	s14 =	simm.s32 @!p2 $0xB040;
	[sflag:s13] =	ssyncadd.s32 @!p2 $0xFFFFEC00;
	s13 =	simm.s32 @!p2 $0x50  }
0x51: {  	[tilespmem:s14], [sflag:$0x2] =	stream.indirect.gather @!p2 [hbm4b:s4+s13], $0x40, s31, s13, $0xb8;
	[tilespmem:$0x1B080] =	vst v63  }
0x52: {  	s13 =	simm.s32 @p1 $0x4;
	p2 =	seq.s32 @!p1 s1, $0x4  }
0x53: {  	_ =	swait.ge @p1 [sflag:s13], $0x1400;
	p3 =	por !p2, p1  }
0x54: {  	s14 =	simm.s32 @p1 $0xD840;
	[sflag:s13] =	ssyncset.done @p1 $0x0;
	p4 =	sgt.u32 @!p3 s0, $0xF5  }
0x55: {  	[sflag:s13] =	ssyncadd.s32 @p1 $0xFFFFEC00;
	s13 =	simm.s32 @p1 $0x50;
	p4 =	por @!p1 p4, !p2  }
0x56: {  	[spmem:s2] =	stream.indirect.scatter.add.f32 @p1 [tilespmem:s14], [sflag:$0xA], $0x40, s30, s13, $0xb8;
	[tilespmem:$0x1B080] =	vst v63  }
0x57: {  	p4 =	por p4, p1  }
0x58: {  	s1 =	simm.s32 @!p4 $0x9  }
0x59: {  	_ =	swait.ge @!p4 [sflag:s1], $0x1400  }
0x5a: {  	[sflag:s1] =	ssyncset.done @!p4 $0x0  }
0x5b: {  	s13 =	simm.s32 @!p4 $0xC440;
	[sflag:s1] =	ssyncadd.s32 @!p4 $0xFFFFEC00;
	s1 =	simm.s32 @!p4 $0x50  }
0x5c: {  	[tilespmem:s13], [sflag:$0x3] =	stream.indirect.gather @!p4 [hbm4b:s4+s1], $0x40, s31, s1, $0xb8;
	[tilespmem:$0x1B080] =	vst v63  }
0x5d: {  	s1 =	simm.s32 @!p3 $0x5  }
0x5e: {  	_ =	swait.ge @!p3 [sflag:s1], $0x1400  }
0x5f: {  	[sflag:s1] =	ssyncset.done @!p3 $0x0  }
0x60: {  	s13 =	simm.s32 @!p3 $0xEC40;
	[sflag:s1] =	ssyncadd.s32 @!p3 $0xFFFFEC00;
	s1 =	simm.s32 @!p3 $0x50  }
0x61: {  	[spmem:s2] =	stream.indirect.scatter.add.f32 @!p3 [tilespmem:s13], [sflag:$0xB], $0x40, s30, s1, $0xb8;
	[tilespmem:$0x1B080] =	vst v63  }
0x62: {  	p3 =	por p2, p1  }
0x63: {  	p4 =	sgt.u32 @!p3 s0, $0xF5  }
0x64: {  	p2 =	por @!p1 p4, p2  }
0x65: {  	p1 =	por p2, p1  }
0x66: {  	s1 =	simm.s32 @!p1 $0xA  }
0x67: {  	_ =	swait.ge @!p1 [sflag:s1], $0x1400  }
0x68: {  	[sflag:s1] =	ssyncset.done @!p1 $0x0  }
0x69: {  	s13 =	simm.s32 @!p1 $0xD840;
	[sflag:s1] =	ssyncadd.s32 @!p1 $0xFFFFEC00;
	s1 =	simm.s32 @!p1 $0x50  }
0x6a: {  	[tilespmem:s13], [sflag:$0x4] =	stream.indirect.gather @!p1 [hbm4b:s4+s1], $0x40, s31, s1, $0xb8;
	[tilespmem:$0x1B080] =	vst v63  }
0x6b: {  	s1 =	simm.s32 @!p3 $0x6  }
0x6c: {  	_ =	swait.ge @!p3 [sflag:s1], $0x1400  }
0x6d: {  	[sflag:s1] =	ssyncset.done @!p3 $0x0  }
0x6e: {  	s13 =	simm.s32 @!p3 $0x10040;
	[sflag:s1] =	ssyncadd.s32 @!p3 $0xFFFFEC00;
	s1 =	simm.s32 @!p3 $0x50  }
0x6f: {  	[spmem:s2] =	stream.indirect.scatter.add.f32 @!p3 [tilespmem:s13], [sflag:$0xC], $0x40, s30, s1, $0xb8;
	[tilespmem:$0x1B080] =	vst v63  }
.LBB2_5:
0x70: {  	s0 =	sadd.s32 $0x1, s0  }
0x71: {  	p1 =	sne.s32 s0, $0xFA  }
.Ltmp3:
0x72: {  	_ = 	snop;
	(pc) =	sbr.rel @!p1 .LBB2_6-.Ltmp3, $2  }
0x73: {  	_ =	sdelay $0x2  }
0x74: {  	s30 =	sadd.s32 $0x50, s30;
	s31 =	sadd.s32 $0x50, s31  }
.LBB2_2:
0x75: {  	s1 =	smul.u32 $0xAB, s0;
	_ =	sdelay $0x1  }
0x76: {  	s1 =	sshrl.u32 s1, $0xA  }
0x77: {  	s1 =	sand.u32 $0x3F, s1  }
0x78: {  	s1 =	smul.u32 $0x6, s1;
	_ =	sdelay $0x1  }
0x79: {  	s1 =	ssub.s32 s0, s1  }
0x7a: {  	s1 =	sand.u32 $0xFF, s1  }
0x7b: {  	p1 =	sgt.s32 s1, $0x2  }
.Ltmp4:
0x7c: {  	_ = 	snop;
	(pc) =	sbr.rel @p1 .LBB2_4-.Ltmp4, $1  }
0x7d: {  	_ =	sdelay $0x3  }
0x7e: {  	p1 =	seq.s32 s1, $0x0  }
0x7f: {  	p2 =	sgt.u32 @p1 s0, $0xF5  }
0x80: {  	p3 =	por p2, !p1  }
0x81: {  	p4 =	slt.u32 @!p3 s0, $0x2  }
0x82: {  	p2 =	por @p1 p4, p2  }
0x83: {  	p2 =	por p2, !p1  }
0x84: {  	s13 =	simm.s32 @!p2 $0xB  }
0x85: {  	_ =	swait.ge @!p2 [sflag:s13], $0x1400  }
0x86: {  	s14 =	simm.s32 @!p3 $0xEC40;
	[sflag:s13] =	ssyncset.done @!p2 $0x0  }
0x87: {  	[sflag:s13] =	ssyncadd.s32 @!p2 $0xFFFFEC00;
	s13 =	simm.s32 @!p3 $0x50;
	p2 =	seq.s32 @!p1 s1, $0x1  }
0x88: {  	[tilespmem:s14], [sflag:$0x5] =	stream.indirect.gather @!p3 [hbm4b:s4+s13], $0x40, s31, s13, $0xb8;
	[tilespmem:$0x1B080] =	vst v63  }
0x89: {  	s13 =	simm.s32 @p1 $0x1;
	p3 =	por !p2, p1  }
0x8a: {  	_ =	swait.ge @p1 [sflag:s13], $0x1400;
	p4 =	sgt.u32 @!p3 s0, $0xF5  }
0x8b: {  	s14 =	simm.s32 @p1 $0x9C40;
	[sflag:s13] =	ssyncset.done @p1 $0x0;
	p5 =	por @!p1 p4, !p2  }
0x8c: {  	[sflag:s13] =	ssyncadd.s32 @p1 $0xFFFFEC00;
	s13 =	simm.s32 @p1 $0x50;
	p5 =	por p5, p1  }
0x8d: {  	[spmem:s2] =	stream.indirect.scatter.add.f32 @p1 [tilespmem:s14], [sflag:$0x7], $0x40, s30, s13, $0xb8;
	[tilespmem:$0x1B080] =	vst v63  }
0x8e: {  	p6 =	slt.u32 @!p5 s0, $0x2  }
0x8f: {  	p4 =	por @!p3 p6, p4  }
0x90: {  	p4 =	por @!p1 p4, !p2  }
0x91: {  	p4 =	por p4, p1  }
0x92: {  	s1 =	simm.s32 @!p4 $0xC  }
0x93: {  	_ =	swait.ge @!p4 [sflag:s1], $0x1400  }
0x94: {  	[sflag:s1] =	ssyncset.done @!p4 $0x0  }
0x95: {  	s13 =	simm.s32 @!p5 $0x10040;
	[sflag:s1] =	ssyncadd.s32 @!p4 $0xFFFFEC00;
	s1 =	simm.s32 @!p5 $0x50  }
0x96: {  	[tilespmem:s13], [sflag:$0x6] =	stream.indirect.gather @!p5 [hbm4b:s4+s1], $0x40, s31, s1, $0xb8;
	[tilespmem:$0x1B080] =	vst v63  }
0x97: {  	s1 =	simm.s32 @!p3 $0x2  }
0x98: {  	_ =	swait.ge @!p3 [sflag:s1], $0x1400  }
0x99: {  	[sflag:s1] =	ssyncset.done @!p3 $0x0  }
0x9a: {  	s13 =	simm.s32 @!p3 $0xB040;
	[sflag:s1] =	ssyncadd.s32 @!p3 $0xFFFFEC00;
	s1 =	simm.s32 @!p3 $0x50  }
0x9b: {  	[spmem:s2] =	stream.indirect.scatter.add.f32 @!p3 [tilespmem:s13], [sflag:$0x8], $0x40, s30, s1, $0xb8;
	[tilespmem:$0x1B080] =	vst v63  }
0x9c: {  	p3 =	por p2, p1  }
0x9d: {  	p4 =	sgt.u32 @!p3 s0, $0xF5  }
0x9e: {  	p2 =	por @!p1 p4, p2  }
0x9f: {  	p1 =	por p2, p1  }
0xa0: {  	s1 =	simm.s32 @!p1 $0x7  }
0xa1: {  	_ =	swait.ge @!p1 [sflag:s1], $0x1400  }
0xa2: {  	[sflag:s1] =	ssyncset.done @!p1 $0x0  }
0xa3: {  	s13 =	simm.s32 @!p1 $0x9C40;
	[sflag:s1] =	ssyncadd.s32 @!p1 $0xFFFFEC00;
	s1 =	simm.s32 @!p1 $0x50  }
0xa4: {  	[tilespmem:s13], [sflag:$0x1] =	stream.indirect.gather @!p1 [hbm4b:s4+s1], $0x40, s31, s1, $0xb8;
	[tilespmem:$0x1B080] =	vst v63  }
.Ltmp5:
0xa5: {  	s1 =	simm.s32 @!p3 $0x3;
	(pc) =	sbr.rel .LBB2_5-.Ltmp5, $4  }
0xa6: {  	_ =	swait.ge @!p3 [sflag:s1], $0x1400  }
0xa7: {  	[sflag:s1] =	ssyncset.done @!p3 $0x0  }
0xa8: {  	s13 =	simm.s32 @!p3 $0xC440;
	[sflag:s1] =	ssyncadd.s32 @!p3 $0xFFFFEC00;
	s1 =	simm.s32 @!p3 $0x50  }
0xa9: {  	[spmem:s2] =	stream.indirect.scatter.add.f32 @!p3 [tilespmem:s13], [sflag:$0x9], $0x40, s30, s1, $0xb8;
	[tilespmem:$0x1B080] =	vst v63  }
.LBB2_7:
0xaa: {  	_ =	sfence.sel $0x180000  }
0xab: {  	[bflag:$0x0] =	sbarrier.arrive $0xFFFF  }
0xac: {  	_ =	strace $0x9000004A  }
0xad: {  	[bflag:$0x2] =	sbarrier.arrive $0xFFFF  }
0xae: {  	s0 =	rddreg [dreg:$0x4]  }
0xaf: {  	s0 =	sadd.s32 @!p0 $0x100000, s0  }
0xb0: {  	[sflag:s0] =	ssyncadd.tile.s32 @!p0 $0x1;
	_ =	shalt  }
.Lfunc_end2:
_tile_overlayer_lowered:
.L_overlay_start_2:
0xb1: {  	(tag) =	ssettag $0x2  }
0xb2: {  	s0 =	rddreg [dreg:$0x0];
	s2 =	stileid.u32  }
0xb3: {  	s1 =	rddreg [dreg:$0x1];
	p0 =	sne.s32 s2, $0x0  }
0xb4: {  	s3 =	rddreg [dreg:$0x2];
	[bflag:$0x3] =	sbarrier.arrive $0xFFFF;
	s2 =	simm.s32 @!p0 $0x1C0D  }
0xb5: {  	[timem:s3], [sflag:s2] =	dma.local @!p0 [hbm:s0], s1  }
0xb6: {  	s0 =	simm.s32 @!p0 $0xD  }
0xb7: {  	_ =	swait.ge @!p0 [sflag:s0], s1  }
0xb8: {  	s1 =	ssub.s32 @!p0 $0x0, s1;
	[sflag:s0] =	ssyncset.done @!p0 $0x0  }
0xb9: {  	[sflag:s0] =	ssyncadd.s32 @!p0 s1  }
0xba: {  	[bflag:$0x3] =	sbarrier.arrive $0xFFFF  }
0xbb: {  	_ =	shalt  }

// kernel: kernel.15.cloned.1.call-start
scs
__scs_entry_jumppad:
0x0: {  	(pc) =	sbr.rel $0x88, $3  }
0x1: {  	(tag) =	ssettag $0x0;
	lr =	simm.s32 $0x1  }
0x2: {  	[smem:$0x3F9B] =	sst lr;
	_ =	strace $0xD0000000  }
0x3: {  	_ = 	snop  }
0x4: {  	_ = 	snop  }
0x5: {  	_ = 	snop  }
0x6: {  	_ = 	snop  }
0x7: {  	_ = 	snop  }
__scs_overlays_trampoline_lowered:
0x8: {  	[smem:$0x3FAA] =	sst s0  }
0x9: {  	[smem:$0x3FAB] =	sst s1  }
0xa: {  	[smem:$0x3FAC] =	sst s2  }
0xb: {  	[smem:$0x3FAD] =	sst s3  }
0xc: {  	[smem:$0x3FAE] =	sst s4  }
0xd: {  	[smem:$0x3FAF] =	sst s5  }
0xe: {  	[smem:$0x3FB0] =	sst s6  }
0xf: {  	[smem:$0x3FB1] =	sst s7  }
0x10: {  	[smem:$0x3FB2] =	sst s8  }
0x11: {  	[smem:$0x3FB3] =	sst s9;
	s0 =	simm.s32 @!p0 $0x0  }
0x12: {  	s1 =	sld [smem:$0x3F99];
	s0 =	simm.s32 @p0 $0x1  }
0x13: {  	[smem:$0x3FB4] =	sst s0;
	s0 =	simm.s32 @!p1 $0x0  }
0x14: {  	s2 =	sld [smem:$0x3F98];
	s0 =	simm.s32 @p1 $0x1  }
0x15: {  	[smem:$0x3FB5] =	sst s0;
	s0 =	simm.s32 @!p2 $0x0  }
0x16: {  	s3 =	sld [smem:$0x3FDB];
	s0 =	simm.s32 @p2 $0x1  }
0x17: {  	s4 =	simm.s32 $0x1BF5;
	[smem:$0x3FB7] =	sst s0  }
0x18: {  	s0 =	sld [smem:$0x3F9A];
	_ =	swait.ge [sflag:s4], $0x0  }
0x19: {  	s7 =	sld [smem:$0x3F9B]  }
0x1a: {  	s8 =	sadd.s32 $0xFFFFE003, lr  }
0x1b: {  	s9 =	sadd.s32 $0xFFFFFEF7, lr;
	s5 =	simm.s32 $0xFFFFFFFF;
	p2 =	slt.u32 s8, $0xFFFFF086  }
0x1c: {  	p1 =	slt.u32 s9, $0xF7A;
	s5 =	simm.s32 @!p2 $0x0  }
0x1d: {  	s5 =	simm.s32 @p1 $0x1;
	p0 =	seq.s32 s7, s2  }
0x1e: {  	s7 =	smul.u32 @!p0 $0xF7A, s2;
	p2 =	seq.s32 @!p0 s5, $0x0  }
0x1f: {  	s9 =	smul.u32 $0xF7A, s1;
	s8 =	simm.s32 @!p0 $0x1BF5;
	p2 =	por !p2, p0  }
0x20: {  	[sflag:s8] =	ssyncset.s32 @!p0 $0xFFFFF086;
	s6 =	sadd.s32 @!p0 s3, s7;
	s7 =	simm.s32 @!p0 $0x108  }
0x21: {  	s3 =	sadd.s32 s3, s9;
	s6 =	sadd.s32 @!p0 $0x88, s6;
	s7 =	simm.s32 @p2 $0x1082  }
0x22: {  	[simem:s7], [sflag:s8] =	dma.local @!p0 [hbm:s6], $0xF7A  }
0x23: {  	s9 =	sor.u32 $0xD0000000, s2;
	s6 =	simm.s32 $0x108;
	_ =	swait.ge @!p0 [sflag:s8], $0x0  }
0x24: {  	s3 =	sadd.s32 $0x88, s3;
	s6 =	simm.s32 @!p1 $0x1082;
	[sflag:s4] =	ssyncset.s32 $0xFFFFF086  }
0x25: {  	[simem:s6], [sflag:s4] =	dma.local [hbm:s3], $0xF7A  }
0x26: {  	[smem:$0x3F9B] =	sst s1;
	(tag) =	ssettag s2;
	_ =	strace s9  }
0x27: {  	s1 =	sld [smem:$0x3FAB]  }
0x28: {  	s2 =	sld [smem:$0x3FAC]  }
0x29: {  	s4 =	sld [smem:$0x3FAE]  }
0x2a: {  	p0 =	seq.s32 s5, $0x0;
	s5 =	sld [smem:$0x3FAF]  }
0x2b: {  	s6 =	sld [smem:$0x3FB0]  }
0x2c: {  	s7 =	sld [smem:$0x3FB1]  }
0x2d: {  	s3 =	simm.s32 $0x108;
	s8 =	sld [smem:$0x3FB2]  }
0x2e: {  	s3 =	simm.s32 @!p0 $0x1082;
	s9 =	sld [smem:$0x3FB3]  }
0x2f: {  	lr =	sadd.s32 s0, s3;
	s0 =	sld [smem:$0x3FAA]  }
0x30: {  	s3 =	sld [smem:$0x3FAD]  }
0x31: {  	[smem:$0x3FB6] =	sst s10  }
0x32: {  	s10 =	sld [smem:$0x3FB4];
	_ =	sdelay $0x3  }
0x33: {  	p0 =	seq.s32 s10, $0x1;
	s10 =	sld [smem:$0x3FB6];
	_ =	sdelay $0x3  }
0x34: {  	[smem:$0x3FB6] =	sst s10  }
0x35: {  	s10 =	sld [smem:$0x3FB5];
	_ =	sdelay $0x3  }
0x36: {  	p1 =	seq.s32 s10, $0x1;
	s10 =	sld [smem:$0x3FB6];
	_ =	sdelay $0x3  }
0x37: {  	[smem:$0x3FB6] =	sst s10  }
0x38: {  	s10 =	sld [smem:$0x3FB7]  }
0x39: {  	_ = 	snop;
	(pc) =	sbr.ind lr, $3  }
0x3a: {  	_ = 	snop  }
0x3b: {  	_ = 	snop  }
0x3c: {  	p2 =	seq.s32 s10, $0x1;
	s10 =	sld [smem:$0x3FB6]  }
0x3d: {  	_ =	shalt  }
0x3e: {  	_ =	shalt  }
0x3f: {  	_ =	shalt  }
0x40: {  	_ =	shalt  }
0x41: {  	_ =	shalt  }
0x42: {  	_ =	shalt  }
0x43: {  	_ =	shalt  }
0x44: {  	_ =	shalt  }
0x45: {  	_ =	shalt  }
0x46: {  	_ =	shalt  }
0x47: {  	_ =	shalt  }
0x48: {  	_ =	shalt  }
0x49: {  	_ =	shalt  }
0x4a: {  	_ =	shalt  }
0x4b: {  	_ =	shalt  }
0x4c: {  	_ =	shalt  }
0x4d: {  	_ =	shalt  }
0x4e: {  	_ =	shalt  }
0x4f: {  	_ =	shalt  }
0x50: {  	_ =	shalt  }
0x51: {  	_ =	shalt  }
0x52: {  	_ =	shalt  }
0x53: {  	_ =	shalt  }
0x54: {  	_ =	shalt  }
0x55: {  	_ =	shalt  }
0x56: {  	_ =	shalt  }
0x57: {  	_ =	shalt  }
0x58: {  	_ =	shalt  }
0x59: {  	_ =	shalt  }
0x5a: {  	_ =	shalt  }
0x5b: {  	_ =	shalt  }
0x5c: {  	_ =	shalt  }
0x5d: {  	_ =	shalt  }
0x5e: {  	_ =	shalt  }
0x5f: {  	_ =	shalt  }
0x60: {  	_ =	shalt  }
0x61: {  	_ =	shalt  }
0x62: {  	_ =	shalt  }
0x63: {  	_ =	shalt  }
0x64: {  	_ =	shalt  }
0x65: {  	_ =	shalt  }
0x66: {  	_ =	shalt  }
0x67: {  	_ =	shalt  }
0x68: {  	_ =	shalt  }
0x69: {  	_ =	shalt  }
0x6a: {  	_ =	shalt  }
0x6b: {  	_ =	shalt  }
0x6c: {  	_ =	shalt  }
0x6d: {  	_ =	shalt  }
0x6e: {  	_ =	shalt  }
0x6f: {  	_ =	shalt  }
0x70: {  	_ =	shalt  }
0x71: {  	_ =	shalt  }
0x72: {  	_ =	shalt  }
0x73: {  	_ =	shalt  }
0x74: {  	_ =	shalt  }
0x75: {  	_ =	shalt  }
0x76: {  	_ =	shalt  }
0x77: {  	_ =	shalt  }
0x78: {  	_ =	shalt  }
0x79: {  	_ =	shalt  }
0x7a: {  	_ =	shalt  }
0x7b: {  	_ =	shalt  }
0x7c: {  	_ =	shalt  }
0x7d: {  	_ =	shalt  }
0x7e: {  	_ =	shalt  }
0x7f: {  	_ =	shalt  }
0x80: {  	_ =	shalt  }
0x81: {  	_ =	shalt  }
0x82: {  	_ =	shalt  }
0x83: {  	_ =	shalt  }
0x84: {  	_ =	shalt  }
0x85: {  	_ =	shalt  }
0x86: {  	_ =	shalt  }
0x87: {  	_ =	shalt  }
.Lfunc_end0:
.L_simem_size_0:
called_computation.2_lowered:
.L_overlay_start_0:
0x88: {  	s2 =	sld [smem:$0x3FD9]  }
0x89: {  	s3 =	sld [smem:$0x3FFE];
	_ =	sdelay $0x1  }
0x8a: {  	s1 =	srdreg.scid  }
0x8b: {  	s0 =	sand.u32 $0x1, s1  }
0x8c: {  	s14 =	sshll.u32 s0, $0xA;
	s2 =	sadd.s32 s3, s2  }
0x8d: {  	s2 =	sadd.s32 s2, s14  }
0x8e: {  	[smem:$0x3FC2] =	sst s2  }
0x8f: {  	_ = 	snop  }
0x90: {  	s2 =	sld [smem:$0x3FD0];
	_ =	sdelay $0x2  }
0x91: {  	s15 =	simm.s32 $0xA;
	s4 =	simm.s32 $0x10  }
0x92: {  	[smem:s4], [sflag:s15] =	dma.local [hbm:s2], $0x1  }
0x93: {  	_ =	swait.eq [sflag:s15], $0x1  }
0x94: {  	[sflag:s15] =	ssyncset.done $0x0  }
0x95: {  	s16 =	sld [smem:$0x10];
	[sflag:s15] =	ssyncadd.s32 $0xFFFFFFFF  }
0x96: {  	s17 =	sld [smem:$0x12];
	(tm) =	ssettm $0x1  }
0x97: {  	s18 =	sld [smem:$0x3FFB];
	_ =	sdelay $0x3  }
0x98: {  	_ =	strace s18  }
0x99: {  	s4 =	sld [smem:$0x3FFC];
	_ =	sdelay $0x3  }
0x9a: {  	_ =	strace s4  }
0x9b: {  	s4 =	sld [smem:$0x3FFD];
	_ =	sdelay $0x3  }
0x9c: {  	_ =	strace s4  }
0x9d: {  	_ =	strace $0x8FFFFFFF  }
0x9e: {  	s19 =	sld [smem:$0x3FDB];
	_ =	sdelay $0x1  }
0x9f: {  	s5 =	simm.s32 $_scs_section_size  }
0xa0: {  	s6 =	simm.s32 $_size__tile_overlayer_lowered;
	s7 =	simm.s32 $_tile_overlayer_lowered  }
0xa1: {  	s22 =	simm.s32 $0x1BFF;
	s21 =	sshll.u32 s7, $0x1;
	s4 =	sadd.s32 s5, s19  }
0xa2: {  	s8 =	simm.s32 $0x0;
	s20 =	sshll.u32 s6, $0x1;
	s6 =	sadd.s32 s21, s4  }
0xa3: {  	[timem:s8], [sflag:s22] =	dma.local [hbm:s6], s20  }
0xa4: {  	_ =	swait.ge [sflag:s22], s20  }
0xa5: {  	s5 =	ssub.s32 $0x0, s20;
	[sflag:s22] =	ssyncset.done $0x0  }
0xa6: {  	[sflag:s22] =	ssyncadd.s32 s5;
	_ =	sdelay $0x1  }
0xa7: {  	s23 =	simm.s32 $0x1B8B  }
0xa8: {  	_ =	swait.ge [sflag:s23], $0x1  }
0xa9: {  	[sflag:s23] =	ssyncset.done $0x0  }
0xaa: {  	s25 =	simm.s32 $0x1B8E;
	s24 =	sld [smem:$0x3FFE];
	[sflag:s23] =	ssyncadd.s32 $0xFFFFFFFF  }
0xab: {  	s26 =	simm.s32 $execute0_lowered;
	[smem:$0x3FD2] =	sst s25  }
0xac: {  	s6 =	sshll.u32 s26, $0x1;
	_ =	strace $0x8000004C;
	[dreg:$0x1] =	wrdreg $0xFFFFFFFF  }
0xad: {  	s28 =	simm.s32 $_size_execute0_lowered;
	s4 =	sadd.s32 s4, s6;
	[dreg:$0x0] =	wrdreg $0x0  }
0xae: {  	s6 =	sshll.u32 s28, $0x1;
	[dreg:$0x2] =	wrdreg s4  }
0xaf: {  	[dreg:$0x3] =	wrdreg s6  }
0xb0: {  	[dreg:$0x4] =	wrdreg $0xC0  }
0xb1: {  	_ =	task [dreg:s8], $0x5FFFF  }
0xb2: {  	[dreg:$0x1] =	wrdreg $0xFFFFFFFF  }
0xb3: {  	[dreg:$0x0] =	wrdreg $0x60  }
0xb4: {  	[dreg:$0x2] =	wrdreg s24  }
0xb5: {  	[dreg:$0x3] =	wrdreg s17  }
0xb6: {  	[dreg:$0x4] =	wrdreg s16  }
0xb7: {  	[dreg:$0x5] =	wrdreg $0xC6200  }
0xb8: {  	[dreg:$0x6] =	wrdreg $0x9  }
0xb9: {  	_ =	task.clear_ibuf [dreg:s8], $0x7FFFF;
	_ =	strace $0x9000004C  }
0xba: {  	s29 =	simm.s32 $0x9;
	_ =	strace $0x8000004E  }
0xbb: {  	_ =	swait.ge [sflag:s29], $0x1  }
0xbc: {  	[sflag:s29] =	ssyncadd.s32 $0xFFFFFFFF  }
0xbd: {  	_ =	strace $0x9000004E  }
0xbe: {  	_ =	sfence  }
0xbf: {  	s30 =	sld [smem:$0x0];
	_ =	sdelay $0x2  }
0xc0: {  	s31 =	sshll.u32 s1, $0xD;
	s1 =	sshrl.u32 s1, $0x2  }
0xc1: {  	s3 =	sand.u32 $0x4000, s31;
	s1 =	sadd.s32 s1, s30  }
0xc2: {  	s0 =	sor.u32 s3, s0;
	s1 =	sshll.u32 s1, $0x11  }
0xc3: {  	s0 =	sor.u32 s1, s0  }
0xc4: {  	s0 =	sadd.s32 $0x8F2B, s0  }
0xc5: {  	[sflag:s0] =	ssyncadd.remote.s32 $0x1  }
0xc6: {  	_ =	sfence.sel $0xFFFF  }
0xc7: {  	[dreg:$0x0] =	wrdreg $0xFFFFFFFF;
	(pc) =	sbr.abs _section_cstart, $3  }
0xc8: {  	[dreg:$0x1] =	wrdreg $0xFFFFFFFF  }
0xc9: {  	_ =	task.clear_ibuf [dreg:s8], $0x2FFFF;
	_ =	strace $0x9FFFFFFF  }
0xca: {  	(tm) =	ssettm $0x7FFFFFFF  }
0xcb: {  	_ =	shalt  }
tec
execute0_lowered:
.L_overlay_start_1:
0x0: {  	(tag) =	ssettag $0x1  }
0x1: {  	s5 =	rddreg [dreg:$0x0]  }
0x2: {  	s6 =	rddreg [dreg:$0x1]  }
0x3: {  	s0 =	rddreg [dreg:$0x2];
	s1 =	srdreg.scid  }
0x4: {  	s2 =	rddreg [dreg:$0x3];
	s8 =	stileid.u32;
	s3 =	simm.s32 $0x0  }
0x5: {  	s12 =	simm.s32 $0x4E20;
	s13 =	simm.s32 $0x6220;
	s14 =	simm.s32 $0xA0  }
0x6: {  	s15 =	simm.s32 $0x7620;
	s16 =	simm.s32 $0xF0;
	s17 =	simm.s32 $0x8A20  }
0x7: {  	s18 =	simm.s32 $0x7;
	s19 =	simm.s32 $0x8;
	s20 =	simm.s32 $0x9  }
0x8: {  	s21 =	simm.s32 $0xA;
	s22 =	simm.s32 $0xB;
	s23 =	simm.s32 $0xC  }
0x9: {  	s7 =	sand.u32 $0x1, s1;
	s1 =	rddreg [dreg:$0x4];
	s9 =	smul.u32 $0x2710, s8  }
0xa: {  	s24 =	simm.s32 $0x0;
	[smem:$0x7FF] =	sst s3;
	s4 =	smul.u32 $0x27100, s7  }
0xb: {  	p0 =	sne.s32 s8, $0x0;
	s10 =	smul.u32 $0x13880, s7;
	s7 =	ssub.s32 $0x2, s7  }
.Ltmp0:
0xc: {  	_ =	strace $0x8000004D;
	s11 =	sshrl.u32 s7, $0x1;
	(pc) =	sbr.rel .LBB2_1-.Ltmp0, $4  }
0xd: {  	s9 =	sadd.s32 s9, s4;
	s4 =	sadd.s32 $0x5E800, s5;
	s10 =	sadd.s32 s10, s5  }
0xe: {  	s31 =	ssub.s32 s7, s11;
	s11 =	simm.s32 $0x50;
	s9 =	sshrl.u32 s9, $0x3  }
0xf: {  	s7 =	sadd.s32 $0x72200, s10;
	s8 =	smax.u32 s31, $0x1;
	s5 =	sadd.s32 s6, s9  }
0x10: {  	s10 =	simm.s32 $0xD;
	s9 =	sshrl.u32 @!p0 s2, $0x3;
	s6 =	sadd.s32 $0x9C40, s5  }
.LBB2_6:
0x11: {  	_ =	swait.ge [sflag:s18], $0x1400  }
0x12: {  	[sflag:s18] =	ssyncset.done $0x0  }
0x13: {  	[sflag:s18] =	ssyncadd.s32 $0xFFFFEC00  }
0x14: {  	_ =	swait.ge [sflag:s19], $0x1400  }
0x15: {  	[sflag:s19] =	ssyncset.done $0x0  }
0x16: {  	[sflag:s19] =	ssyncadd.s32 $0xFFFFEC00  }
0x17: {  	_ =	swait.ge [sflag:s20], $0x1400  }
0x18: {  	[sflag:s20] =	ssyncset.done $0x0  }
0x19: {  	[sflag:s20] =	ssyncadd.s32 $0xFFFFEC00  }
0x1a: {  	_ =	swait.ge [sflag:s21], $0x1400  }
0x1b: {  	[sflag:s21] =	ssyncset.done $0x0  }
0x1c: {  	[sflag:s21] =	ssyncadd.s32 $0xFFFFEC00  }
0x1d: {  	_ =	swait.ge [sflag:s22], $0x1400  }
0x1e: {  	[sflag:s22] =	ssyncset.done $0x0  }
0x1f: {  	[sflag:s22] =	ssyncadd.s32 $0xFFFFEC00  }
0x20: {  	_ =	swait.ge [sflag:s23], $0x1400  }
0x21: {  	[sflag:s23] =	ssyncset.done $0x0  }
0x22: {  	s24 =	sadd.s32 $0x1, s24;
	[sflag:s23] =	ssyncadd.s32 $0xFFFFEC00  }
0x23: {  	s25 =	simm.s32 @!p0 $0x1C0D;
	p1 =	sne.s32 s24, s8;
	[bflag:$0x0] =	sbarrier.arrive $0xFFFF  }
0x24: {  	[hbm:s7], [sflag:s25] =	dma.local @!p0 [spmem:s9], $0x13880  }
.Ltmp1:
0x25: {  	_ = 	snop;
	(pc) =	sbr.rel @!p1 .LBB2_7-.Ltmp1, $4  }
0x26: {  	s25 =	simm.s32 @!p0 $0xD  }
0x27: {  	_ =	swait.ge @!p0 [sflag:s25], $0x13880  }
0x28: {  	[sflag:s25] =	ssyncset.done @!p0 $0x0  }
0x29: {  	[sflag:s25] =	ssyncadd.s32 @!p0 $0xFFFEC780  }
.LBB2_1:
0x2a: {  	s25 =	simm.s32 @!p0 $0x1C0D  }
0x2b: {  	[spmem:s9], [sflag:s25] =	dma.local @!p0 [hbm:s0], $0x13880  }
0x2c: {  	s25 =	simm.s32 @!p0 $0xD  }
0x2d: {  	_ =	swait.ge @!p0 [sflag:s25], $0x13880  }
0x2e: {  	[sflag:s25] =	ssyncset.done @!p0 $0x0  }
0x2f: {  	[sflag:s25] =	ssyncadd.s32 @!p0 $0xFFFEC780  }
0x30: {  	[tilespmem:s3], [sflag:$0xD] =	stream.linear.gather [hbm4b:s5+s3], $0x2710, $0x38;
	[tilespmem:$0x16260] =	vst v63  }
0x31: {  	_ =	swait.ge [sflag:s10], $0x2710  }
0x32: {  	[sflag:s10] =	ssyncset.done $0x0  }
0x33: {  	s25 =	simm.s32 $0x2710;
	[sflag:s10] =	ssyncadd.s32 $0xFFFFD8F0  }
0x34: {  	[tilespmem:s25], [sflag:$0xD] =	stream.linear.gather [hbm4b:s6+s3], $0x2710, $0x38;
	[tilespmem:$0x16260] =	vst v63  }
0x35: {  	_ =	swait.ge [sflag:s10], $0x2710  }
0x36: {  	[sflag:s10] =	ssyncset.done $0x0  }
0x37: {  	[sflag:s10] =	ssyncadd.s32 $0xFFFFD8F0  }
0x38: {  	[bflag:$0x0] =	sbarrier.arrive $0xFFFF  }
0x39: {  	[tilespmem:s12], [sflag:$0x1] =	stream.indirect.gather [hbm4b:s4+s11], $0x40, s3, s11, $0xb8;
	[tilespmem:$0x16260] =	vst v63  }
0x3a: {  	_ = 	snop  }
0x3b: {  	[tilespmem:s13], [sflag:$0x2] =	stream.indirect.gather [hbm4b:s4+s11], $0x40, s11, s11, $0xb8;
	[tilespmem:$0x16260] =	vst v63  }
.Ltmp2:
0x3c: {  	_ = 	snop;
	(pc) =	sbr.rel .LBB2_2-.Ltmp2, $4  }
0x3d: {  	_ = 	snop  }
0x3e: {  	[tilespmem:s15], [sflag:$0x3] =	stream.indirect.gather [hbm4b:s4+s11], $0x40, s14, s11, $0xb8;
	[tilespmem:$0x16260] =	vst v63  }
0x3f: {  	s26 =	simm.s32 $0x140;
	s28 =	simm.s32 $0x0  }
0x40: {  	[tilespmem:s17], [sflag:$0x4] =	stream.indirect.gather [hbm4b:s4+s11], $0x40, s16, s11, $0xb8;
	[tilespmem:$0x16260] =	vst v63  }
.LBB2_4:
0x41: {  	p1 =	seq.s32 s29, $0x3  }
0x42: {  	p2 =	sgt.u32 @p1 s28, $0x78  }
0x43: {  	p2 =	por p2, !p1  }
0x44: {  	s30 =	simm.s32 @!p2 $0x8  }
0x45: {  	_ =	swait.ge @!p2 [sflag:s30], $0x1400  }
0x46: {  	[sflag:s30] =	ssyncset.done @!p2 $0x0  }
0x47: {  	s31 =	simm.s32 @!p2 $0x6220;
	[sflag:s30] =	ssyncadd.s32 @!p2 $0xFFFFEC00;
	s30 =	simm.s32 @!p2 $0x50  }
0x48: {  	[tilespmem:s31], [sflag:$0x2] =	stream.indirect.gather @!p2 [hbm4b:s4+s30], $0x40, s26, s30, $0xb8;
	[tilespmem:$0x16260] =	vst v63  }
0x49: {  	s30 =	simm.s32 @p1 $0x4;
	p2 =	seq.s32 @!p1 s29, $0x4  }
0x4a: {  	_ =	swait.ge @p1 [sflag:s30], $0x1400;
	p3 =	por !p2, p1  }
0x4b: {  	s31 =	simm.s32 @p1 $0x8A20;
	[sflag:s30] =	ssyncset.done @p1 $0x0;
	p4 =	sgt.u32 @!p3 s28, $0x78  }
0x4c: {  	[sflag:s30] =	ssyncadd.s32 @p1 $0xFFFFEC00;
	s30 =	simm.s32 @p1 $0x50;
	p4 =	por @!p1 p4, !p2  }
0x4d: {  	[spmem:s2] =	stream.indirect.scatter.add.f32 @p1 [tilespmem:s31], [sflag:$0xA], $0x40, s25, s30, $0xb8;
	[tilespmem:$0x16260] =	vst v63  }
0x4e: {  	p4 =	por p4, p1  }
0x4f: {  	s29 =	simm.s32 @!p4 $0x9  }
0x50: {  	_ =	swait.ge @!p4 [sflag:s29], $0x1400  }
0x51: {  	[sflag:s29] =	ssyncset.done @!p4 $0x0  }
0x52: {  	s30 =	simm.s32 @!p4 $0x7620;
	[sflag:s29] =	ssyncadd.s32 @!p4 $0xFFFFEC00;
	s29 =	simm.s32 @!p4 $0x50  }
0x53: {  	[tilespmem:s30], [sflag:$0x3] =	stream.indirect.gather @!p4 [hbm4b:s4+s29], $0x40, s26, s29, $0xb8;
	[tilespmem:$0x16260] =	vst v63  }
0x54: {  	s29 =	simm.s32 @!p3 $0x5  }
0x55: {  	_ =	swait.ge @!p3 [sflag:s29], $0x1400  }
0x56: {  	[sflag:s29] =	ssyncset.done @!p3 $0x0  }
0x57: {  	s30 =	simm.s32 @!p3 $0x9E20;
	[sflag:s29] =	ssyncadd.s32 @!p3 $0xFFFFEC00;
	s29 =	simm.s32 @!p3 $0x50  }
0x58: {  	[spmem:s2] =	stream.indirect.scatter.add.f32 @!p3 [tilespmem:s30], [sflag:$0xB], $0x40, s25, s29, $0xb8;
	[tilespmem:$0x16260] =	vst v63  }
0x59: {  	p3 =	por p2, p1  }
0x5a: {  	p4 =	sgt.u32 @!p3 s28, $0x78  }
0x5b: {  	p2 =	por @!p1 p4, p2  }
0x5c: {  	p1 =	por p2, p1  }
0x5d: {  	s29 =	simm.s32 @!p1 $0xA  }
0x5e: {  	_ =	swait.ge @!p1 [sflag:s29], $0x1400  }
0x5f: {  	[sflag:s29] =	ssyncset.done @!p1 $0x0  }
0x60: {  	s30 =	simm.s32 @!p1 $0x8A20;
	[sflag:s29] =	ssyncadd.s32 @!p1 $0xFFFFEC00;
	s29 =	simm.s32 @!p1 $0x50  }
0x61: {  	[tilespmem:s30], [sflag:$0x4] =	stream.indirect.gather @!p1 [hbm4b:s4+s29], $0x40, s26, s29, $0xb8;
	[tilespmem:$0x16260] =	vst v63  }
0x62: {  	s29 =	simm.s32 @!p3 $0x6  }
0x63: {  	_ =	swait.ge @!p3 [sflag:s29], $0x1400  }
0x64: {  	[sflag:s29] =	ssyncset.done @!p3 $0x0  }
0x65: {  	s30 =	simm.s32 @!p3 $0xB220;
	[sflag:s29] =	ssyncadd.s32 @!p3 $0xFFFFEC00;
	s29 =	simm.s32 @!p3 $0x50  }
0x66: {  	[spmem:s2] =	stream.indirect.scatter.add.f32 @!p3 [tilespmem:s30], [sflag:$0xC], $0x40, s25, s29, $0xb8;
	[tilespmem:$0x16260] =	vst v63  }
.LBB2_5:
0x67: {  	s28 =	sadd.s32 $0x1, s28  }
0x68: {  	p1 =	sne.s32 s28, $0x7D  }
.Ltmp3:
0x69: {  	_ = 	snop;
	(pc) =	sbr.rel @!p1 .LBB2_6-.Ltmp3, $2  }
0x6a: {  	_ =	sdelay $0x2  }
0x6b: {  	s25 =	sadd.s32 $0x50, s25;
	s26 =	sadd.s32 $0x50, s26  }
.LBB2_2:
0x6c: {  	s29 =	smul.u32 $0xAB, s28;
	_ =	sdelay $0x1  }
0x6d: {  	s29 =	sshrl.u32 s29, $0xA  }
0x6e: {  	s29 =	sand.u32 $0x3F, s29  }
0x6f: {  	s29 =	smul.u32 $0x6, s29;
	_ =	sdelay $0x1  }
0x70: {  	s29 =	ssub.s32 s28, s29  }
0x71: {  	s29 =	sand.u32 $0xFF, s29  }
0x72: {  	p1 =	sgt.s32 s29, $0x2  }
.Ltmp4:
0x73: {  	_ = 	snop;
	(pc) =	sbr.rel @p1 .LBB2_4-.Ltmp4, $1  }
0x74: {  	_ =	sdelay $0x3  }
0x75: {  	p1 =	seq.s32 s29, $0x0  }
0x76: {  	p2 =	sgt.u32 @p1 s28, $0x78  }
0x77: {  	p3 =	por p2, !p1  }
0x78: {  	p4 =	slt.u32 @!p3 s28, $0x2  }
0x79: {  	p2 =	por @p1 p4, p2  }
0x7a: {  	p2 =	por p2, !p1  }
0x7b: {  	s30 =	simm.s32 @!p2 $0xB  }
0x7c: {  	_ =	swait.ge @!p2 [sflag:s30], $0x1400  }
0x7d: {  	s31 =	simm.s32 @!p3 $0x9E20;
	[sflag:s30] =	ssyncset.done @!p2 $0x0  }
0x7e: {  	[sflag:s30] =	ssyncadd.s32 @!p2 $0xFFFFEC00;
	s30 =	simm.s32 @!p3 $0x50;
	p2 =	seq.s32 @!p1 s29, $0x1  }
0x7f: {  	[tilespmem:s31], [sflag:$0x5] =	stream.indirect.gather @!p3 [hbm4b:s4+s30], $0x40, s26, s30, $0xb8;
	[tilespmem:$0x16260] =	vst v63  }
0x80: {  	s30 =	simm.s32 @p1 $0x1;
	p3 =	por !p2, p1  }
0x81: {  	_ =	swait.ge @p1 [sflag:s30], $0x1400;
	p4 =	sgt.u32 @!p3 s28, $0x78  }
0x82: {  	s31 =	simm.s32 @p1 $0x4E20;
	[sflag:s30] =	ssyncset.done @p1 $0x0;
	p5 =	por @!p1 p4, !p2  }
0x83: {  	[sflag:s30] =	ssyncadd.s32 @p1 $0xFFFFEC00;
	s30 =	simm.s32 @p1 $0x50;
	p5 =	por p5, p1  }
0x84: {  	[spmem:s2] =	stream.indirect.scatter.add.f32 @p1 [tilespmem:s31], [sflag:$0x7], $0x40, s25, s30, $0xb8;
	[tilespmem:$0x16260] =	vst v63  }
0x85: {  	p6 =	slt.u32 @!p5 s28, $0x2  }
0x86: {  	p4 =	por @!p3 p6, p4  }
0x87: {  	p4 =	por @!p1 p4, !p2  }
0x88: {  	p4 =	por p4, p1  }
0x89: {  	s29 =	simm.s32 @!p4 $0xC  }
0x8a: {  	_ =	swait.ge @!p4 [sflag:s29], $0x1400  }
0x8b: {  	[sflag:s29] =	ssyncset.done @!p4 $0x0  }
0x8c: {  	s30 =	simm.s32 @!p5 $0xB220;
	[sflag:s29] =	ssyncadd.s32 @!p4 $0xFFFFEC00;
	s29 =	simm.s32 @!p5 $0x50  }
0x8d: {  	[tilespmem:s30], [sflag:$0x6] =	stream.indirect.gather @!p5 [hbm4b:s4+s29], $0x40, s26, s29, $0xb8;
	[tilespmem:$0x16260] =	vst v63  }
0x8e: {  	s29 =	simm.s32 @!p3 $0x2  }
0x8f: {  	_ =	swait.ge @!p3 [sflag:s29], $0x1400  }
0x90: {  	[sflag:s29] =	ssyncset.done @!p3 $0x0  }
0x91: {  	s30 =	simm.s32 @!p3 $0x6220;
	[sflag:s29] =	ssyncadd.s32 @!p3 $0xFFFFEC00;
	s29 =	simm.s32 @!p3 $0x50  }
0x92: {  	[spmem:s2] =	stream.indirect.scatter.add.f32 @!p3 [tilespmem:s30], [sflag:$0x8], $0x40, s25, s29, $0xb8;
	[tilespmem:$0x16260] =	vst v63  }
0x93: {  	p3 =	por p2, p1  }
0x94: {  	p4 =	sgt.u32 @!p3 s28, $0x78  }
0x95: {  	p2 =	por @!p1 p4, p2  }
0x96: {  	p1 =	por p2, p1  }
0x97: {  	s29 =	simm.s32 @!p1 $0x7  }
0x98: {  	_ =	swait.ge @!p1 [sflag:s29], $0x1400  }
0x99: {  	[sflag:s29] =	ssyncset.done @!p1 $0x0  }
0x9a: {  	s30 =	simm.s32 @!p1 $0x4E20;
	[sflag:s29] =	ssyncadd.s32 @!p1 $0xFFFFEC00;
	s29 =	simm.s32 @!p1 $0x50  }
0x9b: {  	[tilespmem:s30], [sflag:$0x1] =	stream.indirect.gather @!p1 [hbm4b:s4+s29], $0x40, s26, s29, $0xb8;
	[tilespmem:$0x16260] =	vst v63  }
.Ltmp5:
0x9c: {  	s29 =	simm.s32 @!p3 $0x3;
	(pc) =	sbr.rel .LBB2_5-.Ltmp5, $4  }
0x9d: {  	_ =	swait.ge @!p3 [sflag:s29], $0x1400  }
0x9e: {  	[sflag:s29] =	ssyncset.done @!p3 $0x0  }
0x9f: {  	s30 =	simm.s32 @!p3 $0x7620;
	[sflag:s29] =	ssyncadd.s32 @!p3 $0xFFFFEC00;
	s29 =	simm.s32 @!p3 $0x50  }
0xa0: {  	[spmem:s2] =	stream.indirect.scatter.add.f32 @!p3 [tilespmem:s30], [sflag:$0x9], $0x40, s25, s29, $0xb8;
	[tilespmem:$0x16260] =	vst v63  }
.LBB2_7:
0xa1: {  	_ =	sfence.sel $0x180000  }
0xa2: {  	[bflag:$0x0] =	sbarrier.arrive $0xFFFF  }
0xa3: {  	_ =	strace $0x9000004D  }
0xa4: {  	s0 =	sadd.s32 @!p0 $0x100000, s1;
	[bflag:$0x2] =	sbarrier.arrive $0xFFFF  }
0xa5: {  	[sflag:s0] =	ssyncadd.tile.s32 @!p0 $0x1;
	_ =	shalt  }
.Lfunc_end2:
_tile_overlayer_lowered:
.L_overlay_start_2:
0xa6: {  	(tag) =	ssettag $0x2  }
0xa7: {  	s0 =	rddreg [dreg:$0x0];
	s2 =	stileid.u32  }
0xa8: {  	s1 =	rddreg [dreg:$0x1];
	p0 =	sne.s32 s2, $0x0  }
0xa9: {  	s3 =	rddreg [dreg:$0x2];
	[bflag:$0x3] =	sbarrier.arrive $0xFFFF;
	s2 =	simm.s32 @!p0 $0x1C0D  }
0xaa: {  	[timem:s3], [sflag:s2] =	dma.local @!p0 [hbm:s0], s1  }
0xab: {  	s0 =	simm.s32 @!p0 $0xD  }
0xac: {  	_ =	swait.ge @!p0 [sflag:s0], s1  }
0xad: {  	s1 =	ssub.s32 @!p0 $0x0, s1;
	[sflag:s0] =	ssyncset.done @!p0 $0x0  }
0xae: {  	[sflag:s0] =	ssyncadd.s32 @!p0 s1  }
0xaf: {  	[bflag:$0x3] =	sbarrier.arrive $0xFFFF  }
0xb0: {  	_ =	shalt  }

// kernel: kernel.9.cloned.1.call-start
scs
__scs_entry_jumppad:
0x0: {  	(pc) =	sbr.rel $0x88, $3  }
0x1: {  	(tag) =	ssettag $0x0;
	lr =	simm.s32 $0x1  }
0x2: {  	[smem:$0x3F9B] =	sst lr;
	_ =	strace $0xD0000000  }
0x3: {  	_ = 	snop  }
0x4: {  	_ = 	snop  }
0x5: {  	_ = 	snop  }
0x6: {  	_ = 	snop  }
0x7: {  	_ = 	snop  }
__scs_overlays_trampoline_lowered:
0x8: {  	[smem:$0x3FAA] =	sst s0  }
0x9: {  	[smem:$0x3FAB] =	sst s1  }
0xa: {  	[smem:$0x3FAC] =	sst s2  }
0xb: {  	[smem:$0x3FAD] =	sst s3  }
0xc: {  	[smem:$0x3FAE] =	sst s4  }
0xd: {  	[smem:$0x3FAF] =	sst s5  }
0xe: {  	[smem:$0x3FB0] =	sst s6  }
0xf: {  	[smem:$0x3FB1] =	sst s7  }
0x10: {  	[smem:$0x3FB2] =	sst s8  }
0x11: {  	[smem:$0x3FB3] =	sst s9;
	s0 =	simm.s32 @!p0 $0x0  }
0x12: {  	s1 =	sld [smem:$0x3F99];
	s0 =	simm.s32 @p0 $0x1  }
0x13: {  	[smem:$0x3FB4] =	sst s0;
	s0 =	simm.s32 @!p1 $0x0  }
0x14: {  	s2 =	sld [smem:$0x3F98];
	s0 =	simm.s32 @p1 $0x1  }
0x15: {  	[smem:$0x3FB5] =	sst s0;
	s0 =	simm.s32 @!p2 $0x0  }
0x16: {  	s3 =	sld [smem:$0x3FDB];
	s0 =	simm.s32 @p2 $0x1  }
0x17: {  	s4 =	simm.s32 $0x1BF5;
	[smem:$0x3FB7] =	sst s0  }
0x18: {  	s0 =	sld [smem:$0x3F9A];
	_ =	swait.ge [sflag:s4], $0x0  }
0x19: {  	s7 =	sld [smem:$0x3F9B]  }
0x1a: {  	s8 =	sadd.s32 $0xFFFFE003, lr  }
0x1b: {  	s9 =	sadd.s32 $0xFFFFFEF7, lr;
	s5 =	simm.s32 $0xFFFFFFFF;
	p2 =	slt.u32 s8, $0xFFFFF086  }
0x1c: {  	p1 =	slt.u32 s9, $0xF7A;
	s5 =	simm.s32 @!p2 $0x0  }
0x1d: {  	s5 =	simm.s32 @p1 $0x1;
	p0 =	seq.s32 s7, s2  }
0x1e: {  	s7 =	smul.u32 @!p0 $0xF7A, s2;
	p2 =	seq.s32 @!p0 s5, $0x0  }
0x1f: {  	s9 =	smul.u32 $0xF7A, s1;
	s8 =	simm.s32 @!p0 $0x1BF5;
	p2 =	por !p2, p0  }
0x20: {  	[sflag:s8] =	ssyncset.s32 @!p0 $0xFFFFF086;
	s6 =	sadd.s32 @!p0 s3, s7;
	s7 =	simm.s32 @!p0 $0x108  }
0x21: {  	s3 =	sadd.s32 s3, s9;
	s6 =	sadd.s32 @!p0 $0x88, s6;
	s7 =	simm.s32 @p2 $0x1082  }
0x22: {  	[simem:s7], [sflag:s8] =	dma.local @!p0 [hbm:s6], $0xF7A  }
0x23: {  	s9 =	sor.u32 $0xD0000000, s2;
	s6 =	simm.s32 $0x108;
	_ =	swait.ge @!p0 [sflag:s8], $0x0  }
0x24: {  	s3 =	sadd.s32 $0x88, s3;
	s6 =	simm.s32 @!p1 $0x1082;
	[sflag:s4] =	ssyncset.s32 $0xFFFFF086  }
0x25: {  	[simem:s6], [sflag:s4] =	dma.local [hbm:s3], $0xF7A  }
0x26: {  	[smem:$0x3F9B] =	sst s1;
	(tag) =	ssettag s2;
	_ =	strace s9  }
0x27: {  	s1 =	sld [smem:$0x3FAB]  }
0x28: {  	s2 =	sld [smem:$0x3FAC]  }
0x29: {  	s4 =	sld [smem:$0x3FAE]  }
0x2a: {  	p0 =	seq.s32 s5, $0x0;
	s5 =	sld [smem:$0x3FAF]  }
0x2b: {  	s6 =	sld [smem:$0x3FB0]  }
0x2c: {  	s7 =	sld [smem:$0x3FB1]  }
0x2d: {  	s3 =	simm.s32 $0x108;
	s8 =	sld [smem:$0x3FB2]  }
0x2e: {  	s3 =	simm.s32 @!p0 $0x1082;
	s9 =	sld [smem:$0x3FB3]  }
0x2f: {  	lr =	sadd.s32 s0, s3;
	s0 =	sld [smem:$0x3FAA]  }
0x30: {  	s3 =	sld [smem:$0x3FAD]  }
0x31: {  	[smem:$0x3FB6] =	sst s10  }
0x32: {  	s10 =	sld [smem:$0x3FB4];
	_ =	sdelay $0x3  }
0x33: {  	p0 =	seq.s32 s10, $0x1;
	s10 =	sld [smem:$0x3FB6];
	_ =	sdelay $0x3  }
0x34: {  	[smem:$0x3FB6] =	sst s10  }
0x35: {  	s10 =	sld [smem:$0x3FB5];
	_ =	sdelay $0x3  }
0x36: {  	p1 =	seq.s32 s10, $0x1;
	s10 =	sld [smem:$0x3FB6];
	_ =	sdelay $0x3  }
0x37: {  	[smem:$0x3FB6] =	sst s10  }
0x38: {  	s10 =	sld [smem:$0x3FB7]  }
0x39: {  	_ = 	snop;
	(pc) =	sbr.ind lr, $3  }
0x3a: {  	_ = 	snop  }
0x3b: {  	_ = 	snop  }
0x3c: {  	p2 =	seq.s32 s10, $0x1;
	s10 =	sld [smem:$0x3FB6]  }
0x3d: {  	_ =	shalt  }
0x3e: {  	_ =	shalt  }
0x3f: {  	_ =	shalt  }
0x40: {  	_ =	shalt  }
0x41: {  	_ =	shalt  }
0x42: {  	_ =	shalt  }
0x43: {  	_ =	shalt  }
0x44: {  	_ =	shalt  }
0x45: {  	_ =	shalt  }
0x46: {  	_ =	shalt  }
0x47: {  	_ =	shalt  }
0x48: {  	_ =	shalt  }
0x49: {  	_ =	shalt  }
0x4a: {  	_ =	shalt  }
0x4b: {  	_ =	shalt  }
0x4c: {  	_ =	shalt  }
0x4d: {  	_ =	shalt  }
0x4e: {  	_ =	shalt  }
0x4f: {  	_ =	shalt  }
0x50: {  	_ =	shalt  }
0x51: {  	_ =	shalt  }
0x52: {  	_ =	shalt  }
0x53: {  	_ =	shalt  }
0x54: {  	_ =	shalt  }
0x55: {  	_ =	shalt  }
0x56: {  	_ =	shalt  }
0x57: {  	_ =	shalt  }
0x58: {  	_ =	shalt  }
0x59: {  	_ =	shalt  }
0x5a: {  	_ =	shalt  }
0x5b: {  	_ =	shalt  }
0x5c: {  	_ =	shalt  }
0x5d: {  	_ =	shalt  }
0x5e: {  	_ =	shalt  }
0x5f: {  	_ =	shalt  }
0x60: {  	_ =	shalt  }
0x61: {  	_ =	shalt  }
0x62: {  	_ =	shalt  }
0x63: {  	_ =	shalt  }
0x64: {  	_ =	shalt  }
0x65: {  	_ =	shalt  }
0x66: {  	_ =	shalt  }
0x67: {  	_ =	shalt  }
0x68: {  	_ =	shalt  }
0x69: {  	_ =	shalt  }
0x6a: {  	_ =	shalt  }
0x6b: {  	_ =	shalt  }
0x6c: {  	_ =	shalt  }
0x6d: {  	_ =	shalt  }
0x6e: {  	_ =	shalt  }
0x6f: {  	_ =	shalt  }
0x70: {  	_ =	shalt  }
0x71: {  	_ =	shalt  }
0x72: {  	_ =	shalt  }
0x73: {  	_ =	shalt  }
0x74: {  	_ =	shalt  }
0x75: {  	_ =	shalt  }
0x76: {  	_ =	shalt  }
0x77: {  	_ =	shalt  }
0x78: {  	_ =	shalt  }
0x79: {  	_ =	shalt  }
0x7a: {  	_ =	shalt  }
0x7b: {  	_ =	shalt  }
0x7c: {  	_ =	shalt  }
0x7d: {  	_ =	shalt  }
0x7e: {  	_ =	shalt  }
0x7f: {  	_ =	shalt  }
0x80: {  	_ =	shalt  }
0x81: {  	_ =	shalt  }
0x82: {  	_ =	shalt  }
0x83: {  	_ =	shalt  }
0x84: {  	_ =	shalt  }
0x85: {  	_ =	shalt  }
0x86: {  	_ =	shalt  }
0x87: {  	_ =	shalt  }
.Lfunc_end0:
.L_simem_size_0:
called_computation_lowered:
.L_overlay_start_0:
0x88: {  	s2 =	sld [smem:$0x3FD9]  }
0x89: {  	s3 =	sld [smem:$0x3FFE];
	_ =	sdelay $0x1  }
0x8a: {  	s1 =	srdreg.scid  }
0x8b: {  	s0 =	sand.u32 $0x1, s1  }
0x8c: {  	s14 =	sshll.u32 s0, $0xA;
	s2 =	sadd.s32 s3, s2  }
0x8d: {  	s2 =	sadd.s32 s2, s14  }
0x8e: {  	[smem:$0x3FC2] =	sst s2  }
0x8f: {  	_ = 	snop  }
0x90: {  	s2 =	sld [smem:$0x3FD0];
	_ =	sdelay $0x2  }
0x91: {  	s15 =	simm.s32 $0xA;
	s4 =	simm.s32 $0x10  }
0x92: {  	[smem:s4], [sflag:s15] =	dma.local [hbm:s2], $0x1  }
0x93: {  	_ =	swait.eq [sflag:s15], $0x1  }
0x94: {  	s16 =	sld [smem:$0x10];
	[sflag:s15] =	ssyncset.done $0x0  }
0x95: {  	s17 =	sld [smem:$0x11];
	[sflag:s15] =	ssyncadd.s32 $0xFFFFFFFF  }
0x96: {  	s18 =	sld [smem:$0x12];
	(tm) =	ssettm $0x1  }
0x97: {  	s5 =	sld [smem:$0x3FFB];
	_ =	sdelay $0x3  }
0x98: {  	_ =	strace s5  }
0x99: {  	s5 =	sld [smem:$0x3FFC];
	_ =	sdelay $0x3  }
0x9a: {  	_ =	strace s5  }
0x9b: {  	s5 =	sld [smem:$0x3FFD];
	_ =	sdelay $0x3  }
0x9c: {  	_ =	strace s5  }
0x9d: {  	_ =	strace $0x8FFFFFFF  }
0x9e: {  	s19 =	sld [smem:$0x3FDB];
	_ =	sdelay $0x1  }
0x9f: {  	s6 =	simm.s32 $_scs_section_size  }
0xa0: {  	s7 =	simm.s32 $_size__tile_overlayer_lowered;
	s8 =	simm.s32 $_tile_overlayer_lowered  }
0xa1: {  	s22 =	simm.s32 $0x1BFF;
	s21 =	sshll.u32 s8, $0x1;
	s5 =	sadd.s32 s6, s19  }
0xa2: {  	s9 =	simm.s32 $0x0;
	s20 =	sshll.u32 s7, $0x1;
	s7 =	sadd.s32 s21, s5  }
0xa3: {  	[timem:s9], [sflag:s22] =	dma.local [hbm:s7], s20  }
0xa4: {  	_ =	swait.ge [sflag:s22], s20  }
0xa5: {  	s6 =	ssub.s32 $0x0, s20;
	[sflag:s22] =	ssyncset.done $0x0  }
0xa6: {  	[sflag:s22] =	ssyncadd.s32 s6;
	_ =	sdelay $0x1  }
0xa7: {  	s23 =	simm.s32 $0x1B8B  }
0xa8: {  	_ =	swait.ge [sflag:s23], $0x1  }
0xa9: {  	[sflag:s23] =	ssyncset.done $0x0  }
0xaa: {  	s25 =	simm.s32 $0x1B8E;
	s24 =	sld [smem:$0x3FFE];
	[sflag:s23] =	ssyncadd.s32 $0xFFFFFFFF  }
0xab: {  	s26 =	simm.s32 $execute0_lowered;
	[smem:$0x3FD2] =	sst s25  }
0xac: {  	s7 =	sshll.u32 s26, $0x1;
	_ =	strace $0x80000046;
	[dreg:$0x1] =	wrdreg $0xFFFFFFFF  }
0xad: {  	s28 =	simm.s32 $_size_execute0_lowered;
	s5 =	sadd.s32 s5, s7;
	[dreg:$0x0] =	wrdreg $0x0  }
0xae: {  	s7 =	sshll.u32 s28, $0x1;
	[dreg:$0x2] =	wrdreg s5  }
0xaf: {  	[dreg:$0x3] =	wrdreg s7  }
0xb0: {  	[dreg:$0x4] =	wrdreg $0xC0  }
0xb1: {  	_ =	task [dreg:s9], $0x5FFFF  }
0xb2: {  	[dreg:$0x1] =	wrdreg $0xFFFFFFFF  }
0xb3: {  	[dreg:$0x0] =	wrdreg $0x60  }
0xb4: {  	[dreg:$0x2] =	wrdreg s18  }
0xb5: {  	[dreg:$0x3] =	wrdreg s17  }
0xb6: {  	[dreg:$0x4] =	wrdreg s24  }
0xb7: {  	[dreg:$0x5] =	wrdreg s16  }
0xb8: {  	[dreg:$0x6] =	wrdreg $0x2C100  }
0xb9: {  	[dreg:$0x7] =	wrdreg $0x9  }
0xba: {  	_ =	task.clear_ibuf [dreg:s9], $0x8FFFF;
	_ =	strace $0x90000046  }
0xbb: {  	s29 =	simm.s32 $0x9;
	_ =	strace $0x80000048  }
0xbc: {  	_ =	swait.ge [sflag:s29], $0x1  }
0xbd: {  	[sflag:s29] =	ssyncadd.s32 $0xFFFFFFFF  }
0xbe: {  	_ =	strace $0x90000048  }
0xbf: {  	_ =	sfence  }
0xc0: {  	s30 =	sld [smem:$0x0];
	_ =	sdelay $0x2  }
0xc1: {  	s31 =	sshll.u32 s1, $0xD;
	s1 =	sshrl.u32 s1, $0x2  }
0xc2: {  	s3 =	sand.u32 $0x4000, s31;
	s1 =	sadd.s32 s1, s30  }
0xc3: {  	s0 =	sor.u32 s3, s0;
	s1 =	sshll.u32 s1, $0x11  }
0xc4: {  	s0 =	sor.u32 s1, s0  }
0xc5: {  	s0 =	sadd.s32 $0x8F2B, s0  }
0xc6: {  	[sflag:s0] =	ssyncadd.remote.s32 $0x1  }
0xc7: {  	_ =	sfence.sel $0xFFFF  }
0xc8: {  	[dreg:$0x0] =	wrdreg $0xFFFFFFFF;
	(pc) =	sbr.abs _section_cstart, $3  }
0xc9: {  	[dreg:$0x1] =	wrdreg $0xFFFFFFFF  }
0xca: {  	_ =	task.clear_ibuf [dreg:s9], $0x2FFFF;
	_ =	strace $0x9FFFFFFF  }
0xcb: {  	(tm) =	ssettm $0x7FFFFFFF  }
tec
execute0_lowered:
.L_overlay_start_1:
0x0: {  	(tag) =	ssettag $0x1  }
0x1: {  	s5 =	rddreg [dreg:$0x0]  }
0x2: {  	s0 =	rddreg [dreg:$0x1]  }
0x3: {  	s4 =	rddreg [dreg:$0x2]  }
0x4: {  	s1 =	srdreg.scid;
	s6 =	rddreg [dreg:$0x3]  }
0x5: {  	s8 =	stileid.u32;
	s2 =	rddreg [dreg:$0x4];
	s3 =	simm.s32 $0x0  }
0x6: {  	s12 =	simm.s32 $0x1;
	s7 =	sand.u32 $0x1, s1;
	s1 =	rddreg [dreg:$0x5]  }
0x7: {  	s13 =	simm.s32 $0x0;
	s10 =	smul.u32 $0x2710, s8;
	[smem:$0x7FF] =	sst s3  }
0x8: {  	s4 =	sadd.s32 $0x1800, s4;
	s9 =	smul.u32 $0x27100, s7;
	s7 =	ssub.s32 $0x2, s7  }
0x9: {  	p0 =	sne.s32 s8, $0x0;
	_ =	strace $0x80000047;
	s11 =	sshrl.u32 s7, $0x1  }
0xa: {  	s8 =	sshrl.u32 @!p0 s2, $0x3;
	s10 =	sadd.s32 s9, s10;
	s7 =	ssub.s32 s7, s11  }
0xb: {  	s9 =	sshrl.u32 s9, $0x3;
	s11 =	simm.s32 $0x50;
	s10 =	sshrl.u32 s10, $0x3  }
0xc: {  	s6 =	sadd.s32 s6, s9;
	s7 =	smax.u32 s7, $0x1;
	s5 =	sadd.s32 s5, s10  }
0xd: {  	s9 =	simm.s32 $0x2;
	s10 =	simm.s32 $0x2710;
	s5 =	sadd.s32 $0x9C40, s5  }
.LBB2_1:
0xe: {  	s14 =	simm.s32 @!p0 $0x1C02  }
0xf: {  	[spmem:s8], [sflag:s14] =	dma.local @!p0 [hbm:s4], $0x4E20  }
0x10: {  	s14 =	simm.s32 @!p0 $0x2  }
0x11: {  	_ =	swait.ge @!p0 [sflag:s14], $0x4E20  }
0x12: {  	[sflag:s14] =	ssyncset.done @!p0 $0x0  }
0x13: {  	[sflag:s14] =	ssyncadd.s32 @!p0 $0xFFFFB1E0  }
0x14: {  	[tilespmem:s3], [sflag:$0x2] =	stream.linear.gather [hbm4b:s5+s3], $0x2710, $0x38;
	[tilespmem:$0x5320] =	vst v63  }
0x15: {  	_ =	swait.ge [sflag:s9], $0x2710  }
0x16: {  	[sflag:s9] =	ssyncset.done $0x0  }
0x17: {  	[sflag:s9] =	ssyncadd.s32 $0xFFFFD8F0  }
0x18: {  	[tilespmem:s10], [sflag:$0x2] =	stream.linear.gather [hbm4b:s0+s3], $0x500, $0x38;
	[tilespmem:$0x5320] =	vst v63  }
0x19: {  	_ =	swait.ge [sflag:s9], $0x500  }
0x1a: {  	[sflag:s9] =	ssyncset.done $0x0  }
0x1b: {  	p1 =	por $0x1, $0x1;
	[sflag:s9] =	ssyncadd.s32 $0xFFFFFB00  }
0x1c: {  	s16 =	simm.s32 @!p1 $0x1;
	[bflag:$0x0] =	sbarrier.arrive $0xFFFF  }
0x1d: {  	[spmem:s2] =	stream.indirect.scatter.add.f32 [tilespmem:s10], [sflag:$0x1], $0x10, s3, s11, $0xb8;
	[tilespmem:$0x5320] =	vst v63  }
0x1e: {  	_ =	swait.ge @!p1 [sflag:s16], $0x500  }
0x1f: {  	s15 =	simm.s32 $0x0;
	s14 =	simm.s32 $0x1;
	[sflag:s16] =	ssyncset.done @!p1 $0x0  }
.LBB2_2:
0x20: {  	[sflag:s16] =	ssyncadd.s32 @!p1 $0xFFFFFB00  }
0x21: {  	s15 =	sadd.s32 $0x50, s15;
	s16 =	smov.u32 s14;
	s14 =	sadd.s32 $0x1, s14  }
0x22: {  	p2 =	sne.s32 s14, $0x7D  }
0x23: {  	[spmem:s2] =	stream.indirect.scatter.add.f32 [tilespmem:s10], [sflag:$0x1], $0x10, s15, s11, $0xb8;
	[tilespmem:$0x5320] =	vst v63  }
.Ltmp0:
0x24: {  	_ = 	snop;
	(pc) =	sbr.rel @p2 .LBB2_2-.Ltmp0, $4  }
0x25: {  	p1 =	slt.u32 s16, $0xC  }
0x26: {  	s16 =	simm.s32 @!p1 $0x1  }
0x27: {  	_ =	swait.ge @!p1 [sflag:s16], $0x500  }
0x28: {  	[sflag:s16] =	ssyncset.done @!p1 $0x0  }
0x29: {  	[sflag:s16] =	ssyncadd.s32 @!p1 $0xFFFFFB00  }
0x2a: {  	_ =	swait.ge [sflag:s12], $0x500  }
0x2b: {  	[sflag:s12] =	ssyncset.done $0x0  }
0x2c: {  	[sflag:s12] =	ssyncadd.s32 $0xFFFFFB00  }
0x2d: {  	_ =	swait.ge [sflag:s12], $0x500  }
0x2e: {  	[sflag:s12] =	ssyncset.done $0x0  }
0x2f: {  	[sflag:s12] =	ssyncadd.s32 $0xFFFFFB00  }
0x30: {  	_ =	swait.ge [sflag:s12], $0x500  }
0x31: {  	[sflag:s12] =	ssyncset.done $0x0  }
0x32: {  	[sflag:s12] =	ssyncadd.s32 $0xFFFFFB00  }
0x33: {  	_ =	swait.ge [sflag:s12], $0x500  }
0x34: {  	[sflag:s12] =	ssyncset.done $0x0  }
0x35: {  	[sflag:s12] =	ssyncadd.s32 $0xFFFFFB00  }
0x36: {  	_ =	swait.ge [sflag:s12], $0x500  }
0x37: {  	[sflag:s12] =	ssyncset.done $0x0  }
0x38: {  	[sflag:s12] =	ssyncadd.s32 $0xFFFFFB00  }
0x39: {  	_ =	swait.ge [sflag:s12], $0x500  }
0x3a: {  	[sflag:s12] =	ssyncset.done $0x0  }
0x3b: {  	[sflag:s12] =	ssyncadd.s32 $0xFFFFFB00  }
0x3c: {  	_ =	swait.ge [sflag:s12], $0x500  }
0x3d: {  	[sflag:s12] =	ssyncset.done $0x0  }
0x3e: {  	[sflag:s12] =	ssyncadd.s32 $0xFFFFFB00  }
0x3f: {  	_ =	swait.ge [sflag:s12], $0x500  }
0x40: {  	[sflag:s12] =	ssyncset.done $0x0  }
0x41: {  	[sflag:s12] =	ssyncadd.s32 $0xFFFFFB00  }
0x42: {  	_ =	swait.ge [sflag:s12], $0x500  }
0x43: {  	[sflag:s12] =	ssyncset.done $0x0  }
0x44: {  	[sflag:s12] =	ssyncadd.s32 $0xFFFFFB00  }
0x45: {  	_ =	swait.ge [sflag:s12], $0x500  }
0x46: {  	[sflag:s12] =	ssyncset.done $0x0  }
0x47: {  	[sflag:s12] =	ssyncadd.s32 $0xFFFFFB00  }
0x48: {  	_ =	swait.ge [sflag:s12], $0x500  }
0x49: {  	[sflag:s12] =	ssyncset.done $0x0  }
0x4a: {  	[sflag:s12] =	ssyncadd.s32 $0xFFFFFB00  }
0x4b: {  	_ =	swait.ge [sflag:s12], $0x500  }
0x4c: {  	[sflag:s12] =	ssyncset.done $0x0  }
0x4d: {  	s13 =	sadd.s32 $0x1, s13;
	[sflag:s12] =	ssyncadd.s32 $0xFFFFFB00  }
0x4e: {  	s14 =	simm.s32 @!p0 $0x1C02;
	p1 =	sne.s32 s13, s7;
	[bflag:$0x0] =	sbarrier.arrive $0xFFFF  }
0x4f: {  	[hbm:s6], [sflag:s14] =	dma.local @!p0 [spmem:s8], $0x4E20  }
.Ltmp1:
0x50: {  	_ = 	snop;
	(pc) =	sbr.rel @p1 .LBB2_1-.Ltmp1, $4  }
0x51: {  	s14 =	simm.s32 @!p0 $0x2  }
0x52: {  	_ =	swait.ge @!p0 [sflag:s14], $0x4E20  }
0x53: {  	[sflag:s14] =	ssyncset.done @!p0 $0x0  }
0x54: {  	[sflag:s14] =	ssyncadd.s32 @!p0 $0xFFFFB1E0  }
0x55: {  	_ =	sfence.sel $0x180000  }
0x56: {  	[bflag:$0x0] =	sbarrier.arrive $0xFFFF  }
0x57: {  	_ =	strace $0x90000047  }
0x58: {  	s0 =	sadd.s32 @!p0 $0x100000, s1;
	[bflag:$0x2] =	sbarrier.arrive $0xFFFF  }
0x59: {  	[sflag:s0] =	ssyncadd.tile.s32 @!p0 $0x1;
	_ =	shalt  }
.Lfunc_end2:
_tile_overlayer_lowered:
.L_overlay_start_2:
0x5a: {  	(tag) =	ssettag $0x2  }
0x5b: {  	s0 =	rddreg [dreg:$0x0];
	s2 =	stileid.u32  }
0x5c: {  	s1 =	rddreg [dreg:$0x1];
	p0 =	sne.s32 s2, $0x0  }
0x5d: {  	s3 =	rddreg [dreg:$0x2];
	[bflag:$0x3] =	sbarrier.arrive $0xFFFF;
	s2 =	simm.s32 @!p0 $0x1C02  }
0x5e: {  	[timem:s3], [sflag:s2] =	dma.local @!p0 [hbm:s0], s1  }
0x5f: {  	s0 =	simm.s32 @!p0 $0x2  }
0x60: {  	_ =	swait.ge @!p0 [sflag:s0], s1  }
0x61: {  	s1 =	ssub.s32 @!p0 $0x0, s1;
	[sflag:s0] =	ssyncset.done @!p0 $0x0  }
0x62: {  	[sflag:s0] =	ssyncadd.s32 @!p0 s1  }
0x63: {  	[bflag:$0x3] =	sbarrier.arrive $0xFFFF  }
0x64: {  	_ =	shalt  }

</sc_bundles>
